<compile_context>
chip_gen: v7x
topology: tpu7x:2x2x1
jax: 0.10.2.dev20260603
libtpu: 0.0.44.dev20260713+nightly
codegen_flags: <defaults>
</compile_context>

<pallas_src>
import functools

import jax
import jax.numpy as jnp
from jax import lax
from jax.experimental import pallas as pl
from jax.experimental.pallas import tpu as pltpu
from jax.experimental.pallas import tpu_sc as plsc

VOCAB = 1000000
EMBED_DIM = 32
BATCH = 16384

NUM_CORES = 2
NUM_SUBCORES = 16
B_PER_S = BATCH // NUM_SUBCORES
DIMS_PER_CORE = EMBED_DIM // NUM_CORES
HALF = B_PER_S // 2
VMAIN = 983040
VTAIL = VOCAB - VMAIN
CHUNK = 128
N_CHUNKS = HALF // CHUNK
LANES = 16
N_VREG = HALF // LANES


def _glove_dot_sc(table3d, target_idx, context_idx):
  mesh = plsc.VectorSubcoreMesh(core_axis_name="c", subcore_axis_name="s")

  @functools.partial(
      pl.kernel,
      mesh=mesh,
      compiler_params=pltpu.CompilerParams(needs_layout_passes=False),
      out_type=jax.ShapeDtypeStruct((NUM_CORES, BATCH), jnp.float32),
      scratch_types=[
          pltpu.VMEM_SHARED((VMAIN,), jnp.float32),
          pltpu.VMEM_SHARED((VMAIN,), jnp.float32),
          pltpu.VMEM_SHARED((VTAIL,), jnp.float32),
          pltpu.VMEM_SHARED((VTAIL,), jnp.float32),
          pltpu.VMEM((2 * N_CHUNKS, CHUNK), jnp.int32),
          pltpu.VMEM((2 * N_CHUNKS, CHUNK), jnp.int32),
          pltpu.VMEM((N_CHUNKS, CHUNK), jnp.int32),
          pltpu.VMEM((N_CHUNKS, CHUNK), jnp.int32),
          pltpu.VMEM((HALF,), jnp.float32),
          pltpu.VMEM((HALF,), jnp.float32),
          pltpu.VMEM((B_PER_S,), jnp.float32),
          pltpu.SemaphoreType.DMA,
          pltpu.SemaphoreType.DMA,
      ],
  )
  def k(t3_hbm, tidx_hbm, cidx_hbm, out_hbm,
        main0, main1, tail0, tail1, tidx_v, cidx_v, tcl_v, ccl_v,
        tval_v, cval_v, acc_v, sem_s, sem_g):
    mains = (main0, main1)
    tails = (tail0, tail1)
    core = lax.axis_index("c")
    sub = lax.axis_index("s")

    def zero_acc(v8, carry):
      acc_v[pl.ds(v8 * LANES, LANES)] = jnp.zeros((LANES,), jnp.float32)
      return carry
    lax.fori_loop(0, B_PER_S // LANES, zero_acc, 0)

    pltpu.sync_copy(tidx_hbm.at[pl.ds(sub * 2 * N_CHUNKS, 2 * N_CHUNKS)],
                    tidx_v)
    pltpu.sync_copy(cidx_hbm.at[pl.ds(sub * 2 * N_CHUNKS, 2 * N_CHUNKS)],
                    cidx_v)

    VSLICE = VMAIN // NUM_SUBCORES

    def stream_copies(d, parity):
      gg = 2 * core + lax.shift_right_logical(d, 3)
      ss = d & 7
      return (
          pltpu.make_async_copy(
              t3_hbm.at[gg, ss, pl.ds(sub * VSLICE + 0, VSLICE)],
              mains[parity].at[pl.ds(sub * VSLICE + 0, VSLICE)], sem_s),
          pltpu.make_async_copy(
              t3_hbm.at[gg, ss, pl.ds(VMAIN, VTAIL)], tails[parity], sem_s),
      )

    def fire(d, parity):
      cps = stream_copies(d, parity)
      cps[0].start()

      @pl.when(sub == 0)
      def _():
        cps[1].start()

    def drain(d, parity):
      cps = stream_copies(d, parity)
      cps[0].wait()

      @pl.when(sub == 0)
      def _():
        cps[1].wait()

    def process_dim(d, parity):
      main = mains[parity]
      tail = tails[parity]
      drain(d, parity)
      plsc.subcore_barrier()
      for h in range(2):
        def clamp_main(v8, carry):
          ch = lax.shift_right_logical(v8, 3)
          sl = pl.ds((v8 & 7) * LANES, LANES)
          tcl_v[ch, sl] = jnp.minimum(tidx_v[h * N_CHUNKS + ch, sl],
                                      VMAIN - 1)
          ccl_v[ch, sl] = jnp.minimum(cidx_v[h * N_CHUNKS + ch, sl],
                                      VMAIN - 1)
          return carry
        lax.fori_loop(0, HALF // LANES, clamp_main, 0)
        gathers = []
        for ch in range(N_CHUNKS):
          gathers.append(pltpu.async_copy(
              main.at[tcl_v.at[ch]],
              tval_v.at[pl.ds(ch * CHUNK, CHUNK)], sem_g))
          gathers.append(pltpu.async_copy(
              main.at[ccl_v.at[ch]],
              cval_v.at[pl.ds(ch * CHUNK, CHUNK)], sem_g))
        for cp in gathers:
          cp.wait()

        def clamp_tail(v8, carry):
          ch = lax.shift_right_logical(v8, 3)
          sl = pl.ds((v8 & 7) * LANES, LANES)
          ti = tidx_v[h * N_CHUNKS + ch, sl]
          ci = cidx_v[h * N_CHUNKS + ch, sl]
          tcl_v[ch, sl] = jnp.where(ti >= VMAIN, ti - VMAIN, -1)
          ccl_v[ch, sl] = jnp.where(ci >= VMAIN, ci - VMAIN, -1)
          return carry
        lax.fori_loop(0, HALF // LANES, clamp_tail, 0)
        tgat = []
        for ch in range(N_CHUNKS):
          tgat.append(pltpu.async_copy(
              tail.at[plsc.Indices(tcl_v.at[ch], ignored_value=-1)],
              tval_v.at[pl.ds(ch * CHUNK, CHUNK)], sem_g))
          tgat.append(pltpu.async_copy(
              tail.at[plsc.Indices(ccl_v.at[ch], ignored_value=-1)],
              cval_v.at[pl.ds(ch * CHUNK, CHUNK)], sem_g))
        for cp in tgat:
          cp.wait()

        def accum(v8, carry):
          sl = pl.ds(v8 * LANES, LANES)
          asl = pl.ds(h * HALF + v8 * LANES, LANES)
          acc_v[asl] = acc_v[asl] + tval_v[sl] * cval_v[sl]
          return carry
        lax.fori_loop(0, N_VREG, accum, 0)

      plsc.subcore_barrier()

    n_pairs = DIMS_PER_CORE // 2
    fire(jnp.int32(0), 0)
    fire(jnp.int32(1), 1)

    def pair_body(p, carry):
      process_dim(2 * p, 0)

      @pl.when(p + 1 < n_pairs)
      def _():
        fire(2 * p + 2, 0)

      process_dim(2 * p + 1, 1)

      @pl.when(p + 1 < n_pairs)
      def _():
        fire(2 * p + 3, 1)

      return carry

    lax.fori_loop(0, n_pairs, pair_body, 0)

    pltpu.sync_copy(acc_v, out_hbm.at[core, pl.ds(sub * B_PER_S, B_PER_S)])

  tidx2d = target_idx.reshape(BATCH // CHUNK, CHUNK)
  cidx2d = context_idx.reshape(BATCH // CHUNK, CHUNK)
  return k(table3d, tidx2d, cidx2d)


def kernel(target, context, table):
  t = target.astype(jnp.int32)
  c = context.astype(jnp.int32)
  table3d = table.T.reshape(4, 8, VOCAB)
  parts = _glove_dot_sc(table3d, t, c)
  return (parts[0] + parts[1]).reshape(BATCH, 1)

# --- scband reference (transcript-rebuilt; emitter-appended) ---
"""Pipeline reference for scband-glove-model-n-55972013802139 (READ-ONLY COPY).

The authoritative reference and input builder live on the scoring server;
editing this copy changes nothing except your own understanding.
"""

import jax, jax.numpy as jnp
import numpy as np

VOCAB = 1000000
EMBED_DIM = 32
BATCH = 16384

def setup_inputs(seed: int = 0) -> dict:
    key = jax.random.key(seed)
    k1, k2, k3 = jax.random.split(key, 3)
    target = jax.random.randint(k1, (BATCH,), 0, VOCAB, dtype=jnp.int64) if jax.config.jax_enable_x64 else jax.random.randint(k1, (BATCH,), 0, VOCAB).astype(jnp.int32)
    context = jax.random.randint(k2, (BATCH,), 0, VOCAB).astype(target.dtype)
    table = jax.random.normal(k3, (VOCAB, EMBED_DIM), dtype=jnp.float32) * 0.02
    return {"target": target, "context": context, "table": table}

def reference(target, context, table):
    # GloVe-style: embed both target and context with the SAME embedding table,
    # then Dot along the embedding axis (keras Dot -> [B, 1]).
    te = jnp.take(table, target, axis=0)   # [B, D]
    ce = jnp.take(table, context, axis=0)  # [B, D]
    dot = jnp.sum(ce * te, axis=-1, keepdims=True)  # [B, 1]
    return dot

if __name__ == "__main__":
    import jax
    _d = setup_inputs()
    print(jax.jit(kernel)(*tuple(_d.values())))

</pallas_src>

<mosaic_0001>
#map = affine_map<(d0, d1) -> (0, 0, 0)>
#map1 = affine_map<(d0, d1) -> (0, 0)>
module attributes {stable_mosaic.version = 14 : i64} {
  func.func @k(%arg0: i32, %arg1: i32, %arg2: memref<4x8x1000000xf32, #tpu.memory_space<hbm>>, %arg3: memref<128x128xi32, #tpu.memory_space<hbm>>, %arg4: memref<128x128xi32, #tpu.memory_space<hbm>>, %arg5: memref<2x16384xf32, #tpu.memory_space<hbm>>, %arg6: memref<983040xf32, #tpu.memory_space<vmem_shared>>, %arg7: memref<983040xf32, #tpu.memory_space<vmem_shared>>, %arg8: memref<16960xf32, #tpu.memory_space<vmem_shared>>, %arg9: memref<16960xf32, #tpu.memory_space<vmem_shared>>, %arg10: memref<8x128xi32, #tpu.memory_space<vmem>>, %arg11: memref<8x128xi32, #tpu.memory_space<vmem>>, %arg12: memref<4x128xi32, #tpu.memory_space<vmem>>, %arg13: memref<4x128xi32, #tpu.memory_space<vmem>>, %arg14: memref<512xf32, #tpu.memory_space<vmem>>, %arg15: memref<512xf32, #tpu.memory_space<vmem>>, %arg16: memref<1024xf32, #tpu.memory_space<vmem>>, %arg17: memref<!tpu.dma_semaphore, #tpu.memory_space<semaphore_mem>>, %arg18: memref<!tpu.dma_semaphore, #tpu.memory_space<semaphore_mem>>) attributes {dimension_semantics = [#tpu.dimension_semantics<core_parallel>, #tpu.dimension_semantics<subcore_parallel>], iteration_bounds = array<i64: 2, 16>, scalar_prefetch = 0 : i64, scratch_operands = 13 : i64, tpu.core_type = #tpu.core_type<sc_vector_subcore>, window_params = [{transform_indices = #map}, {transform_indices = #map1}, {transform_indices = #map1}, {transform_indices = #map1}]} {
    %scan3A = arith.constant 0 : i32
    %scan3A_0 = arith.constant 0 : i32
    %scan3A_1 = arith.constant 64 : i32
    %scan3A_2 = arith.addi %scan3A_0, %scan3A_1 : i32
    %scan3A_3 = arith.constant 1 : i32
    scf.for %scan3A_63 = %scan3A_0 to %scan3A_2 step %scan3A_3  : i32 {
      %broadcast_in_dim3A = arith.constant 0.000000e+00 : f32
      %broadcast_in_dim3A_64 = vector.broadcast %broadcast_in_dim3A : f32 to vector<16xf32>
      %mul3A_65 = arith.constant 16 : i32
      %mul3A_66 = arith.muli %scan3A_63, %mul3A_65 : i32
      %swap3A = arith.index_cast %mul3A_66 : i32 to index
      %swap3A_67 = tpu.vector_load %arg16[%swap3A] {strides = array<i32>} : memref<1024xf32, #tpu.memory_space<vmem>>, vector<16xf32>,
      tpu.vector_store %arg16[%swap3A], %broadcast_in_dim3A_64 {strides = array<i32>} : memref<1024xf32, #tpu.memory_space<vmem>>, vector<16xf32>,
    }
    %scan3A_4 = arith.constant 64 : i32
    %mul3A = arith.constant 2 : i32
    %mul3A_5 = arith.muli %arg1, %mul3A : i32
    %mul3A_6 = arith.constant 4 : i32
    %mul3A_7 = arith.muli %mul3A_5, %mul3A_6 : i32
    "tpu.region"() ({
      %run_scoped3A = tpu.sem_alloc : memref<!tpu.dma_semaphore, #tpu.memory_space<semaphore_mem>>
      %dma_start3A_63 = arith.constant 0 : i32
      %dma_start3A_64 = tpu.memref_slice %arg3[%mul3A_7, %dma_start3A_63] : memref<128x128xi32, #tpu.memory_space<hbm>> -> memref<8x128xi32, #tpu.memory_space<hbm>>
      %dma_start3A_65 = arith.constant 0 : i32
      %dma_start3A_66 = tpu.memref_slice %arg3[%mul3A_7, %dma_start3A_65] : memref<128x128xi32, #tpu.memory_space<hbm>> -> memref<8x128xi32, #tpu.memory_space<hbm>>
      tpu.enqueue_dma source(%dma_start3A_66 : memref<8x128xi32, #tpu.memory_space<hbm>>) target(%arg10 : memref<8x128xi32, #tpu.memory_space<vmem>>) target_semaphore(%run_scoped3A : memref<!tpu.dma_semaphore, #tpu.memory_space<semaphore_mem>>)
      %dma_wait3A = arith.constant 0 : i32
      %dma_wait3A_67 = tpu.memref_slice %arg3[%mul3A_7, %dma_wait3A] : memref<128x128xi32, #tpu.memory_space<hbm>> -> memref<8x128xi32, #tpu.memory_space<hbm>>
      %dma_wait3A_68 = arith.constant 0 : i32
      %dma_wait3A_69 = tpu.memref_slice %arg3[%mul3A_7, %dma_wait3A_68] : memref<128x128xi32, #tpu.memory_space<hbm>> -> memref<8x128xi32, #tpu.memory_space<hbm>>
      tpu.wait_dma2 semaphore(%run_scoped3A : memref<!tpu.dma_semaphore, #tpu.memory_space<semaphore_mem>>) src(%dma_wait3A_69 : memref<8x128xi32, #tpu.memory_space<hbm>>) dst(%arg10 : memref<8x128xi32, #tpu.memory_space<vmem>>)
      tpu.yield
    }) : () -> ()
    %mul3A_8 = arith.constant 2 : i32
    %mul3A_9 = arith.muli %arg1, %mul3A_8 : i32
    %mul3A_10 = arith.constant 4 : i32
    %mul3A_11 = arith.muli %mul3A_9, %mul3A_10 : i32
    "tpu.region"() ({
      %run_scoped3A = tpu.sem_alloc : memref<!tpu.dma_semaphore, #tpu.memory_space<semaphore_mem>>
      %dma_start3A_63 = arith.constant 0 : i32
      %dma_start3A_64 = tpu.memref_slice %arg4[%mul3A_11, %dma_start3A_63] : memref<128x128xi32, #tpu.memory_space<hbm>> -> memref<8x128xi32, #tpu.memory_space<hbm>>
      %dma_start3A_65 = arith.constant 0 : i32
      %dma_start3A_66 = tpu.memref_slice %arg4[%mul3A_11, %dma_start3A_65] : memref<128x128xi32, #tpu.memory_space<hbm>> -> memref<8x128xi32, #tpu.memory_space<hbm>>
      tpu.enqueue_dma source(%dma_start3A_66 : memref<8x128xi32, #tpu.memory_space<hbm>>) target(%arg11 : memref<8x128xi32, #tpu.memory_space<vmem>>) target_semaphore(%run_scoped3A : memref<!tpu.dma_semaphore, #tpu.memory_space<semaphore_mem>>)
      %dma_wait3A = arith.constant 0 : i32
      %dma_wait3A_67 = tpu.memref_slice %arg4[%mul3A_11, %dma_wait3A] : memref<128x128xi32, #tpu.memory_space<hbm>> -> memref<8x128xi32, #tpu.memory_space<hbm>>
      %dma_wait3A_68 = arith.constant 0 : i32
      %dma_wait3A_69 = tpu.memref_slice %arg4[%mul3A_11, %dma_wait3A_68] : memref<128x128xi32, #tpu.memory_space<hbm>> -> memref<8x128xi32, #tpu.memory_space<hbm>>
      tpu.wait_dma2 semaphore(%run_scoped3A : memref<!tpu.dma_semaphore, #tpu.memory_space<semaphore_mem>>) src(%dma_wait3A_69 : memref<8x128xi32, #tpu.memory_space<hbm>>) dst(%arg11 : memref<8x128xi32, #tpu.memory_space<vmem>>)
      tpu.yield
    }) : () -> ()
    %mul3A_12 = arith.constant 2 : i32
    %mul3A_13 = arith.muli %mul3A_12, %arg0 : i32
    %shift_right_logical3A = arith.constant 0 : i32
    %shift_right_logical3A_14 = arith.constant 3 : i32
    %shift_right_logical3A_15 = arith.shrui %shift_right_logical3A, %shift_right_logical3A_14 : i32
    %add3A = arith.addi %mul3A_13, %shift_right_logical3A_15 : i32
    %and3A = arith.constant 0 : i32
    %and3A_16 = arith.constant 7 : i32
    %and3A_17 = arith.andi %and3A, %and3A_16 : i32
    %mul3A_18 = arith.constant 61440 : i32
    %mul3A_19 = arith.muli %arg1, %mul3A_18 : i32
    %add3A_20 = arith.constant 0 : i32
    %add3A_21 = arith.addi %mul3A_19, %add3A_20 : i32
    %mul3A_22 = arith.constant 61440 : i32
    %mul3A_23 = arith.muli %arg1, %mul3A_22 : i32
    %add3A_24 = arith.constant 0 : i32
    %add3A_25 = arith.addi %mul3A_23, %add3A_24 : i32
    %dma_start3A = tpu.memref_slice %arg6[%add3A_25] : memref<983040xf32, #tpu.memory_space<vmem_shared>> -> memref<61440xf32, #tpu.memory_space<vmem_shared>>
    %dma_start3A_26 = tpu.memref_slice %arg2[%add3A, %and3A_17, %add3A_21] : memref<4x8x1000000xf32, #tpu.memory_space<hbm>> -> memref<1x1x61440xf32, #tpu.memory_space<hbm>>
    %dma_start3A_27 = tpu.memref_squeeze %dma_start3A_26 : memref<1x1x61440xf32, #tpu.memory_space<hbm>> -> memref<61440xf32, #tpu.memory_space<hbm>>
    tpu.enqueue_dma source(%dma_start3A_27 : memref<61440xf32, #tpu.memory_space<hbm>>) target(%dma_start3A : memref<61440xf32, #tpu.memory_space<vmem_shared>>) target_semaphore(%arg17 : memref<!tpu.dma_semaphore, #tpu.memory_space<semaphore_mem>>)
    %eq3A = arith.constant 0 : i32
    %eq3A_28 = arith.cmpi eq, %arg1, %eq3A : i32
    %convert_element_type3A = arith.extui %eq3A_28 : i1 to i32
    %cond3A = arith.constant 0 : i32
    %cond3A_29 = arith.cmpi ne, %convert_element_type3A, %cond3A : i32
    scf.if %cond3A_29 {
      %dma_start3A_63 = arith.constant 983040 : i32
      %dma_start3A_64 = tpu.memref_slice %arg2[%add3A, %and3A_17, %dma_start3A_63] : memref<4x8x1000000xf32, #tpu.memory_space<hbm>> -> memref<1x1x16960xf32, #tpu.memory_space<hbm>>
      %dma_start3A_65 = tpu.memref_squeeze %dma_start3A_64 : memref<1x1x16960xf32, #tpu.memory_space<hbm>> -> memref<16960xf32, #tpu.memory_space<hbm>>
      tpu.enqueue_dma source(%dma_start3A_65 : memref<16960xf32, #tpu.memory_space<hbm>>) target(%arg8 : memref<16960xf32, #tpu.memory_space<vmem_shared>>) target_semaphore(%arg17 : memref<!tpu.dma_semaphore, #tpu.memory_space<semaphore_mem>>)
    } else {
    }
    %mul3A_30 = arith.constant 2 : i32
    %mul3A_31 = arith.muli %mul3A_30, %arg0 : i32
    %shift_right_logical3A_32 = arith.constant 1 : i32
    %shift_right_logical3A_33 = arith.constant 3 : i32
    %shift_right_logical3A_34 = arith.shrui %shift_right_logical3A_32, %shift_right_logical3A_33 : i32
    %add3A_35 = arith.addi %mul3A_31, %shift_right_logical3A_34 : i32
    %and3A_36 = arith.constant 1 : i32
    %and3A_37 = arith.constant 7 : i32
    %and3A_38 = arith.andi %and3A_36, %and3A_37 : i32
    %mul3A_39 = arith.constant 61440 : i32
    %mul3A_40 = arith.muli %arg1, %mul3A_39 : i32
    %add3A_41 = arith.constant 0 : i32
    %add3A_42 = arith.addi %mul3A_40, %add3A_41 : i32
    %mul3A_43 = arith.constant 61440 : i32
    %mul3A_44 = arith.muli %arg1, %mul3A_43 : i32
    %add3A_45 = arith.constant 0 : i32
    %add3A_46 = arith.addi %mul3A_44, %add3A_45 : i32
    %dma_start3A_47 = tpu.memref_slice %arg7[%add3A_46] : memref<983040xf32, #tpu.memory_space<vmem_shared>> -> memref<61440xf32, #tpu.memory_space<vmem_shared>>
    %dma_start3A_48 = tpu.memref_slice %arg2[%add3A_35, %and3A_38, %add3A_42] : memref<4x8x1000000xf32, #tpu.memory_space<hbm>> -> memref<1x1x61440xf32, #tpu.memory_space<hbm>>
    %dma_start3A_49 = tpu.memref_squeeze %dma_start3A_48 : memref<1x1x61440xf32, #tpu.memory_space<hbm>> -> memref<61440xf32, #tpu.memory_space<hbm>>
    tpu.enqueue_dma source(%dma_start3A_49 : memref<61440xf32, #tpu.memory_space<hbm>>) target(%dma_start3A_47 : memref<61440xf32, #tpu.memory_space<vmem_shared>>) target_semaphore(%arg17 : memref<!tpu.dma_semaphore, #tpu.memory_space<semaphore_mem>>)
    %eq3A_50 = arith.constant 0 : i32
    %eq3A_51 = arith.cmpi eq, %arg1, %eq3A_50 : i32
    %convert_element_type3A_52 = arith.extui %eq3A_51 : i1 to i32
    %cond3A_53 = arith.constant 0 : i32
    %cond3A_54 = arith.cmpi ne, %convert_element_type3A_52, %cond3A_53 : i32
    scf.if %cond3A_54 {
      %dma_start3A_63 = arith.constant 983040 : i32
      %dma_start3A_64 = tpu.memref_slice %arg2[%add3A_35, %and3A_38, %dma_start3A_63] : memref<4x8x1000000xf32, #tpu.memory_space<hbm>> -> memref<1x1x16960xf32, #tpu.memory_space<hbm>>
      %dma_start3A_65 = tpu.memref_squeeze %dma_start3A_64 : memref<1x1x16960xf32, #tpu.memory_space<hbm>> -> memref<16960xf32, #tpu.memory_space<hbm>>
      tpu.enqueue_dma source(%dma_start3A_65 : memref<16960xf32, #tpu.memory_space<hbm>>) target(%arg9 : memref<16960xf32, #tpu.memory_space<vmem_shared>>) target_semaphore(%arg17 : memref<!tpu.dma_semaphore, #tpu.memory_space<semaphore_mem>>)
    } else {
    }
    %scan3A_55 = arith.constant 0 : i32
    %scan3A_56 = arith.constant 0 : i32
    %scan3A_57 = arith.constant 8 : i32
    %scan3A_58 = arith.addi %scan3A_56, %scan3A_57 : i32
    %scan3A_59 = arith.constant 1 : i32
    scf.for %scan3A_63 = %scan3A_56 to %scan3A_58 step %scan3A_59  : i32 {
      %mul3A_64 = arith.constant 2 : i32
      %mul3A_65 = arith.muli %mul3A_64, %scan3A_63 : i32
      %mul3A_66 = arith.constant 2 : i32
      %mul3A_67 = arith.muli %mul3A_66, %arg0 : i32
      %shift_right_logical3A_68 = arith.constant 3 : i32
      %shift_right_logical3A_69 = arith.shrui %mul3A_65, %shift_right_logical3A_68 : i32
      %add3A_70 = arith.addi %mul3A_67, %shift_right_logical3A_69 : i32
      %and3A_71 = arith.constant 7 : i32
      %and3A_72 = arith.andi %mul3A_65, %and3A_71 : i32
      %mul3A_73 = arith.constant 61440 : i32
      %mul3A_74 = arith.muli %arg1, %mul3A_73 : i32
      %add3A_75 = arith.constant 0 : i32
      %add3A_76 = arith.addi %mul3A_74, %add3A_75 : i32
      %mul3A_77 = arith.constant 61440 : i32
      %mul3A_78 = arith.muli %arg1, %mul3A_77 : i32
      %add3A_79 = arith.constant 0 : i32
      %add3A_80 = arith.addi %mul3A_78, %add3A_79 : i32
      %dma_wait3A = tpu.memref_slice %arg6[%add3A_80] : memref<983040xf32, #tpu.memory_space<vmem_shared>> -> memref<61440xf32, #tpu.memory_space<vmem_shared>>
      %dma_wait3A_81 = tpu.memref_slice %arg2[%add3A_70, %and3A_72, %add3A_76] : memref<4x8x1000000xf32, #tpu.memory_space<hbm>> -> memref<1x1x61440xf32, #tpu.memory_space<hbm>>
      %dma_wait3A_82 = tpu.memref_squeeze %dma_wait3A_81 : memref<1x1x61440xf32, #tpu.memory_space<hbm>> -> memref<61440xf32, #tpu.memory_space<hbm>>
      tpu.wait_dma2 semaphore(%arg17 : memref<!tpu.dma_semaphore, #tpu.memory_space<semaphore_mem>>) src(%dma_wait3A_82 : memref<61440xf32, #tpu.memory_space<hbm>>) dst(%dma_wait3A : memref<61440xf32, #tpu.memory_space<vmem_shared>>)
      %eq3A_83 = arith.constant 0 : i32
      %eq3A_84 = arith.cmpi eq, %arg1, %eq3A_83 : i32
      %convert_element_type3A_85 = arith.extui %eq3A_84 : i1 to i32
      %cond3A_86 = arith.constant 0 : i32
      %cond3A_87 = arith.cmpi ne, %convert_element_type3A_85, %cond3A_86 : i32
      scf.if %cond3A_87 {
        %dma_wait3A_1259 = arith.constant 983040 : i32
        %dma_wait3A_1260 = tpu.memref_slice %arg2[%add3A_70, %and3A_72, %dma_wait3A_1259] : memref<4x8x1000000xf32, #tpu.memory_space<hbm>> -> memref<1x1x16960xf32, #tpu.memory_space<hbm>>
        %dma_wait3A_1261 = tpu.memref_squeeze %dma_wait3A_1260 : memref<1x1x16960xf32, #tpu.memory_space<hbm>> -> memref<16960xf32, #tpu.memory_space<hbm>>
        tpu.wait_dma2 semaphore(%arg17 : memref<!tpu.dma_semaphore, #tpu.memory_space<semaphore_mem>>) src(%dma_wait3A_1261 : memref<16960xf32, #tpu.memory_space<hbm>>) dst(%arg8 : memref<16960xf32, #tpu.memory_space<vmem_shared>>)
      } else {
      }
      %barrier3A = arith.constant 0 : index
      tpu.barrier barrier_id(%barrier3A)
      %scan3A_88 = arith.constant 0 : i32
      %scan3A_89 = arith.constant 0 : i32
      %scan3A_90 = arith.constant 32 : i32
      %scan3A_91 = arith.addi %scan3A_89, %scan3A_90 : i32
      %scan3A_92 = arith.constant 1 : i32
      scf.for %scan3A_1259 = %scan3A_89 to %scan3A_91 step %scan3A_92  : i32 {
        %shift_right_logical3A_1260 = arith.constant 3 : i32
        %shift_right_logical3A_1261 = arith.shrui %scan3A_1259, %shift_right_logical3A_1260 : i32
        %and3A_1262 = arith.constant 7 : i32
        %and3A_1263 = arith.andi %scan3A_1259, %and3A_1262 : i32
        %mul3A_1264 = arith.constant 16 : i32
        %mul3A_1265 = arith.muli %and3A_1263, %mul3A_1264 : i32
        %add3A_1266 = arith.constant 0 : i32
        %add3A_1267 = arith.addi %add3A_1266, %shift_right_logical3A_1261 : i32
        %get3A = arith.index_cast %add3A_1267 : i32 to index
        %get3A_1268 = arith.index_cast %mul3A_1265 : i32 to index
        %get3A_1269 = tpu.vector_load %arg10[%get3A, %get3A_1268] {strides = array<i32>} : memref<8x128xi32, #tpu.memory_space<vmem>>, vector<16xi32>,
        %min3A = arith.constant 983039 : i32
        %min3A_1270 = vector.broadcast %min3A : i32 to vector<16xi32>
        %min3A_1271 = arith.minsi %get3A_1269, %min3A_1270 : vector<16xi32>
        %swap3A = arith.index_cast %shift_right_logical3A_1261 : i32 to index
        %swap3A_1272 = arith.index_cast %mul3A_1265 : i32 to index
        %swap3A_1273 = tpu.vector_load %arg12[%swap3A, %swap3A_1272] {strides = array<i32>} : memref<4x128xi32, #tpu.memory_space<vmem>>, vector<16xi32>,
        tpu.vector_store %arg12[%swap3A, %swap3A_1272], %min3A_1271 {strides = array<i32>} : memref<4x128xi32, #tpu.memory_space<vmem>>, vector<16xi32>,
        %add3A_1274 = arith.constant 0 : i32
        %add3A_1275 = arith.addi %add3A_1274, %shift_right_logical3A_1261 : i32
        %get3A_1276 = arith.index_cast %add3A_1275 : i32 to index
        %get3A_1277 = arith.index_cast %mul3A_1265 : i32 to index
        %get3A_1278 = tpu.vector_load %arg11[%get3A_1276, %get3A_1277] {strides = array<i32>} : memref<8x128xi32, #tpu.memory_space<vmem>>, vector<16xi32>,
        %min3A_1279 = arith.constant 983039 : i32
        %min3A_1280 = vector.broadcast %min3A_1279 : i32 to vector<16xi32>
        %min3A_1281 = arith.minsi %get3A_1278, %min3A_1280 : vector<16xi32>
        %swap3A_1282 = arith.index_cast %shift_right_logical3A_1261 : i32 to index
        %swap3A_1283 = arith.index_cast %mul3A_1265 : i32 to index
        %swap3A_1284 = tpu.vector_load %arg13[%swap3A_1282, %swap3A_1283] {strides = array<i32>} : memref<4x128xi32, #tpu.memory_space<vmem>>, vector<16xi32>,
        tpu.vector_store %arg13[%swap3A_1282, %swap3A_1283], %min3A_1281 {strides = array<i32>} : memref<4x128xi32, #tpu.memory_space<vmem>>, vector<16xi32>,
      }
      %scan3A_93 = arith.constant 32 : i32
      %dma_start3A_94 = arith.constant 0 : i32
      %dma_start3A_95 = arith.constant 0 : i32
      %dma_start3A_96 = tpu.memref_slice %arg14[%dma_start3A_95] : memref<512xf32, #tpu.memory_space<vmem>> -> memref<128xf32, #tpu.memory_space<vmem>>
      %dma_start3A_97 = arith.constant 0 : i32
      %dma_start3A_98 = tpu.memref_slice %arg12[%dma_start3A_94, %dma_start3A_97] : memref<4x128xi32, #tpu.memory_space<vmem>> -> memref<1x128xi32, #tpu.memory_space<vmem>>
      %dma_start3A_99 = tpu.memref_squeeze %dma_start3A_98 : memref<1x128xi32, #tpu.memory_space<vmem>> -> memref<128xi32, #tpu.memory_space<vmem>>
      %dma_start3A_100 = arith.constant 0 : i32
      %dma_start3A_101 = tpu.memref_slice %arg6[%dma_start3A_100] : memref<983040xf32, #tpu.memory_space<vmem_shared>> -> memref<983040xf32, #tpu.memory_space<vmem_shared>>
      tpu.enqueue_indirect_dma source(%dma_start3A_101 : memref<983040xf32, #tpu.memory_space<vmem_shared>>) target(%dma_start3A_96 : memref<128xf32, #tpu.memory_space<vmem>>) offsets(%dma_start3A_99 : memref<128xi32, #tpu.memory_space<vmem>>) semaphore(%arg18 : memref<!tpu.dma_semaphore, #tpu.memory_space<semaphore_mem>>)
      %dma_start3A_102 = arith.constant 0 : i32
      %dma_start3A_103 = arith.constant 0 : i32
      %dma_start3A_104 = tpu.memref_slice %arg15[%dma_start3A_103] : memref<512xf32, #tpu.memory_space<vmem>> -> memref<128xf32, #tpu.memory_space<vmem>>
      %dma_start3A_105 = arith.constant 0 : i32
      %dma_start3A_106 = tpu.memref_slice %arg13[%dma_start3A_102, %dma_start3A_105] : memref<4x128xi32, #tpu.memory_space<vmem>> -> memref<1x128xi32, #tpu.memory_space<vmem>>
      %dma_start3A_107 = tpu.memref_squeeze %dma_start3A_106 : memref<1x128xi32, #tpu.memory_space<vmem>> -> memref<128xi32, #tpu.memory_space<vmem>>
      %dma_start3A_108 = arith.constant 0 : i32
      %dma_start3A_109 = tpu.memref_slice %arg6[%dma_start3A_108] : memref<983040xf32, #tpu.memory_space<vmem_shared>> -> memref<983040xf32, #tpu.memory_space<vmem_shared>>
      tpu.enqueue_indirect_dma source(%dma_start3A_109 : memref<983040xf32, #tpu.memory_space<vmem_shared>>) target(%dma_start3A_104 : memref<128xf32, #tpu.memory_space<vmem>>) offsets(%dma_start3A_107 : memref<128xi32, #tpu.memory_space<vmem>>) semaphore(%arg18 : memref<!tpu.dma_semaphore, #tpu.memory_space<semaphore_mem>>)
      %dma_start3A_110 = arith.constant 1 : i32
      %dma_start3A_111 = arith.constant 128 : i32
      %dma_start3A_112 = tpu.memref_slice %arg14[%dma_start3A_111] : memref<512xf32, #tpu.memory_space<vmem>> -> memref<128xf32, #tpu.memory_space<vmem>>
      %dma_start3A_113 = arith.constant 0 : i32
      %dma_start3A_114 = tpu.memref_slice %arg12[%dma_start3A_110, %dma_start3A_113] : memref<4x128xi32, #tpu.memory_space<vmem>> -> memref<1x128xi32, #tpu.memory_space<vmem>>
      %dma_start3A_115 = tpu.memref_squeeze %dma_start3A_114 : memref<1x128xi32, #tpu.memory_space<vmem>> -> memref<128xi32, #tpu.memory_space<vmem>>
      %dma_start3A_116 = arith.constant 0 : i32
      %dma_start3A_117 = tpu.memref_slice %arg6[%dma_start3A_116] : memref<983040xf32, #tpu.memory_space<vmem_shared>> -> memref<983040xf32, #tpu.memory_space<vmem_shared>>
      tpu.enqueue_indirect_dma source(%dma_start3A_117 : memref<983040xf32, #tpu.memory_space<vmem_shared>>) target(%dma_start3A_112 : memref<128xf32, #tpu.memory_space<vmem>>) offsets(%dma_start3A_115 : memref<128xi32, #tpu.memory_space<vmem>>) semaphore(%arg18 : memref<!tpu.dma_semaphore, #tpu.memory_space<semaphore_mem>>)
      %dma_start3A_118 = arith.constant 1 : i32
      %dma_start3A_119 = arith.constant 128 : i32
      %dma_start3A_120 = tpu.memref_slice %arg15[%dma_start3A_119] : memref<512xf32, #tpu.memory_space<vmem>> -> memref<128xf32, #tpu.memory_space<vmem>>
      %dma_start3A_121 = arith.constant 0 : i32
      %dma_start3A_122 = tpu.memref_slice %arg13[%dma_start3A_118, %dma_start3A_121] : memref<4x128xi32, #tpu.memory_space<vmem>> -> memref<1x128xi32, #tpu.memory_space<vmem>>
      %dma_start3A_123 = tpu.memref_squeeze %dma_start3A_122 : memref<1x128xi32, #tpu.memory_space<vmem>> -> memref<128xi32, #tpu.memory_space<vmem>>
      %dma_start3A_124 = arith.constant 0 : i32
      %dma_start3A_125 = tpu.memref_slice %arg6[%dma_start3A_124] : memref<983040xf32, #tpu.memory_space<vmem_shared>> -> memref<983040xf32, #tpu.memory_space<vmem_shared>>
      tpu.enqueue_indirect_dma source(%dma_start3A_125 : memref<983040xf32, #tpu.memory_space<vmem_shared>>) target(%dma_start3A_120 : memref<128xf32, #tpu.memory_space<vmem>>) offsets(%dma_start3A_123 : memref<128xi32, #tpu.memory_space<vmem>>) semaphore(%arg18 : memref<!tpu.dma_semaphore, #tpu.memory_space<semaphore_mem>>)
      %dma_start3A_126 = arith.constant 2 : i32
      %dma_start3A_127 = arith.constant 256 : i32
      %dma_start3A_128 = tpu.memref_slice %arg14[%dma_start3A_127] : memref<512xf32, #tpu.memory_space<vmem>> -> memref<128xf32, #tpu.memory_space<vmem>>
      %dma_start3A_129 = arith.constant 0 : i32
      %dma_start3A_130 = tpu.memref_slice %arg12[%dma_start3A_126, %dma_start3A_129] : memref<4x128xi32, #tpu.memory_space<vmem>> -> memref<1x128xi32, #tpu.memory_space<vmem>>
      %dma_start3A_131 = tpu.memref_squeeze %dma_start3A_130 : memref<1x128xi32, #tpu.memory_space<vmem>> -> memref<128xi32, #tpu.memory_space<vmem>>
      %dma_start3A_132 = arith.constant 0 : i32
      %dma_start3A_133 = tpu.memref_slice %arg6[%dma_start3A_132] : memref<983040xf32, #tpu.memory_space<vmem_shared>> -> memref<983040xf32, #tpu.memory_space<vmem_shared>>
      tpu.enqueue_indirect_dma source(%dma_start3A_133 : memref<983040xf32, #tpu.memory_space<vmem_shared>>) target(%dma_start3A_128 : memref<128xf32, #tpu.memory_space<vmem>>) offsets(%dma_start3A_131 : memref<128xi32, #tpu.memory_space<vmem>>) semaphore(%arg18 : memref<!tpu.dma_semaphore, #tpu.memory_space<semaphore_mem>>)
      %dma_start3A_134 = arith.constant 2 : i32
      %dma_start3A_135 = arith.constant 256 : i32
      %dma_start3A_136 = tpu.memref_slice %arg15[%dma_start3A_135] : memref<512xf32, #tpu.memory_space<vmem>> -> memref<128xf32, #tpu.memory_space<vmem>>
      %dma_start3A_137 = arith.constant 0 : i32
      %dma_start3A_138 = tpu.memref_slice %arg13[%dma_start3A_134, %dma_start3A_137] : memref<4x128xi32, #tpu.memory_space<vmem>> -> memref<1x128xi32, #tpu.memory_space<vmem>>
      %dma_start3A_139 = tpu.memref_squeeze %dma_start3A_138 : memref<1x128xi32, #tpu.memory_space<vmem>> -> memref<128xi32, #tpu.memory_space<vmem>>
      %dma_start3A_140 = arith.constant 0 : i32
      %dma_start3A_141 = tpu.memref_slice %arg6[%dma_start3A_140] : memref<983040xf32, #tpu.memory_space<vmem_shared>> -> memref<983040xf32, #tpu.memory_space<vmem_shared>>
      tpu.enqueue_indirect_dma source(%dma_start3A_141 : memref<983040xf32, #tpu.memory_space<vmem_shared>>) target(%dma_start3A_136 : memref<128xf32, #tpu.memory_space<vmem>>) offsets(%dma_start3A_139 : memref<128xi32, #tpu.memory_space<vmem>>) semaphore(%arg18 : memref<!tpu.dma_semaphore, #tpu.memory_space<semaphore_mem>>)
      %dma_start3A_142 = arith.constant 3 : i32
      %dma_start3A_143 = arith.constant 384 : i32
      %dma_start3A_144 = tpu.memref_slice %arg14[%dma_start3A_143] : memref<512xf32, #tpu.memory_space<vmem>> -> memref<128xf32, #tpu.memory_space<vmem>>
      %dma_start3A_145 = arith.constant 0 : i32
      %dma_start3A_146 = tpu.memref_slice %arg12[%dma_start3A_142, %dma_start3A_145] : memref<4x128xi32, #tpu.memory_space<vmem>> -> memref<1x128xi32, #tpu.memory_space<vmem>>
      %dma_start3A_147 = tpu.memref_squeeze %dma_start3A_146 : memref<1x128xi32, #tpu.memory_space<vmem>> -> memref<128xi32, #tpu.memory_space<vmem>>
      %dma_start3A_148 = arith.constant 0 : i32
      %dma_start3A_149 = tpu.memref_slice %arg6[%dma_start3A_148] : memref<983040xf32, #tpu.memory_space<vmem_shared>> -> memref<983040xf32, #tpu.memory_space<vmem_shared>>
      tpu.enqueue_indirect_dma source(%dma_start3A_149 : memref<983040xf32, #tpu.memory_space<vmem_shared>>) target(%dma_start3A_144 : memref<128xf32, #tpu.memory_space<vmem>>) offsets(%dma_start3A_147 : memref<128xi32, #tpu.memory_space<vmem>>) semaphore(%arg18 : memref<!tpu.dma_semaphore, #tpu.memory_space<semaphore_mem>>)
      %dma_start3A_150 = arith.constant 3 : i32
      %dma_start3A_151 = arith.constant 384 : i32
      %dma_start3A_152 = tpu.memref_slice %arg15[%dma_start3A_151] : memref<512xf32, #tpu.memory_space<vmem>> -> memref<128xf32, #tpu.memory_space<vmem>>
      %dma_start3A_153 = arith.constant 0 : i32
      %dma_start3A_154 = tpu.memref_slice %arg13[%dma_start3A_150, %dma_start3A_153] : memref<4x128xi32, #tpu.memory_space<vmem>> -> memref<1x128xi32, #tpu.memory_space<vmem>>
      %dma_start3A_155 = tpu.memref_squeeze %dma_start3A_154 : memref<1x128xi32, #tpu.memory_space<vmem>> -> memref<128xi32, #tpu.memory_space<vmem>>
      %dma_start3A_156 = arith.constant 0 : i32
      %dma_start3A_157 = tpu.memref_slice %arg6[%dma_start3A_156] : memref<983040xf32, #tpu.memory_space<vmem_shared>> -> memref<983040xf32, #tpu.memory_space<vmem_shared>>
      tpu.enqueue_indirect_dma source(%dma_start3A_157 : memref<983040xf32, #tpu.memory_space<vmem_shared>>) target(%dma_start3A_152 : memref<128xf32, #tpu.memory_space<vmem>>) offsets(%dma_start3A_155 : memref<128xi32, #tpu.memory_space<vmem>>) semaphore(%arg18 : memref<!tpu.dma_semaphore, #tpu.memory_space<semaphore_mem>>)
      %dma_wait3A_158 = arith.constant 0 : i32
      %dma_wait3A_159 = arith.constant 0 : i32
      %dma_wait3A_160 = tpu.memref_slice %arg14[%dma_wait3A_159] : memref<512xf32, #tpu.memory_space<vmem>> -> memref<128xf32, #tpu.memory_space<vmem>>
      %dma_wait3A_161 = arith.constant 0 : i32
      %dma_wait3A_162 = tpu.memref_slice %arg12[%dma_wait3A_158, %dma_wait3A_161] : memref<4x128xi32, #tpu.memory_space<vmem>> -> memref<1x128xi32, #tpu.memory_space<vmem>>
      %dma_wait3A_163 = tpu.memref_squeeze %dma_wait3A_162 : memref<1x128xi32, #tpu.memory_space<vmem>> -> memref<128xi32, #tpu.memory_space<vmem>>
      %dma_wait3A_164 = arith.constant 0 : i32
      %dma_wait3A_165 = tpu.memref_slice %arg6[%dma_wait3A_164] : memref<983040xf32, #tpu.memory_space<vmem_shared>> -> memref<983040xf32, #tpu.memory_space<vmem_shared>>
      tpu.wait_indirect_dma semaphore(%arg18 : memref<!tpu.dma_semaphore, #tpu.memory_space<semaphore_mem>>) src(%dma_wait3A_165 : memref<983040xf32, #tpu.memory_space<vmem_shared>>) dst(%dma_wait3A_160 : memref<128xf32, #tpu.memory_space<vmem>>)
      %dma_wait3A_166 = arith.constant 0 : i32
      %dma_wait3A_167 = arith.constant 0 : i32
      %dma_wait3A_168 = tpu.memref_slice %arg15[%dma_wait3A_167] : memref<512xf32, #tpu.memory_space<vmem>> -> memref<128xf32, #tpu.memory_space<vmem>>
      %dma_wait3A_169 = arith.constant 0 : i32
      %dma_wait3A_170 = tpu.memref_slice %arg13[%dma_wait3A_166, %dma_wait3A_169] : memref<4x128xi32, #tpu.memory_space<vmem>> -> memref<1x128xi32, #tpu.memory_space<vmem>>
      %dma_wait3A_171 = tpu.memref_squeeze %dma_wait3A_170 : memref<1x128xi32, #tpu.memory_space<vmem>> -> memref<128xi32, #tpu.memory_space<vmem>>
      %dma_wait3A_172 = arith.constant 0 : i32
      %dma_wait3A_173 = tpu.memref_slice %arg6[%dma_wait3A_172] : memref<983040xf32, #tpu.memory_space<vmem_shared>> -> memref<983040xf32, #tpu.memory_space<vmem_shared>>
      tpu.wait_indirect_dma semaphore(%arg18 : memref<!tpu.dma_semaphore, #tpu.memory_space<semaphore_mem>>) src(%dma_wait3A_173 : memref<983040xf32, #tpu.memory_space<vmem_shared>>) dst(%dma_wait3A_168 : memref<128xf32, #tpu.memory_space<vmem>>)
      %dma_wait3A_174 = arith.constant 1 : i32
      %dma_wait3A_175 = arith.constant 128 : i32
      %dma_wait3A_176 = tpu.memref_slice %arg14[%dma_wait3A_175] : memref<512xf32, #tpu.memory_space<vmem>> -> memref<128xf32, #tpu.memory_space<vmem>>
      %dma_wait3A_177 = arith.constant 0 : i32
      %dma_wait3A_178 = tpu.memref_slice %arg12[%dma_wait3A_174, %dma_wait3A_177] : memref<4x128xi32, #tpu.memory_space<vmem>> -> memref<1x128xi32, #tpu.memory_space<vmem>>
      %dma_wait3A_179 = tpu.memref_squeeze %dma_wait3A_178 : memref<1x128xi32, #tpu.memory_space<vmem>> -> memref<128xi32, #tpu.memory_space<vmem>>
      %dma_wait3A_180 = arith.constant 0 : i32
      %dma_wait3A_181 = tpu.memref_slice %arg6[%dma_wait3A_180] : memref<983040xf32, #tpu.memory_space<vmem_shared>> -> memref<983040xf32, #tpu.memory_space<vmem_shared>>
      tpu.wait_indirect_dma semaphore(%arg18 : memref<!tpu.dma_semaphore, #tpu.memory_space<semaphore_mem>>) src(%dma_wait3A_181 : memref<983040xf32, #tpu.memory_space<vmem_shared>>) dst(%dma_wait3A_176 : memref<128xf32, #tpu.memory_space<vmem>>)
      %dma_wait3A_182 = arith.constant 1 : i32
      %dma_wait3A_183 = arith.constant 128 : i32
      %dma_wait3A_184 = tpu.memref_slice %arg15[%dma_wait3A_183] : memref<512xf32, #tpu.memory_space<vmem>> -> memref<128xf32, #tpu.memory_space<vmem>>
      %dma_wait3A_185 = arith.constant 0 : i32
      %dma_wait3A_186 = tpu.memref_slice %arg13[%dma_wait3A_182, %dma_wait3A_185] : memref<4x128xi32, #tpu.memory_space<vmem>> -> memref<1x128xi32, #tpu.memory_space<vmem>>
      %dma_wait3A_187 = tpu.memref_squeeze %dma_wait3A_186 : memref<1x128xi32, #tpu.memory_space<vmem>> -> memref<128xi32, #tpu.memory_space<vmem>>
      %dma_wait3A_188 = arith.constant 0 : i32
      %dma_wait3A_189 = tpu.memref_slice %arg6[%dma_wait3A_188] : memref<983040xf32, #tpu.memory_space<vmem_shared>> -> memref<983040xf32, #tpu.memory_space<vmem_shared>>
      tpu.wait_indirect_dma semaphore(%arg18 : memref<!tpu.dma_semaphore, #tpu.memory_space<semaphore_mem>>) src(%dma_wait3A_189 : memref<983040xf32, #tpu.memory_space<vmem_shared>>) dst(%dma_wait3A_184 : memref<128xf32, #tpu.memory_space<vmem>>)
      %dma_wait3A_190 = arith.constant 2 : i32
      %dma_wait3A_191 = arith.constant 256 : i32
      %dma_wait3A_192 = tpu.memref_slice %arg14[%dma_wait3A_191] : memref<512xf32, #tpu.memory_space<vmem>> -> memref<128xf32, #tpu.memory_space<vmem>>
      %dma_wait3A_193 = arith.constant 0 : i32
      %dma_wait3A_194 = tpu.memref_slice %arg12[%dma_wait3A_190, %dma_wait3A_193] : memref<4x128xi32, #tpu.memory_space<vmem>> -> memref<1x128xi32, #tpu.memory_space<vmem>>
      %dma_wait3A_195 = tpu.memref_squeeze %dma_wait3A_194 : memref<1x128xi32, #tpu.memory_space<vmem>> -> memref<128xi32, #tpu.memory_space<vmem>>
      %dma_wait3A_196 = arith.constant 0 : i32
      %dma_wait3A_197 = tpu.memref_slice %arg6[%dma_wait3A_196] : memref<983040xf32, #tpu.memory_space<vmem_shared>> -> memref<983040xf32, #tpu.memory_space<vmem_shared>>
      tpu.wait_indirect_dma semaphore(%arg18 : memref<!tpu.dma_semaphore, #tpu.memory_space<semaphore_mem>>) src(%dma_wait3A_197 : memref<983040xf32, #tpu.memory_space<vmem_shared>>) dst(%dma_wait3A_192 : memref<128xf32, #tpu.memory_space<vmem>>)
      %dma_wait3A_198 = arith.constant 2 : i32
      %dma_wait3A_199 = arith.constant 256 : i32
      %dma_wait3A_200 = tpu.memref_slice %arg15[%dma_wait3A_199] : memref<512xf32, #tpu.memory_space<vmem>> -> memref<128xf32, #tpu.memory_space<vmem>>
      %dma_wait3A_201 = arith.constant 0 : i32
      %dma_wait3A_202 = tpu.memref_slice %arg13[%dma_wait3A_198, %dma_wait3A_201] : memref<4x128xi32, #tpu.memory_space<vmem>> -> memref<1x128xi32, #tpu.memory_space<vmem>>
      %dma_wait3A_203 = tpu.memref_squeeze %dma_wait3A_202 : memref<1x128xi32, #tpu.memory_space<vmem>> -> memref<128xi32, #tpu.memory_space<vmem>>
      %dma_wait3A_204 = arith.constant 0 : i32
      %dma_wait3A_205 = tpu.memref_slice %arg6[%dma_wait3A_204] : memref<983040xf32, #tpu.memory_space<vmem_shared>> -> memref<983040xf32, #tpu.memory_space<vmem_shared>>
      tpu.wait_indirect_dma semaphore(%arg18 : memref<!tpu.dma_semaphore, #tpu.memory_space<semaphore_mem>>) src(%dma_wait3A_205 : memref<983040xf32, #tpu.memory_space<vmem_shared>>) dst(%dma_wait3A_200 : memref<128xf32, #tpu.memory_space<vmem>>)
      %dma_wait3A_206 = arith.constant 3 : i32
      %dma_wait3A_207 = arith.constant 384 : i32
      %dma_wait3A_208 = tpu.memref_slice %arg14[%dma_wait3A_207] : memref<512xf32, #tpu.memory_space<vmem>> -> memref<128xf32, #tpu.memory_space<vmem>>
      %dma_wait3A_209 = arith.constant 0 : i32
      %dma_wait3A_210 = tpu.memref_slice %arg12[%dma_wait3A_206, %dma_wait3A_209] : memref<4x128xi32, #tpu.memory_space<vmem>> -> memref<1x128xi32, #tpu.memory_space<vmem>>
      %dma_wait3A_211 = tpu.memref_squeeze %dma_wait3A_210 : memref<1x128xi32, #tpu.memory_space<vmem>> -> memref<128xi32, #tpu.memory_space<vmem>>
      %dma_wait3A_212 = arith.constant 0 : i32
      %dma_wait3A_213 = tpu.memref_slice %arg6[%dma_wait3A_212] : memref<983040xf32, #tpu.memory_space<vmem_shared>> -> memref<983040xf32, #tpu.memory_space<vmem_shared>>
      tpu.wait_indirect_dma semaphore(%arg18 : memref<!tpu.dma_semaphore, #tpu.memory_space<semaphore_mem>>) src(%dma_wait3A_213 : memref<983040xf32, #tpu.memory_space<vmem_shared>>) dst(%dma_wait3A_208 : memref<128xf32, #tpu.memory_space<vmem>>)
      %dma_wait3A_214 = arith.constant 3 : i32
      %dma_wait3A_215 = arith.constant 384 : i32
      %dma_wait3A_216 = tpu.memref_slice %arg15[%dma_wait3A_215] : memref<512xf32, #tpu.memory_space<vmem>> -> memref<128xf32, #tpu.memory_space<vmem>>
      %dma_wait3A_217 = arith.constant 0 : i32
      %dma_wait3A_218 = tpu.memref_slice %arg13[%dma_wait3A_214, %dma_wait3A_217] : memref<4x128xi32, #tpu.memory_space<vmem>> -> memref<1x128xi32, #tpu.memory_space<vmem>>
      %dma_wait3A_219 = tpu.memref_squeeze %dma_wait3A_218 : memref<1x128xi32, #tpu.memory_space<vmem>> -> memref<128xi32, #tpu.memory_space<vmem>>
      %dma_wait3A_220 = arith.constant 0 : i32
      %dma_wait3A_221 = tpu.memref_slice %arg6[%dma_wait3A_220] : memref<983040xf32, #tpu.memory_space<vmem_shared>> -> memref<983040xf32, #tpu.memory_space<vmem_shared>>
      tpu.wait_indirect_dma semaphore(%arg18 : memref<!tpu.dma_semaphore, #tpu.memory_space<semaphore_mem>>) src(%dma_wait3A_221 : memref<983040xf32, #tpu.memory_space<vmem_shared>>) dst(%dma_wait3A_216 : memref<128xf32, #tpu.memory_space<vmem>>)
      %scan3A_222 = arith.constant 0 : i32
      %scan3A_223 = arith.constant 0 : i32
      %scan3A_224 = arith.constant 32 : i32
      %scan3A_225 = arith.addi %scan3A_223, %scan3A_224 : i32
      %scan3A_226 = arith.constant 1 : i32
      scf.for %scan3A_1259 = %scan3A_223 to %scan3A_225 step %scan3A_226  : i32 {
        %shift_right_logical3A_1260 = arith.constant 3 : i32
        %shift_right_logical3A_1261 = arith.shrui %scan3A_1259, %shift_right_logical3A_1260 : i32
        %and3A_1262 = arith.constant 7 : i32
        %and3A_1263 = arith.andi %scan3A_1259, %and3A_1262 : i32
        %mul3A_1264 = arith.constant 16 : i32
        %mul3A_1265 = arith.muli %and3A_1263, %mul3A_1264 : i32
        %add3A_1266 = arith.constant 0 : i32
        %add3A_1267 = arith.addi %add3A_1266, %shift_right_logical3A_1261 : i32
        %get3A = arith.index_cast %add3A_1267 : i32 to index
        %get3A_1268 = arith.index_cast %mul3A_1265 : i32 to index
        %get3A_1269 = tpu.vector_load %arg10[%get3A, %get3A_1268] {strides = array<i32>} : memref<8x128xi32, #tpu.memory_space<vmem>>, vector<16xi32>,
        %add3A_1270 = arith.constant 0 : i32
        %add3A_1271 = arith.addi %add3A_1270, %shift_right_logical3A_1261 : i32
        %get3A_1272 = arith.index_cast %add3A_1271 : i32 to index
        %get3A_1273 = arith.index_cast %mul3A_1265 : i32 to index
        %get3A_1274 = tpu.vector_load %arg11[%get3A_1272, %get3A_1273] {strides = array<i32>} : memref<8x128xi32, #tpu.memory_space<vmem>>, vector<16xi32>,
        %ge3A = arith.constant 983040 : i32
        %ge3A_1275 = vector.broadcast %ge3A : i32 to vector<16xi32>
        %ge3A_1276 = arith.cmpi sge, %get3A_1269, %ge3A_1275 : vector<16xi32>
        %sub3A = arith.constant 983040 : i32
        %sub3A_1277 = vector.broadcast %sub3A : i32 to vector<16xi32>
        %sub3A_1278 = arith.subi %get3A_1269, %sub3A_1277 : vector<16xi32>
        %jit3A = arith.constant -1 : i32
        %broadcast_in_dim3A = vector.broadcast %jit3A : i32 to vector<16xi32>
        %select_n3A = arith.select %ge3A_1276, %sub3A_1278, %broadcast_in_dim3A : vector<16xi1>, vector<16xi32>
        %swap3A = arith.index_cast %shift_right_logical3A_1261 : i32 to index
        %swap3A_1279 = arith.index_cast %mul3A_1265 : i32 to index
        %swap3A_1280 = tpu.vector_load %arg12[%swap3A, %swap3A_1279] {strides = array<i32>} : memref<4x128xi32, #tpu.memory_space<vmem>>, vector<16xi32>,
        tpu.vector_store %arg12[%swap3A, %swap3A_1279], %select_n3A {strides = array<i32>} : memref<4x128xi32, #tpu.memory_space<vmem>>, vector<16xi32>,
        %ge3A_1281 = arith.constant 983040 : i32
        %ge3A_1282 = vector.broadcast %ge3A_1281 : i32 to vector<16xi32>
        %ge3A_1283 = arith.cmpi sge, %get3A_1274, %ge3A_1282 : vector<16xi32>
        %sub3A_1284 = arith.constant 983040 : i32
        %sub3A_1285 = vector.broadcast %sub3A_1284 : i32 to vector<16xi32>
        %sub3A_1286 = arith.subi %get3A_1274, %sub3A_1285 : vector<16xi32>
        %jit3A_1287 = arith.constant -1 : i32
        %broadcast_in_dim3A_1288 = vector.broadcast %jit3A_1287 : i32 to vector<16xi32>
        %select_n3A_1289 = arith.select %ge3A_1283, %sub3A_1286, %broadcast_in_dim3A_1288 : vector<16xi1>, vector<16xi32>
        %swap3A_1290 = arith.index_cast %shift_right_logical3A_1261 : i32 to index
        %swap3A_1291 = arith.index_cast %mul3A_1265 : i32 to index
        %swap3A_1292 = tpu.vector_load %arg13[%swap3A_1290, %swap3A_1291] {strides = array<i32>} : memref<4x128xi32, #tpu.memory_space<vmem>>, vector<16xi32>,
        tpu.vector_store %arg13[%swap3A_1290, %swap3A_1291], %select_n3A_1289 {strides = array<i32>} : memref<4x128xi32, #tpu.memory_space<vmem>>, vector<16xi32>,
      }
      %scan3A_227 = arith.constant 32 : i32
      %dma_start3A_228 = arith.constant 0 : i32
      %dma_start3A_229 = arith.constant 0 : i32
      %dma_start3A_230 = tpu.memref_slice %arg14[%dma_start3A_229] : memref<512xf32, #tpu.memory_space<vmem>> -> memref<128xf32, #tpu.memory_space<vmem>>
      %dma_start3A_231 = arith.constant 0 : i32
      %dma_start3A_232 = tpu.memref_slice %arg12[%dma_start3A_228, %dma_start3A_231] : memref<4x128xi32, #tpu.memory_space<vmem>> -> memref<1x128xi32, #tpu.memory_space<vmem>>
      %dma_start3A_233 = tpu.memref_squeeze %dma_start3A_232 : memref<1x128xi32, #tpu.memory_space<vmem>> -> memref<128xi32, #tpu.memory_space<vmem>>
      %dma_start3A_234 = arith.constant 0 : i32
      %dma_start3A_235 = tpu.memref_slice %arg8[%dma_start3A_234] : memref<16960xf32, #tpu.memory_space<vmem_shared>> -> memref<16960xf32, #tpu.memory_space<vmem_shared>>
      %dma_start3A_236 = arith.constant -1 : i32
      tpu.enqueue_indirect_dma source(%dma_start3A_235 : memref<16960xf32, #tpu.memory_space<vmem_shared>>) target(%dma_start3A_230 : memref<128xf32, #tpu.memory_space<vmem>>) offsets(%dma_start3A_233 : memref<128xi32, #tpu.memory_space<vmem>>) offset_filter(%dma_start3A_236) semaphore(%arg18 : memref<!tpu.dma_semaphore, #tpu.memory_space<semaphore_mem>>)
      %dma_start3A_237 = arith.constant 0 : i32
      %dma_start3A_238 = arith.constant 0 : i32
      %dma_start3A_239 = tpu.memref_slice %arg15[%dma_start3A_238] : memref<512xf32, #tpu.memory_space<vmem>> -> memref<128xf32, #tpu.memory_space<vmem>>
      %dma_start3A_240 = arith.constant 0 : i32
      %dma_start3A_241 = tpu.memref_slice %arg13[%dma_start3A_237, %dma_start3A_240] : memref<4x128xi32, #tpu.memory_space<vmem>> -> memref<1x128xi32, #tpu.memory_space<vmem>>
      %dma_start3A_242 = tpu.memref_squeeze %dma_start3A_241 : memref<1x128xi32, #tpu.memory_space<vmem>> -> memref<128xi32, #tpu.memory_space<vmem>>
      %dma_start3A_243 = arith.constant 0 : i32
      %dma_start3A_244 = tpu.memref_slice %arg8[%dma_start3A_243] : memref<16960xf32, #tpu.memory_space<vmem_shared>> -> memref<16960xf32, #tpu.memory_space<vmem_shared>>
      %dma_start3A_245 = arith.constant -1 : i32
      tpu.enqueue_indirect_dma source(%dma_start3A_244 : memref<16960xf32, #tpu.memory_space<vmem_shared>>) target(%dma_start3A_239 : memref<128xf32, #tpu.memory_space<vmem>>) offsets(%dma_start3A_242 : memref<128xi32, #tpu.memory_space<vmem>>) offset_filter(%dma_start3A_245) semaphore(%arg18 : memref<!tpu.dma_semaphore, #tpu.memory_space<semaphore_mem>>)
      %dma_start3A_246 = arith.constant 1 : i32
      %dma_start3A_247 = arith.constant 128 : i32
      %dma_start3A_248 = tpu.memref_slice %arg14[%dma_start3A_247] : memref<512xf32, #tpu.memory_space<vmem>> -> memref<128xf32, #tpu.memory_space<vmem>>
      %dma_start3A_249 = arith.constant 0 : i32
      %dma_start3A_250 = tpu.memref_slice %arg12[%dma_start3A_246, %dma_start3A_249] : memref<4x128xi32, #tpu.memory_space<vmem>> -> memref<1x128xi32, #tpu.memory_space<vmem>>
      %dma_start3A_251 = tpu.memref_squeeze %dma_start3A_250 : memref<1x128xi32, #tpu.memory_space<vmem>> -> memref<128xi32, #tpu.memory_space<vmem>>
      %dma_start3A_252 = arith.constant 0 : i32
      %dma_start3A_253 = tpu.memref_slice %arg8[%dma_start3A_252] : memref<16960xf32, #tpu.memory_space<vmem_shared>> -> memref<16960xf32, #tpu.memory_space<vmem_shared>>
      %dma_start3A_254 = arith.constant -1 : i32
      tpu.enqueue_indirect_dma source(%dma_start3A_253 : memref<16960xf32, #tpu.memory_space<vmem_shared>>) target(%dma_start3A_248 : memref<128xf32, #tpu.memory_space<vmem>>) offsets(%dma_start3A_251 : memref<128xi32, #tpu.memory_space<vmem>>) offset_filter(%dma_start3A_254) semaphore(%arg18 : memref<!tpu.dma_semaphore, #tpu.memory_space<semaphore_mem>>)
      %dma_start3A_255 = arith.constant 1 : i32
      %dma_start3A_256 = arith.constant 128 : i32
      %dma_start3A_257 = tpu.memref_slice %arg15[%dma_start3A_256] : memref<512xf32, #tpu.memory_space<vmem>> -> memref<128xf32, #tpu.memory_space<vmem>>
      %dma_start3A_258 = arith.constant 0 : i32
      %dma_start3A_259 = tpu.memref_slice %arg13[%dma_start3A_255, %dma_start3A_258] : memref<4x128xi32, #tpu.memory_space<vmem>> -> memref<1x128xi32, #tpu.memory_space<vmem>>
      %dma_start3A_260 = tpu.memref_squeeze %dma_start3A_259 : memref<1x128xi32, #tpu.memory_space<vmem>> -> memref<128xi32, #tpu.memory_space<vmem>>
      %dma_start3A_261 = arith.constant 0 : i32
      %dma_start3A_262 = tpu.memref_slice %arg8[%dma_start3A_261] : memref<16960xf32, #tpu.memory_space<vmem_shared>> -> memref<16960xf32, #tpu.memory_space<vmem_shared>>
      %dma_start3A_263 = arith.constant -1 : i32
      tpu.enqueue_indirect_dma source(%dma_start3A_262 : memref<16960xf32, #tpu.memory_space<vmem_shared>>) target(%dma_start3A_257 : memref<128xf32, #tpu.memory_space<vmem>>) offsets(%dma_start3A_260 : memref<128xi32, #tpu.memory_space<vmem>>) offset_filter(%dma_start3A_263) semaphore(%arg18 : memref<!tpu.dma_semaphore, #tpu.memory_space<semaphore_mem>>)
      %dma_start3A_264 = arith.constant 2 : i32
      %dma_start3A_265 = arith.constant 256 : i32
      %dma_start3A_266 = tpu.memref_slice %arg14[%dma_start3A_265] : memref<512xf32, #tpu.memory_space<vmem>> -> memref<128xf32, #tpu.memory_space<vmem>>
      %dma_start3A_267 = arith.constant 0 : i32
      %dma_start3A_268 = tpu.memref_slice %arg12[%dma_start3A_264, %dma_start3A_267] : memref<4x128xi32, #tpu.memory_space<vmem>> -> memref<1x128xi32, #tpu.memory_space<vmem>>
      %dma_start3A_269 = tpu.memref_squeeze %dma_start3A_268 : memref<1x128xi32, #tpu.memory_space<vmem>> -> memref<128xi32, #tpu.memory_space<vmem>>
      %dma_start3A_270 = arith.constant 0 : i32
      %dma_start3A_271 = tpu.memref_slice %arg8[%dma_start3A_270] : memref<16960xf32, #tpu.memory_space<vmem_shared>> -> memref<16960xf32, #tpu.memory_space<vmem_shared>>
      %dma_start3A_272 = arith.constant -1 : i32
      tpu.enqueue_indirect_dma source(%dma_start3A_271 : memref<16960xf32, #tpu.memory_space<vmem_shared>>) target(%dma_start3A_266 : memref<128xf32, #tpu.memory_space<vmem>>) offsets(%dma_start3A_269 : memref<128xi32, #tpu.memory_space<vmem>>) offset_filter(%dma_start3A_272) semaphore(%arg18 : memref<!tpu.dma_semaphore, #tpu.memory_space<semaphore_mem>>)
      %dma_start3A_273 = arith.constant 2 : i32
      %dma_start3A_274 = arith.constant 256 : i32
      %dma_start3A_275 = tpu.memref_slice %arg15[%dma_start3A_274] : memref<512xf32, #tpu.memory_space<vmem>> -> memref<128xf32, #tpu.memory_space<vmem>>
      %dma_start3A_276 = arith.constant 0 : i32
      %dma_start3A_277 = tpu.memref_slice %arg13[%dma_start3A_273, %dma_start3A_276] : memref<4x128xi32, #tpu.memory_space<vmem>> -> memref<1x128xi32, #tpu.memory_space<vmem>>
      %dma_start3A_278 = tpu.memref_squeeze %dma_start3A_277 : memref<1x128xi32, #tpu.memory_space<vmem>> -> memref<128xi32, #tpu.memory_space<vmem>>
      %dma_start3A_279 = arith.constant 0 : i32
      %dma_start3A_280 = tpu.memref_slice %arg8[%dma_start3A_279] : memref<16960xf32, #tpu.memory_space<vmem_shared>> -> memref<16960xf32, #tpu.memory_space<vmem_shared>>
      %dma_start3A_281 = arith.constant -1 : i32
      tpu.enqueue_indirect_dma source(%dma_start3A_280 : memref<16960xf32, #tpu.memory_space<vmem_shared>>) target(%dma_start3A_275 : memref<128xf32, #tpu.memory_space<vmem>>) offsets(%dma_start3A_278 : memref<128xi32, #tpu.memory_space<vmem>>) offset_filter(%dma_start3A_281) semaphore(%arg18 : memref<!tpu.dma_semaphore, #tpu.memory_space<semaphore_mem>>)
      %dma_start3A_282 = arith.constant 3 : i32
      %dma_start3A_283 = arith.constant 384 : i32
      %dma_start3A_284 = tpu.memref_slice %arg14[%dma_start3A_283] : memref<512xf32, #tpu.memory_space<vmem>> -> memref<128xf32, #tpu.memory_space<vmem>>
      %dma_start3A_285 = arith.constant 0 : i32
      %dma_start3A_286 = tpu.memref_slice %arg12[%dma_start3A_282, %dma_start3A_285] : memref<4x128xi32, #tpu.memory_space<vmem>> -> memref<1x128xi32, #tpu.memory_space<vmem>>
      %dma_start3A_287 = tpu.memref_squeeze %dma_start3A_286 : memref<1x128xi32, #tpu.memory_space<vmem>> -> memref<128xi32, #tpu.memory_space<vmem>>
      %dma_start3A_288 = arith.constant 0 : i32
      %dma_start3A_289 = tpu.memref_slice %arg8[%dma_start3A_288] : memref<16960xf32, #tpu.memory_space<vmem_shared>> -> memref<16960xf32, #tpu.memory_space<vmem_shared>>
      %dma_start3A_290 = arith.constant -1 : i32
      tpu.enqueue_indirect_dma source(%dma_start3A_289 : memref<16960xf32, #tpu.memory_space<vmem_shared>>) target(%dma_start3A_284 : memref<128xf32, #tpu.memory_space<vmem>>) offsets(%dma_start3A_287 : memref<128xi32, #tpu.memory_space<vmem>>) offset_filter(%dma_start3A_290) semaphore(%arg18 : memref<!tpu.dma_semaphore, #tpu.memory_space<semaphore_mem>>)
      %dma_start3A_291 = arith.constant 3 : i32
      %dma_start3A_292 = arith.constant 384 : i32
      %dma_start3A_293 = tpu.memref_slice %arg15[%dma_start3A_292] : memref<512xf32, #tpu.memory_space<vmem>> -> memref<128xf32, #tpu.memory_space<vmem>>
      %dma_start3A_294 = arith.constant 0 : i32
      %dma_start3A_295 = tpu.memref_slice %arg13[%dma_start3A_291, %dma_start3A_294] : memref<4x128xi32, #tpu.memory_space<vmem>> -> memref<1x128xi32, #tpu.memory_space<vmem>>
      %dma_start3A_296 = tpu.memref_squeeze %dma_start3A_295 : memref<1x128xi32, #tpu.memory_space<vmem>> -> memref<128xi32, #tpu.memory_space<vmem>>
      %dma_start3A_297 = arith.constant 0 : i32
      %dma_start3A_298 = tpu.memref_slice %arg8[%dma_start3A_297] : memref<16960xf32, #tpu.memory_space<vmem_shared>> -> memref<16960xf32, #tpu.memory_space<vmem_shared>>
      %dma_start3A_299 = arith.constant -1 : i32
      tpu.enqueue_indirect_dma source(%dma_start3A_298 : memref<16960xf32, #tpu.memory_space<vmem_shared>>) target(%dma_start3A_293 : memref<128xf32, #tpu.memory_space<vmem>>) offsets(%dma_start3A_296 : memref<128xi32, #tpu.memory_space<vmem>>) offset_filter(%dma_start3A_299) semaphore(%arg18 : memref<!tpu.dma_semaphore, #tpu.memory_space<semaphore_mem>>)
      %dma_wait3A_300 = arith.constant 0 : i32
      %dma_wait3A_301 = arith.constant 0 : i32
      %dma_wait3A_302 = tpu.memref_slice %arg14[%dma_wait3A_301] : memref<512xf32, #tpu.memory_space<vmem>> -> memref<128xf32, #tpu.memory_space<vmem>>
      %dma_wait3A_303 = arith.constant 0 : i32
      %dma_wait3A_304 = tpu.memref_slice %arg12[%dma_wait3A_300, %dma_wait3A_303] : memref<4x128xi32, #tpu.memory_space<vmem>> -> memref<1x128xi32, #tpu.memory_space<vmem>>
      %dma_wait3A_305 = tpu.memref_squeeze %dma_wait3A_304 : memref<1x128xi32, #tpu.memory_space<vmem>> -> memref<128xi32, #tpu.memory_space<vmem>>
      %dma_wait3A_306 = arith.constant 0 : i32
      %dma_wait3A_307 = tpu.memref_slice %arg8[%dma_wait3A_306] : memref<16960xf32, #tpu.memory_space<vmem_shared>> -> memref<16960xf32, #tpu.memory_space<vmem_shared>>
      tpu.wait_indirect_dma semaphore(%arg18 : memref<!tpu.dma_semaphore, #tpu.memory_space<semaphore_mem>>) src(%dma_wait3A_307 : memref<16960xf32, #tpu.memory_space<vmem_shared>>) dst(%dma_wait3A_302 : memref<128xf32, #tpu.memory_space<vmem>>)
      %dma_wait3A_308 = arith.constant 0 : i32
      %dma_wait3A_309 = arith.constant 0 : i32
      %dma_wait3A_310 = tpu.memref_slice %arg15[%dma_wait3A_309] : memref<512xf32, #tpu.memory_space<vmem>> -> memref<128xf32, #tpu.memory_space<vmem>>
      %dma_wait3A_311 = arith.constant 0 : i32
      %dma_wait3A_312 = tpu.memref_slice %arg13[%dma_wait3A_308, %dma_wait3A_311] : memref<4x128xi32, #tpu.memory_space<vmem>> -> memref<1x128xi32, #tpu.memory_space<vmem>>
      %dma_wait3A_313 = tpu.memref_squeeze %dma_wait3A_312 : memref<1x128xi32, #tpu.memory_space<vmem>> -> memref<128xi32, #tpu.memory_space<vmem>>
      %dma_wait3A_314 = arith.constant 0 : i32
      %dma_wait3A_315 = tpu.memref_slice %arg8[%dma_wait3A_314] : memref<16960xf32, #tpu.memory_space<vmem_shared>> -> memref<16960xf32, #tpu.memory_space<vmem_shared>>
      tpu.wait_indirect_dma semaphore(%arg18 : memref<!tpu.dma_semaphore, #tpu.memory_space<semaphore_mem>>) src(%dma_wait3A_315 : memref<16960xf32, #tpu.memory_space<vmem_shared>>) dst(%dma_wait3A_310 : memref<128xf32, #tpu.memory_space<vmem>>)
      %dma_wait3A_316 = arith.constant 1 : i32
      %dma_wait3A_317 = arith.constant 128 : i32
      %dma_wait3A_318 = tpu.memref_slice %arg14[%dma_wait3A_317] : memref<512xf32, #tpu.memory_space<vmem>> -> memref<128xf32, #tpu.memory_space<vmem>>
      %dma_wait3A_319 = arith.constant 0 : i32
      %dma_wait3A_320 = tpu.memref_slice %arg12[%dma_wait3A_316, %dma_wait3A_319] : memref<4x128xi32, #tpu.memory_space<vmem>> -> memref<1x128xi32, #tpu.memory_space<vmem>>
      %dma_wait3A_321 = tpu.memref_squeeze %dma_wait3A_320 : memref<1x128xi32, #tpu.memory_space<vmem>> -> memref<128xi32, #tpu.memory_space<vmem>>
      %dma_wait3A_322 = arith.constant 0 : i32
      %dma_wait3A_323 = tpu.memref_slice %arg8[%dma_wait3A_322] : memref<16960xf32, #tpu.memory_space<vmem_shared>> -> memref<16960xf32, #tpu.memory_space<vmem_shared>>
      tpu.wait_indirect_dma semaphore(%arg18 : memref<!tpu.dma_semaphore, #tpu.memory_space<semaphore_mem>>) src(%dma_wait3A_323 : memref<16960xf32, #tpu.memory_space<vmem_shared>>) dst(%dma_wait3A_318 : memref<128xf32, #tpu.memory_space<vmem>>)
      %dma_wait3A_324 = arith.constant 1 : i32
      %dma_wait3A_325 = arith.constant 128 : i32
      %dma_wait3A_326 = tpu.memref_slice %arg15[%dma_wait3A_325] : memref<512xf32, #tpu.memory_space<vmem>> -> memref<128xf32, #tpu.memory_space<vmem>>
      %dma_wait3A_327 = arith.constant 0 : i32
      %dma_wait3A_328 = tpu.memref_slice %arg13[%dma_wait3A_324, %dma_wait3A_327] : memref<4x128xi32, #tpu.memory_space<vmem>> -> memref<1x128xi32, #tpu.memory_space<vmem>>
      %dma_wait3A_329 = tpu.memref_squeeze %dma_wait3A_328 : memref<1x128xi32, #tpu.memory_space<vmem>> -> memref<128xi32, #tpu.memory_space<vmem>>
      %dma_wait3A_330 = arith.constant 0 : i32
      %dma_wait3A_331 = tpu.memref_slice %arg8[%dma_wait3A_330] : memref<16960xf32, #tpu.memory_space<vmem_shared>> -> memref<16960xf32, #tpu.memory_space<vmem_shared>>
      tpu.wait_indirect_dma semaphore(%arg18 : memref<!tpu.dma_semaphore, #tpu.memory_space<semaphore_mem>>) src(%dma_wait3A_331 : memref<16960xf32, #tpu.memory_space<vmem_shared>>) dst(%dma_wait3A_326 : memref<128xf32, #tpu.memory_space<vmem>>)
      %dma_wait3A_332 = arith.constant 2 : i32
      %dma_wait3A_333 = arith.constant 256 : i32
      %dma_wait3A_334 = tpu.memref_slice %arg14[%dma_wait3A_333] : memref<512xf32, #tpu.memory_space<vmem>> -> memref<128xf32, #tpu.memory_space<vmem>>
      %dma_wait3A_335 = arith.constant 0 : i32
      %dma_wait3A_336 = tpu.memref_slice %arg12[%dma_wait3A_332, %dma_wait3A_335] : memref<4x128xi32, #tpu.memory_space<vmem>> -> memref<1x128xi32, #tpu.memory_space<vmem>>
      %dma_wait3A_337 = tpu.memref_squeeze %dma_wait3A_336 : memref<1x128xi32, #tpu.memory_space<vmem>> -> memref<128xi32, #tpu.memory_space<vmem>>
      %dma_wait3A_338 = arith.constant 0 : i32
      %dma_wait3A_339 = tpu.memref_slice %arg8[%dma_wait3A_338] : memref<16960xf32, #tpu.memory_space<vmem_shared>> -> memref<16960xf32, #tpu.memory_space<vmem_shared>>
      tpu.wait_indirect_dma semaphore(%arg18 : memref<!tpu.dma_semaphore, #tpu.memory_space<semaphore_mem>>) src(%dma_wait3A_339 : memref<16960xf32, #tpu.memory_space<vmem_shared>>) dst(%dma_wait3A_334 : memref<128xf32, #tpu.memory_space<vmem>>)
      %dma_wait3A_340 = arith.constant 2 : i32
      %dma_wait3A_341 = arith.constant 256 : i32
      %dma_wait3A_342 = tpu.memref_slice %arg15[%dma_wait3A_341] : memref<512xf32, #tpu.memory_space<vmem>> -> memref<128xf32, #tpu.memory_space<vmem>>
      %dma_wait3A_343 = arith.constant 0 : i32
      %dma_wait3A_344 = tpu.memref_slice %arg13[%dma_wait3A_340, %dma_wait3A_343] : memref<4x128xi32, #tpu.memory_space<vmem>> -> memref<1x128xi32, #tpu.memory_space<vmem>>
      %dma_wait3A_345 = tpu.memref_squeeze %dma_wait3A_344 : memref<1x128xi32, #tpu.memory_space<vmem>> -> memref<128xi32, #tpu.memory_space<vmem>>
      %dma_wait3A_346 = arith.constant 0 : i32
      %dma_wait3A_347 = tpu.memref_slice %arg8[%dma_wait3A_346] : memref<16960xf32, #tpu.memory_space<vmem_shared>> -> memref<16960xf32, #tpu.memory_space<vmem_shared>>
      tpu.wait_indirect_dma semaphore(%arg18 : memref<!tpu.dma_semaphore, #tpu.memory_space<semaphore_mem>>) src(%dma_wait3A_347 : memref<16960xf32, #tpu.memory_space<vmem_shared>>) dst(%dma_wait3A_342 : memref<128xf32, #tpu.memory_space<vmem>>)
      %dma_wait3A_348 = arith.constant 3 : i32
      %dma_wait3A_349 = arith.constant 384 : i32
      %dma_wait3A_350 = tpu.memref_slice %arg14[%dma_wait3A_349] : memref<512xf32, #tpu.memory_space<vmem>> -> memref<128xf32, #tpu.memory_space<vmem>>
      %dma_wait3A_351 = arith.constant 0 : i32
      %dma_wait3A_352 = tpu.memref_slice %arg12[%dma_wait3A_348, %dma_wait3A_351] : memref<4x128xi32, #tpu.memory_space<vmem>> -> memref<1x128xi32, #tpu.memory_space<vmem>>
      %dma_wait3A_353 = tpu.memref_squeeze %dma_wait3A_352 : memref<1x128xi32, #tpu.memory_space<vmem>> -> memref<128xi32, #tpu.memory_space<vmem>>
      %dma_wait3A_354 = arith.constant 0 : i32
      %dma_wait3A_355 = tpu.memref_slice %arg8[%dma_wait3A_354] : memref<16960xf32, #tpu.memory_space<vmem_shared>> -> memref<16960xf32, #tpu.memory_space<vmem_shared>>
      tpu.wait_indirect_dma semaphore(%arg18 : memref<!tpu.dma_semaphore, #tpu.memory_space<semaphore_mem>>) src(%dma_wait3A_355 : memref<16960xf32, #tpu.memory_space<vmem_shared>>) dst(%dma_wait3A_350 : memref<128xf32, #tpu.memory_space<vmem>>)
      %dma_wait3A_356 = arith.constant 3 : i32
      %dma_wait3A_357 = arith.constant 384 : i32
      %dma_wait3A_358 = tpu.memref_slice %arg15[%dma_wait3A_357] : memref<512xf32, #tpu.memory_space<vmem>> -> memref<128xf32, #tpu.memory_space<vmem>>
      %dma_wait3A_359 = arith.constant 0 : i32
      %dma_wait3A_360 = tpu.memref_slice %arg13[%dma_wait3A_356, %dma_wait3A_359] : memref<4x128xi32, #tpu.memory_space<vmem>> -> memref<1x128xi32, #tpu.memory_space<vmem>>
      %dma_wait3A_361 = tpu.memref_squeeze %dma_wait3A_360 : memref<1x128xi32, #tpu.memory_space<vmem>> -> memref<128xi32, #tpu.memory_space<vmem>>
      %dma_wait3A_362 = arith.constant 0 : i32
      %dma_wait3A_363 = tpu.memref_slice %arg8[%dma_wait3A_362] : memref<16960xf32, #tpu.memory_space<vmem_shared>> -> memref<16960xf32, #tpu.memory_space<vmem_shared>>
      tpu.wait_indirect_dma semaphore(%arg18 : memref<!tpu.dma_semaphore, #tpu.memory_space<semaphore_mem>>) src(%dma_wait3A_363 : memref<16960xf32, #tpu.memory_space<vmem_shared>>) dst(%dma_wait3A_358 : memref<128xf32, #tpu.memory_space<vmem>>)
      %scan3A_364 = arith.constant 0 : i32
      %scan3A_365 = arith.constant 0 : i32
      %scan3A_366 = arith.constant 32 : i32
      %scan3A_367 = arith.addi %scan3A_365, %scan3A_366 : i32
      %scan3A_368 = arith.constant 1 : i32
      scf.for %scan3A_1259 = %scan3A_365 to %scan3A_367 step %scan3A_368  : i32 {
        %mul3A_1260 = arith.constant 16 : i32
        %mul3A_1261 = arith.muli %scan3A_1259, %mul3A_1260 : i32
        %mul3A_1262 = arith.constant 16 : i32
        %mul3A_1263 = arith.muli %scan3A_1259, %mul3A_1262 : i32
        %add3A_1264 = arith.constant 0 : i32
        %add3A_1265 = arith.addi %add3A_1264, %mul3A_1263 : i32
        %get3A = arith.index_cast %add3A_1265 : i32 to index
        %get3A_1266 = tpu.vector_load %arg16[%get3A] {strides = array<i32>} : memref<1024xf32, #tpu.memory_space<vmem>>, vector<16xf32>,
        %get3A_1267 = arith.index_cast %mul3A_1261 : i32 to index
        %get3A_1268 = tpu.vector_load %arg14[%get3A_1267] {strides = array<i32>} : memref<512xf32, #tpu.memory_space<vmem>>, vector<16xf32>,
        %get3A_1269 = arith.index_cast %mul3A_1261 : i32 to index
        %get3A_1270 = tpu.vector_load %arg15[%get3A_1269] {strides = array<i32>} : memref<512xf32, #tpu.memory_space<vmem>>, vector<16xf32>,
        %mul3A_1271 = arith.mulf %get3A_1268, %get3A_1270 : vector<16xf32>
        %add3A_1272 = arith.addf %get3A_1266, %mul3A_1271 : vector<16xf32>
        %swap3A = arith.index_cast %add3A_1265 : i32 to index
        %swap3A_1273 = tpu.vector_load %arg16[%swap3A] {strides = array<i32>} : memref<1024xf32, #tpu.memory_space<vmem>>, vector<16xf32>,
        tpu.vector_store %arg16[%swap3A], %add3A_1272 {strides = array<i32>} : memref<1024xf32, #tpu.memory_space<vmem>>, vector<16xf32>,
      }
      %scan3A_369 = arith.constant 32 : i32
      %scan3A_370 = arith.constant 0 : i32
      %scan3A_371 = arith.constant 0 : i32
      %scan3A_372 = arith.constant 32 : i32
      %scan3A_373 = arith.addi %scan3A_371, %scan3A_372 : i32
      %scan3A_374 = arith.constant 1 : i32
      scf.for %scan3A_1259 = %scan3A_371 to %scan3A_373 step %scan3A_374  : i32 {
        %shift_right_logical3A_1260 = arith.constant 3 : i32
        %shift_right_logical3A_1261 = arith.shrui %scan3A_1259, %shift_right_logical3A_1260 : i32
        %and3A_1262 = arith.constant 7 : i32
        %and3A_1263 = arith.andi %scan3A_1259, %and3A_1262 : i32
        %mul3A_1264 = arith.constant 16 : i32
        %mul3A_1265 = arith.muli %and3A_1263, %mul3A_1264 : i32
        %add3A_1266 = arith.constant 4 : i32
        %add3A_1267 = arith.addi %add3A_1266, %shift_right_logical3A_1261 : i32
        %get3A = arith.index_cast %add3A_1267 : i32 to index
        %get3A_1268 = arith.index_cast %mul3A_1265 : i32 to index
        %get3A_1269 = tpu.vector_load %arg10[%get3A, %get3A_1268] {strides = array<i32>} : memref<8x128xi32, #tpu.memory_space<vmem>>, vector<16xi32>,
        %min3A = arith.constant 983039 : i32
        %min3A_1270 = vector.broadcast %min3A : i32 to vector<16xi32>
        %min3A_1271 = arith.minsi %get3A_1269, %min3A_1270 : vector<16xi32>
        %swap3A = arith.index_cast %shift_right_logical3A_1261 : i32 to index
        %swap3A_1272 = arith.index_cast %mul3A_1265 : i32 to index
        %swap3A_1273 = tpu.vector_load %arg12[%swap3A, %swap3A_1272] {strides = array<i32>} : memref<4x128xi32, #tpu.memory_space<vmem>>, vector<16xi32>,
        tpu.vector_store %arg12[%swap3A, %swap3A_1272], %min3A_1271 {strides = array<i32>} : memref<4x128xi32, #tpu.memory_space<vmem>>, vector<16xi32>,
        %add3A_1274 = arith.constant 4 : i32
        %add3A_1275 = arith.addi %add3A_1274, %shift_right_logical3A_1261 : i32
        %get3A_1276 = arith.index_cast %add3A_1275 : i32 to index
        %get3A_1277 = arith.index_cast %mul3A_1265 : i32 to index
        %get3A_1278 = tpu.vector_load %arg11[%get3A_1276, %get3A_1277] {strides = array<i32>} : memref<8x128xi32, #tpu.memory_space<vmem>>, vector<16xi32>,
        %min3A_1279 = arith.constant 983039 : i32
        %min3A_1280 = vector.broadcast %min3A_1279 : i32 to vector<16xi32>
        %min3A_1281 = arith.minsi %get3A_1278, %min3A_1280 : vector<16xi32>
        %swap3A_1282 = arith.index_cast %shift_right_logical3A_1261 : i32 to index
        %swap3A_1283 = arith.index_cast %mul3A_1265 : i32 to index
        %swap3A_1284 = tpu.vector_load %arg13[%swap3A_1282, %swap3A_1283] {strides = array<i32>} : memref<4x128xi32, #tpu.memory_space<vmem>>, vector<16xi32>,
        tpu.vector_store %arg13[%swap3A_1282, %swap3A_1283], %min3A_1281 {strides = array<i32>} : memref<4x128xi32, #tpu.memory_space<vmem>>, vector<16xi32>,
      }
      %scan3A_375 = arith.constant 32 : i32
      %dma_start3A_376 = arith.constant 0 : i32
      %dma_start3A_377 = arith.constant 0 : i32
      %dma_start3A_378 = tpu.memref_slice %arg14[%dma_start3A_377] : memref<512xf32, #tpu.memory_space<vmem>> -> memref<128xf32, #tpu.memory_space<vmem>>
      %dma_start3A_379 = arith.constant 0 : i32
      %dma_start3A_380 = tpu.memref_slice %arg12[%dma_start3A_376, %dma_start3A_379] : memref<4x128xi32, #tpu.memory_space<vmem>> -> memref<1x128xi32, #tpu.memory_space<vmem>>
      %dma_start3A_381 = tpu.memref_squeeze %dma_start3A_380 : memref<1x128xi32, #tpu.memory_space<vmem>> -> memref<128xi32, #tpu.memory_space<vmem>>
      %dma_start3A_382 = arith.constant 0 : i32
      %dma_start3A_383 = tpu.memref_slice %arg6[%dma_start3A_382] : memref<983040xf32, #tpu.memory_space<vmem_shared>> -> memref<983040xf32, #tpu.memory_space<vmem_shared>>
      tpu.enqueue_indirect_dma source(%dma_start3A_383 : memref<983040xf32, #tpu.memory_space<vmem_shared>>) target(%dma_start3A_378 : memref<128xf32, #tpu.memory_space<vmem>>) offsets(%dma_start3A_381 : memref<128xi32, #tpu.memory_space<vmem>>) semaphore(%arg18 : memref<!tpu.dma_semaphore, #tpu.memory_space<semaphore_mem>>)
      %dma_start3A_384 = arith.constant 0 : i32
      %dma_start3A_385 = arith.constant 0 : i32
      %dma_start3A_386 = tpu.memref_slice %arg15[%dma_start3A_385] : memref<512xf32, #tpu.memory_space<vmem>> -> memref<128xf32, #tpu.memory_space<vmem>>
      %dma_start3A_387 = arith.constant 0 : i32
      %dma_start3A_388 = tpu.memref_slice %arg13[%dma_start3A_384, %dma_start3A_387] : memref<4x128xi32, #tpu.memory_space<vmem>> -> memref<1x128xi32, #tpu.memory_space<vmem>>
      %dma_start3A_389 = tpu.memref_squeeze %dma_start3A_388 : memref<1x128xi32, #tpu.memory_space<vmem>> -> memref<128xi32, #tpu.memory_space<vmem>>
      %dma_start3A_390 = arith.constant 0 : i32
      %dma_start3A_391 = tpu.memref_slice %arg6[%dma_start3A_390] : memref<983040xf32, #tpu.memory_space<vmem_shared>> -> memref<983040xf32, #tpu.memory_space<vmem_shared>>
      tpu.enqueue_indirect_dma source(%dma_start3A_391 : memref<983040xf32, #tpu.memory_space<vmem_shared>>) target(%dma_start3A_386 : memref<128xf32, #tpu.memory_space<vmem>>) offsets(%dma_start3A_389 : memref<128xi32, #tpu.memory_space<vmem>>) semaphore(%arg18 : memref<!tpu.dma_semaphore, #tpu.memory_space<semaphore_mem>>)
      %dma_start3A_392 = arith.constant 1 : i32
      %dma_start3A_393 = arith.constant 128 : i32
      %dma_start3A_394 = tpu.memref_slice %arg14[%dma_start3A_393] : memref<512xf32, #tpu.memory_space<vmem>> -> memref<128xf32, #tpu.memory_space<vmem>>
      %dma_start3A_395 = arith.constant 0 : i32
      %dma_start3A_396 = tpu.memref_slice %arg12[%dma_start3A_392, %dma_start3A_395] : memref<4x128xi32, #tpu.memory_space<vmem>> -> memref<1x128xi32, #tpu.memory_space<vmem>>
      %dma_start3A_397 = tpu.memref_squeeze %dma_start3A_396 : memref<1x128xi32, #tpu.memory_space<vmem>> -> memref<128xi32, #tpu.memory_space<vmem>>
      %dma_start3A_398 = arith.constant 0 : i32
      %dma_start3A_399 = tpu.memref_slice %arg6[%dma_start3A_398] : memref<983040xf32, #tpu.memory_space<vmem_shared>> -> memref<983040xf32, #tpu.memory_space<vmem_shared>>
      tpu.enqueue_indirect_dma source(%dma_start3A_399 : memref<983040xf32, #tpu.memory_space<vmem_shared>>) target(%dma_start3A_394 : memref<128xf32, #tpu.memory_space<vmem>>) offsets(%dma_start3A_397 : memref<128xi32, #tpu.memory_space<vmem>>) semaphore(%arg18 : memref<!tpu.dma_semaphore, #tpu.memory_space<semaphore_mem>>)
      %dma_start3A_400 = arith.constant 1 : i32
      %dma_start3A_401 = arith.constant 128 : i32
      %dma_start3A_402 = tpu.memref_slice %arg15[%dma_start3A_401] : memref<512xf32, #tpu.memory_space<vmem>> -> memref<128xf32, #tpu.memory_space<vmem>>
      %dma_start3A_403 = arith.constant 0 : i32
      %dma_start3A_404 = tpu.memref_slice %arg13[%dma_start3A_400, %dma_start3A_403] : memref<4x128xi32, #tpu.memory_space<vmem>> -> memref<1x128xi32, #tpu.memory_space<vmem>>
      %dma_start3A_405 = tpu.memref_squeeze %dma_start3A_404 : memref<1x128xi32, #tpu.memory_space<vmem>> -> memref<128xi32, #tpu.memory_space<vmem>>
      %dma_start3A_406 = arith.constant 0 : i32
      %dma_start3A_407 = tpu.memref_slice %arg6[%dma_start3A_406] : memref<983040xf32, #tpu.memory_space<vmem_shared>> -> memref<983040xf32, #tpu.memory_space<vmem_shared>>
      tpu.enqueue_indirect_dma source(%dma_start3A_407 : memref<983040xf32, #tpu.memory_space<vmem_shared>>) target(%dma_start3A_402 : memref<128xf32, #tpu.memory_space<vmem>>) offsets(%dma_start3A_405 : memref<128xi32, #tpu.memory_space<vmem>>) semaphore(%arg18 : memref<!tpu.dma_semaphore, #tpu.memory_space<semaphore_mem>>)
      %dma_start3A_408 = arith.constant 2 : i32
      %dma_start3A_409 = arith.constant 256 : i32
      %dma_start3A_410 = tpu.memref_slice %arg14[%dma_start3A_409] : memref<512xf32, #tpu.memory_space<vmem>> -> memref<128xf32, #tpu.memory_space<vmem>>
      %dma_start3A_411 = arith.constant 0 : i32
      %dma_start3A_412 = tpu.memref_slice %arg12[%dma_start3A_408, %dma_start3A_411] : memref<4x128xi32, #tpu.memory_space<vmem>> -> memref<1x128xi32, #tpu.memory_space<vmem>>
      %dma_start3A_413 = tpu.memref_squeeze %dma_start3A_412 : memref<1x128xi32, #tpu.memory_space<vmem>> -> memref<128xi32, #tpu.memory_space<vmem>>
      %dma_start3A_414 = arith.constant 0 : i32
      %dma_start3A_415 = tpu.memref_slice %arg6[%dma_start3A_414] : memref<983040xf32, #tpu.memory_space<vmem_shared>> -> memref<983040xf32, #tpu.memory_space<vmem_shared>>
      tpu.enqueue_indirect_dma source(%dma_start3A_415 : memref<983040xf32, #tpu.memory_space<vmem_shared>>) target(%dma_start3A_410 : memref<128xf32, #tpu.memory_space<vmem>>) offsets(%dma_start3A_413 : memref<128xi32, #tpu.memory_space<vmem>>) semaphore(%arg18 : memref<!tpu.dma_semaphore, #tpu.memory_space<semaphore_mem>>)
      %dma_start3A_416 = arith.constant 2 : i32
      %dma_start3A_417 = arith.constant 256 : i32
      %dma_start3A_418 = tpu.memref_slice %arg15[%dma_start3A_417] : memref<512xf32, #tpu.memory_space<vmem>> -> memref<128xf32, #tpu.memory_space<vmem>>
      %dma_start3A_419 = arith.constant 0 : i32
      %dma_start3A_420 = tpu.memref_slice %arg13[%dma_start3A_416, %dma_start3A_419] : memref<4x128xi32, #tpu.memory_space<vmem>> -> memref<1x128xi32, #tpu.memory_space<vmem>>
      %dma_start3A_421 = tpu.memref_squeeze %dma_start3A_420 : memref<1x128xi32, #tpu.memory_space<vmem>> -> memref<128xi32, #tpu.memory_space<vmem>>
      %dma_start3A_422 = arith.constant 0 : i32
      %dma_start3A_423 = tpu.memref_slice %arg6[%dma_start3A_422] : memref<983040xf32, #tpu.memory_space<vmem_shared>> -> memref<983040xf32, #tpu.memory_space<vmem_shared>>
      tpu.enqueue_indirect_dma source(%dma_start3A_423 : memref<983040xf32, #tpu.memory_space<vmem_shared>>) target(%dma_start3A_418 : memref<128xf32, #tpu.memory_space<vmem>>) offsets(%dma_start3A_421 : memref<128xi32, #tpu.memory_space<vmem>>) semaphore(%arg18 : memref<!tpu.dma_semaphore, #tpu.memory_space<semaphore_mem>>)
      %dma_start3A_424 = arith.constant 3 : i32
      %dma_start3A_425 = arith.constant 384 : i32
      %dma_start3A_426 = tpu.memref_slice %arg14[%dma_start3A_425] : memref<512xf32, #tpu.memory_space<vmem>> -> memref<128xf32, #tpu.memory_space<vmem>>
      %dma_start3A_427 = arith.constant 0 : i32
      %dma_start3A_428 = tpu.memref_slice %arg12[%dma_start3A_424, %dma_start3A_427] : memref<4x128xi32, #tpu.memory_space<vmem>> -> memref<1x128xi32, #tpu.memory_space<vmem>>
      %dma_start3A_429 = tpu.memref_squeeze %dma_start3A_428 : memref<1x128xi32, #tpu.memory_space<vmem>> -> memref<128xi32, #tpu.memory_space<vmem>>
      %dma_start3A_430 = arith.constant 0 : i32
      %dma_start3A_431 = tpu.memref_slice %arg6[%dma_start3A_430] : memref<983040xf32, #tpu.memory_space<vmem_shared>> -> memref<983040xf32, #tpu.memory_space<vmem_shared>>
      tpu.enqueue_indirect_dma source(%dma_start3A_431 : memref<983040xf32, #tpu.memory_space<vmem_shared>>) target(%dma_start3A_426 : memref<128xf32, #tpu.memory_space<vmem>>) offsets(%dma_start3A_429 : memref<128xi32, #tpu.memory_space<vmem>>) semaphore(%arg18 : memref<!tpu.dma_semaphore, #tpu.memory_space<semaphore_mem>>)
      %dma_start3A_432 = arith.constant 3 : i32
      %dma_start3A_433 = arith.constant 384 : i32
      %dma_start3A_434 = tpu.memref_slice %arg15[%dma_start3A_433] : memref<512xf32, #tpu.memory_space<vmem>> -> memref<128xf32, #tpu.memory_space<vmem>>
      %dma_start3A_435 = arith.constant 0 : i32
      %dma_start3A_436 = tpu.memref_slice %arg13[%dma_start3A_432, %dma_start3A_435] : memref<4x128xi32, #tpu.memory_space<vmem>> -> memref<1x128xi32, #tpu.memory_space<vmem>>
      %dma_start3A_437 = tpu.memref_squeeze %dma_start3A_436 : memref<1x128xi32, #tpu.memory_space<vmem>> -> memref<128xi32, #tpu.memory_space<vmem>>
      %dma_start3A_438 = arith.constant 0 : i32
      %dma_start3A_439 = tpu.memref_slice %arg6[%dma_start3A_438] : memref<983040xf32, #tpu.memory_space<vmem_shared>> -> memref<983040xf32, #tpu.memory_space<vmem_shared>>
      tpu.enqueue_indirect_dma source(%dma_start3A_439 : memref<983040xf32, #tpu.memory_space<vmem_shared>>) target(%dma_start3A_434 : memref<128xf32, #tpu.memory_space<vmem>>) offsets(%dma_start3A_437 : memref<128xi32, #tpu.memory_space<vmem>>) semaphore(%arg18 : memref<!tpu.dma_semaphore, #tpu.memory_space<semaphore_mem>>)
      %dma_wait3A_440 = arith.constant 0 : i32
      %dma_wait3A_441 = arith.constant 0 : i32
      %dma_wait3A_442 = tpu.memref_slice %arg14[%dma_wait3A_441] : memref<512xf32, #tpu.memory_space<vmem>> -> memref<128xf32, #tpu.memory_space<vmem>>
      %dma_wait3A_443 = arith.constant 0 : i32
      %dma_wait3A_444 = tpu.memref_slice %arg12[%dma_wait3A_440, %dma_wait3A_443] : memref<4x128xi32, #tpu.memory_space<vmem>> -> memref<1x128xi32, #tpu.memory_space<vmem>>
      %dma_wait3A_445 = tpu.memref_squeeze %dma_wait3A_444 : memref<1x128xi32, #tpu.memory_space<vmem>> -> memref<128xi32, #tpu.memory_space<vmem>>
      %dma_wait3A_446 = arith.constant 0 : i32
      %dma_wait3A_447 = tpu.memref_slice %arg6[%dma_wait3A_446] : memref<983040xf32, #tpu.memory_space<vmem_shared>> -> memref<983040xf32, #tpu.memory_space<vmem_shared>>
      tpu.wait_indirect_dma semaphore(%arg18 : memref<!tpu.dma_semaphore, #tpu.memory_space<semaphore_mem>>) src(%dma_wait3A_447 : memref<983040xf32, #tpu.memory_space<vmem_shared>>) dst(%dma_wait3A_442 : memref<128xf32, #tpu.memory_space<vmem>>)
      %dma_wait3A_448 = arith.constant 0 : i32
      %dma_wait3A_449 = arith.constant 0 : i32
      %dma_wait3A_450 = tpu.memref_slice %arg15[%dma_wait3A_449] : memref<512xf32, #tpu.memory_space<vmem>> -> memref<128xf32, #tpu.memory_space<vmem>>
      %dma_wait3A_451 = arith.constant 0 : i32
      %dma_wait3A_452 = tpu.memref_slice %arg13[%dma_wait3A_448, %dma_wait3A_451] : memref<4x128xi32, #tpu.memory_space<vmem>> -> memref<1x128xi32, #tpu.memory_space<vmem>>
      %dma_wait3A_453 = tpu.memref_squeeze %dma_wait3A_452 : memref<1x128xi32, #tpu.memory_space<vmem>> -> memref<128xi32, #tpu.memory_space<vmem>>
      %dma_wait3A_454 = arith.constant 0 : i32
      %dma_wait3A_455 = tpu.memref_slice %arg6[%dma_wait3A_454] : memref<983040xf32, #tpu.memory_space<vmem_shared>> -> memref<983040xf32, #tpu.memory_space<vmem_shared>>
      tpu.wait_indirect_dma semaphore(%arg18 : memref<!tpu.dma_semaphore, #tpu.memory_space<semaphore_mem>>) src(%dma_wait3A_455 : memref<983040xf32, #tpu.memory_space<vmem_shared>>) dst(%dma_wait3A_450 : memref<128xf32, #tpu.memory_space<vmem>>)
      %dma_wait3A_456 = arith.constant 1 : i32
      %dma_wait3A_457 = arith.constant 128 : i32
      %dma_wait3A_458 = tpu.memref_slice %arg14[%dma_wait3A_457] : memref<512xf32, #tpu.memory_space<vmem>> -> memref<128xf32, #tpu.memory_space<vmem>>
      %dma_wait3A_459 = arith.constant 0 : i32
      %dma_wait3A_460 = tpu.memref_slice %arg12[%dma_wait3A_456, %dma_wait3A_459] : memref<4x128xi32, #tpu.memory_space<vmem>> -> memref<1x128xi32, #tpu.memory_space<vmem>>
      %dma_wait3A_461 = tpu.memref_squeeze %dma_wait3A_460 : memref<1x128xi32, #tpu.memory_space<vmem>> -> memref<128xi32, #tpu.memory_space<vmem>>
      %dma_wait3A_462 = arith.constant 0 : i32
      %dma_wait3A_463 = tpu.memref_slice %arg6[%dma_wait3A_462] : memref<983040xf32, #tpu.memory_space<vmem_shared>> -> memref<983040xf32, #tpu.memory_space<vmem_shared>>
      tpu.wait_indirect_dma semaphore(%arg18 : memref<!tpu.dma_semaphore, #tpu.memory_space<semaphore_mem>>) src(%dma_wait3A_463 : memref<983040xf32, #tpu.memory_space<vmem_shared>>) dst(%dma_wait3A_458 : memref<128xf32, #tpu.memory_space<vmem>>)
      %dma_wait3A_464 = arith.constant 1 : i32
      %dma_wait3A_465 = arith.constant 128 : i32
      %dma_wait3A_466 = tpu.memref_slice %arg15[%dma_wait3A_465] : memref<512xf32, #tpu.memory_space<vmem>> -> memref<128xf32, #tpu.memory_space<vmem>>
      %dma_wait3A_467 = arith.constant 0 : i32
      %dma_wait3A_468 = tpu.memref_slice %arg13[%dma_wait3A_464, %dma_wait3A_467] : memref<4x128xi32, #tpu.memory_space<vmem>> -> memref<1x128xi32, #tpu.memory_space<vmem>>
      %dma_wait3A_469 = tpu.memref_squeeze %dma_wait3A_468 : memref<1x128xi32, #tpu.memory_space<vmem>> -> memref<128xi32, #tpu.memory_space<vmem>>
      %dma_wait3A_470 = arith.constant 0 : i32
      %dma_wait3A_471 = tpu.memref_slice %arg6[%dma_wait3A_470] : memref<983040xf32, #tpu.memory_space<vmem_shared>> -> memref<983040xf32, #tpu.memory_space<vmem_shared>>
      tpu.wait_indirect_dma semaphore(%arg18 : memref<!tpu.dma_semaphore, #tpu.memory_space<semaphore_mem>>) src(%dma_wait3A_471 : memref<983040xf32, #tpu.memory_space<vmem_shared>>) dst(%dma_wait3A_466 : memref<128xf32, #tpu.memory_space<vmem>>)
      %dma_wait3A_472 = arith.constant 2 : i32
      %dma_wait3A_473 = arith.constant 256 : i32
      %dma_wait3A_474 = tpu.memref_slice %arg14[%dma_wait3A_473] : memref<512xf32, #tpu.memory_space<vmem>> -> memref<128xf32, #tpu.memory_space<vmem>>
      %dma_wait3A_475 = arith.constant 0 : i32
      %dma_wait3A_476 = tpu.memref_slice %arg12[%dma_wait3A_472, %dma_wait3A_475] : memref<4x128xi32, #tpu.memory_space<vmem>> -> memref<1x128xi32, #tpu.memory_space<vmem>>
      %dma_wait3A_477 = tpu.memref_squeeze %dma_wait3A_476 : memref<1x128xi32, #tpu.memory_space<vmem>> -> memref<128xi32, #tpu.memory_space<vmem>>
      %dma_wait3A_478 = arith.constant 0 : i32
      %dma_wait3A_479 = tpu.memref_slice %arg6[%dma_wait3A_478] : memref<983040xf32, #tpu.memory_space<vmem_shared>> -> memref<983040xf32, #tpu.memory_space<vmem_shared>>
      tpu.wait_indirect_dma semaphore(%arg18 : memref<!tpu.dma_semaphore, #tpu.memory_space<semaphore_mem>>) src(%dma_wait3A_479 : memref<983040xf32, #tpu.memory_space<vmem_shared>>) dst(%dma_wait3A_474 : memref<128xf32, #tpu.memory_space<vmem>>)
      %dma_wait3A_480 = arith.constant 2 : i32
      %dma_wait3A_481 = arith.constant 256 : i32
      %dma_wait3A_482 = tpu.memref_slice %arg15[%dma_wait3A_481] : memref<512xf32, #tpu.memory_space<vmem>> -> memref<128xf32, #tpu.memory_space<vmem>>
      %dma_wait3A_483 = arith.constant 0 : i32
      %dma_wait3A_484 = tpu.memref_slice %arg13[%dma_wait3A_480, %dma_wait3A_483] : memref<4x128xi32, #tpu.memory_space<vmem>> -> memref<1x128xi32, #tpu.memory_space<vmem>>
      %dma_wait3A_485 = tpu.memref_squeeze %dma_wait3A_484 : memref<1x128xi32, #tpu.memory_space<vmem>> -> memref<128xi32, #tpu.memory_space<vmem>>
      %dma_wait3A_486 = arith.constant 0 : i32
      %dma_wait3A_487 = tpu.memref_slice %arg6[%dma_wait3A_486] : memref<983040xf32, #tpu.memory_space<vmem_shared>> -> memref<983040xf32, #tpu.memory_space<vmem_shared>>
      tpu.wait_indirect_dma semaphore(%arg18 : memref<!tpu.dma_semaphore, #tpu.memory_space<semaphore_mem>>) src(%dma_wait3A_487 : memref<983040xf32, #tpu.memory_space<vmem_shared>>) dst(%dma_wait3A_482 : memref<128xf32, #tpu.memory_space<vmem>>)
      %dma_wait3A_488 = arith.constant 3 : i32
      %dma_wait3A_489 = arith.constant 384 : i32
      %dma_wait3A_490 = tpu.memref_slice %arg14[%dma_wait3A_489] : memref<512xf32, #tpu.memory_space<vmem>> -> memref<128xf32, #tpu.memory_space<vmem>>
      %dma_wait3A_491 = arith.constant 0 : i32
      %dma_wait3A_492 = tpu.memref_slice %arg12[%dma_wait3A_488, %dma_wait3A_491] : memref<4x128xi32, #tpu.memory_space<vmem>> -> memref<1x128xi32, #tpu.memory_space<vmem>>
      %dma_wait3A_493 = tpu.memref_squeeze %dma_wait3A_492 : memref<1x128xi32, #tpu.memory_space<vmem>> -> memref<128xi32, #tpu.memory_space<vmem>>
      %dma_wait3A_494 = arith.constant 0 : i32
      %dma_wait3A_495 = tpu.memref_slice %arg6[%dma_wait3A_494] : memref<983040xf32, #tpu.memory_space<vmem_shared>> -> memref<983040xf32, #tpu.memory_space<vmem_shared>>
      tpu.wait_indirect_dma semaphore(%arg18 : memref<!tpu.dma_semaphore, #tpu.memory_space<semaphore_mem>>) src(%dma_wait3A_495 : memref<983040xf32, #tpu.memory_space<vmem_shared>>) dst(%dma_wait3A_490 : memref<128xf32, #tpu.memory_space<vmem>>)
      %dma_wait3A_496 = arith.constant 3 : i32
      %dma_wait3A_497 = arith.constant 384 : i32
      %dma_wait3A_498 = tpu.memref_slice %arg15[%dma_wait3A_497] : memref<512xf32, #tpu.memory_space<vmem>> -> memref<128xf32, #tpu.memory_space<vmem>>
      %dma_wait3A_499 = arith.constant 0 : i32
      %dma_wait3A_500 = tpu.memref_slice %arg13[%dma_wait3A_496, %dma_wait3A_499] : memref<4x128xi32, #tpu.memory_space<vmem>> -> memref<1x128xi32, #tpu.memory_space<vmem>>
      %dma_wait3A_501 = tpu.memref_squeeze %dma_wait3A_500 : memref<1x128xi32, #tpu.memory_space<vmem>> -> memref<128xi32, #tpu.memory_space<vmem>>
      %dma_wait3A_502 = arith.constant 0 : i32
      %dma_wait3A_503 = tpu.memref_slice %arg6[%dma_wait3A_502] : memref<983040xf32, #tpu.memory_space<vmem_shared>> -> memref<983040xf32, #tpu.memory_space<vmem_shared>>
      tpu.wait_indirect_dma semaphore(%arg18 : memref<!tpu.dma_semaphore, #tpu.memory_space<semaphore_mem>>) src(%dma_wait3A_503 : memref<983040xf32, #tpu.memory_space<vmem_shared>>) dst(%dma_wait3A_498 : memref<128xf32, #tpu.memory_space<vmem>>)
      %scan3A_504 = arith.constant 0 : i32
      %scan3A_505 = arith.constant 0 : i32
      %scan3A_506 = arith.constant 32 : i32
      %scan3A_507 = arith.addi %scan3A_505, %scan3A_506 : i32
      %scan3A_508 = arith.constant 1 : i32
      scf.for %scan3A_1259 = %scan3A_505 to %scan3A_507 step %scan3A_508  : i32 {
        %shift_right_logical3A_1260 = arith.constant 3 : i32
        %shift_right_logical3A_1261 = arith.shrui %scan3A_1259, %shift_right_logical3A_1260 : i32
        %and3A_1262 = arith.constant 7 : i32
        %and3A_1263 = arith.andi %scan3A_1259, %and3A_1262 : i32
        %mul3A_1264 = arith.constant 16 : i32
        %mul3A_1265 = arith.muli %and3A_1263, %mul3A_1264 : i32
        %add3A_1266 = arith.constant 4 : i32
        %add3A_1267 = arith.addi %add3A_1266, %shift_right_logical3A_1261 : i32
        %get3A = arith.index_cast %add3A_1267 : i32 to index
        %get3A_1268 = arith.index_cast %mul3A_1265 : i32 to index
        %get3A_1269 = tpu.vector_load %arg10[%get3A, %get3A_1268] {strides = array<i32>} : memref<8x128xi32, #tpu.memory_space<vmem>>, vector<16xi32>,
        %add3A_1270 = arith.constant 4 : i32
        %add3A_1271 = arith.addi %add3A_1270, %shift_right_logical3A_1261 : i32
        %get3A_1272 = arith.index_cast %add3A_1271 : i32 to index
        %get3A_1273 = arith.index_cast %mul3A_1265 : i32 to index
        %get3A_1274 = tpu.vector_load %arg11[%get3A_1272, %get3A_1273] {strides = array<i32>} : memref<8x128xi32, #tpu.memory_space<vmem>>, vector<16xi32>,
        %ge3A = arith.constant 983040 : i32
        %ge3A_1275 = vector.broadcast %ge3A : i32 to vector<16xi32>
        %ge3A_1276 = arith.cmpi sge, %get3A_1269, %ge3A_1275 : vector<16xi32>
        %sub3A = arith.constant 983040 : i32
        %sub3A_1277 = vector.broadcast %sub3A : i32 to vector<16xi32>
        %sub3A_1278 = arith.subi %get3A_1269, %sub3A_1277 : vector<16xi32>
        %jit3A = arith.constant -1 : i32
        %broadcast_in_dim3A = vector.broadcast %jit3A : i32 to vector<16xi32>
        %select_n3A = arith.select %ge3A_1276, %sub3A_1278, %broadcast_in_dim3A : vector<16xi1>, vector<16xi32>
        %swap3A = arith.index_cast %shift_right_logical3A_1261 : i32 to index
        %swap3A_1279 = arith.index_cast %mul3A_1265 : i32 to index
        %swap3A_1280 = tpu.vector_load %arg12[%swap3A, %swap3A_1279] {strides = array<i32>} : memref<4x128xi32, #tpu.memory_space<vmem>>, vector<16xi32>,
        tpu.vector_store %arg12[%swap3A, %swap3A_1279], %select_n3A {strides = array<i32>} : memref<4x128xi32, #tpu.memory_space<vmem>>, vector<16xi32>,
        %ge3A_1281 = arith.constant 983040 : i32
        %ge3A_1282 = vector.broadcast %ge3A_1281 : i32 to vector<16xi32>
        %ge3A_1283 = arith.cmpi sge, %get3A_1274, %ge3A_1282 : vector<16xi32>
        %sub3A_1284 = arith.constant 983040 : i32
        %sub3A_1285 = vector.broadcast %sub3A_1284 : i32 to vector<16xi32>
        %sub3A_1286 = arith.subi %get3A_1274, %sub3A_1285 : vector<16xi32>
        %jit3A_1287 = arith.constant -1 : i32
        %broadcast_in_dim3A_1288 = vector.broadcast %jit3A_1287 : i32 to vector<16xi32>
        %select_n3A_1289 = arith.select %ge3A_1283, %sub3A_1286, %broadcast_in_dim3A_1288 : vector<16xi1>, vector<16xi32>
        %swap3A_1290 = arith.index_cast %shift_right_logical3A_1261 : i32 to index
        %swap3A_1291 = arith.index_cast %mul3A_1265 : i32 to index
        %swap3A_1292 = tpu.vector_load %arg13[%swap3A_1290, %swap3A_1291] {strides = array<i32>} : memref<4x128xi32, #tpu.memory_space<vmem>>, vector<16xi32>,
        tpu.vector_store %arg13[%swap3A_1290, %swap3A_1291], %select_n3A_1289 {strides = array<i32>} : memref<4x128xi32, #tpu.memory_space<vmem>>, vector<16xi32>,
      }
      %scan3A_509 = arith.constant 32 : i32
      %dma_start3A_510 = arith.constant 0 : i32
      %dma_start3A_511 = arith.constant 0 : i32
      %dma_start3A_512 = tpu.memref_slice %arg14[%dma_start3A_511] : memref<512xf32, #tpu.memory_space<vmem>> -> memref<128xf32, #tpu.memory_space<vmem>>
      %dma_start3A_513 = arith.constant 0 : i32
      %dma_start3A_514 = tpu.memref_slice %arg12[%dma_start3A_510, %dma_start3A_513] : memref<4x128xi32, #tpu.memory_space<vmem>> -> memref<1x128xi32, #tpu.memory_space<vmem>>
      %dma_start3A_515 = tpu.memref_squeeze %dma_start3A_514 : memref<1x128xi32, #tpu.memory_space<vmem>> -> memref<128xi32, #tpu.memory_space<vmem>>
      %dma_start3A_516 = arith.constant 0 : i32
      %dma_start3A_517 = tpu.memref_slice %arg8[%dma_start3A_516] : memref<16960xf32, #tpu.memory_space<vmem_shared>> -> memref<16960xf32, #tpu.memory_space<vmem_shared>>
      %dma_start3A_518 = arith.constant -1 : i32
      tpu.enqueue_indirect_dma source(%dma_start3A_517 : memref<16960xf32, #tpu.memory_space<vmem_shared>>) target(%dma_start3A_512 : memref<128xf32, #tpu.memory_space<vmem>>) offsets(%dma_start3A_515 : memref<128xi32, #tpu.memory_space<vmem>>) offset_filter(%dma_start3A_518) semaphore(%arg18 : memref<!tpu.dma_semaphore, #tpu.memory_space<semaphore_mem>>)
      %dma_start3A_519 = arith.constant 0 : i32
      %dma_start3A_520 = arith.constant 0 : i32
      %dma_start3A_521 = tpu.memref_slice %arg15[%dma_start3A_520] : memref<512xf32, #tpu.memory_space<vmem>> -> memref<128xf32, #tpu.memory_space<vmem>>
      %dma_start3A_522 = arith.constant 0 : i32
      %dma_start3A_523 = tpu.memref_slice %arg13[%dma_start3A_519, %dma_start3A_522] : memref<4x128xi32, #tpu.memory_space<vmem>> -> memref<1x128xi32, #tpu.memory_space<vmem>>
      %dma_start3A_524 = tpu.memref_squeeze %dma_start3A_523 : memref<1x128xi32, #tpu.memory_space<vmem>> -> memref<128xi32, #tpu.memory_space<vmem>>
      %dma_start3A_525 = arith.constant 0 : i32
      %dma_start3A_526 = tpu.memref_slice %arg8[%dma_start3A_525] : memref<16960xf32, #tpu.memory_space<vmem_shared>> -> memref<16960xf32, #tpu.memory_space<vmem_shared>>
      %dma_start3A_527 = arith.constant -1 : i32
      tpu.enqueue_indirect_dma source(%dma_start3A_526 : memref<16960xf32, #tpu.memory_space<vmem_shared>>) target(%dma_start3A_521 : memref<128xf32, #tpu.memory_space<vmem>>) offsets(%dma_start3A_524 : memref<128xi32, #tpu.memory_space<vmem>>) offset_filter(%dma_start3A_527) semaphore(%arg18 : memref<!tpu.dma_semaphore, #tpu.memory_space<semaphore_mem>>)
      %dma_start3A_528 = arith.constant 1 : i32
      %dma_start3A_529 = arith.constant 128 : i32
      %dma_start3A_530 = tpu.memref_slice %arg14[%dma_start3A_529] : memref<512xf32, #tpu.memory_space<vmem>> -> memref<128xf32, #tpu.memory_space<vmem>>
      %dma_start3A_531 = arith.constant 0 : i32
      %dma_start3A_532 = tpu.memref_slice %arg12[%dma_start3A_528, %dma_start3A_531] : memref<4x128xi32, #tpu.memory_space<vmem>> -> memref<1x128xi32, #tpu.memory_space<vmem>>
      %dma_start3A_533 = tpu.memref_squeeze %dma_start3A_532 : memref<1x128xi32, #tpu.memory_space<vmem>> -> memref<128xi32, #tpu.memory_space<vmem>>
      %dma_start3A_534 = arith.constant 0 : i32
      %dma_start3A_535 = tpu.memref_slice %arg8[%dma_start3A_534] : memref<16960xf32, #tpu.memory_space<vmem_shared>> -> memref<16960xf32, #tpu.memory_space<vmem_shared>>
      %dma_start3A_536 = arith.constant -1 : i32
      tpu.enqueue_indirect_dma source(%dma_start3A_535 : memref<16960xf32, #tpu.memory_space<vmem_shared>>) target(%dma_start3A_530 : memref<128xf32, #tpu.memory_space<vmem>>) offsets(%dma_start3A_533 : memref<128xi32, #tpu.memory_space<vmem>>) offset_filter(%dma_start3A_536) semaphore(%arg18 : memref<!tpu.dma_semaphore, #tpu.memory_space<semaphore_mem>>)
      %dma_start3A_537 = arith.constant 1 : i32
      %dma_start3A_538 = arith.constant 128 : i32
      %dma_start3A_539 = tpu.memref_slice %arg15[%dma_start3A_538] : memref<512xf32, #tpu.memory_space<vmem>> -> memref<128xf32, #tpu.memory_space<vmem>>
      %dma_start3A_540 = arith.constant 0 : i32
      %dma_start3A_541 = tpu.memref_slice %arg13[%dma_start3A_537, %dma_start3A_540] : memref<4x128xi32, #tpu.memory_space<vmem>> -> memref<1x128xi32, #tpu.memory_space<vmem>>
      %dma_start3A_542 = tpu.memref_squeeze %dma_start3A_541 : memref<1x128xi32, #tpu.memory_space<vmem>> -> memref<128xi32, #tpu.memory_space<vmem>>
      %dma_start3A_543 = arith.constant 0 : i32
      %dma_start3A_544 = tpu.memref_slice %arg8[%dma_start3A_543] : memref<16960xf32, #tpu.memory_space<vmem_shared>> -> memref<16960xf32, #tpu.memory_space<vmem_shared>>
      %dma_start3A_545 = arith.constant -1 : i32
      tpu.enqueue_indirect_dma source(%dma_start3A_544 : memref<16960xf32, #tpu.memory_space<vmem_shared>>) target(%dma_start3A_539 : memref<128xf32, #tpu.memory_space<vmem>>) offsets(%dma_start3A_542 : memref<128xi32, #tpu.memory_space<vmem>>) offset_filter(%dma_start3A_545) semaphore(%arg18 : memref<!tpu.dma_semaphore, #tpu.memory_space<semaphore_mem>>)
      %dma_start3A_546 = arith.constant 2 : i32
      %dma_start3A_547 = arith.constant 256 : i32
      %dma_start3A_548 = tpu.memref_slice %arg14[%dma_start3A_547] : memref<512xf32, #tpu.memory_space<vmem>> -> memref<128xf32, #tpu.memory_space<vmem>>
      %dma_start3A_549 = arith.constant 0 : i32
      %dma_start3A_550 = tpu.memref_slice %arg12[%dma_start3A_546, %dma_start3A_549] : memref<4x128xi32, #tpu.memory_space<vmem>> -> memref<1x128xi32, #tpu.memory_space<vmem>>
      %dma_start3A_551 = tpu.memref_squeeze %dma_start3A_550 : memref<1x128xi32, #tpu.memory_space<vmem>> -> memref<128xi32, #tpu.memory_space<vmem>>
      %dma_start3A_552 = arith.constant 0 : i32
      %dma_start3A_553 = tpu.memref_slice %arg8[%dma_start3A_552] : memref<16960xf32, #tpu.memory_space<vmem_shared>> -> memref<16960xf32, #tpu.memory_space<vmem_shared>>
      %dma_start3A_554 = arith.constant -1 : i32
      tpu.enqueue_indirect_dma source(%dma_start3A_553 : memref<16960xf32, #tpu.memory_space<vmem_shared>>) target(%dma_start3A_548 : memref<128xf32, #tpu.memory_space<vmem>>) offsets(%dma_start3A_551 : memref<128xi32, #tpu.memory_space<vmem>>) offset_filter(%dma_start3A_554) semaphore(%arg18 : memref<!tpu.dma_semaphore, #tpu.memory_space<semaphore_mem>>)
      %dma_start3A_555 = arith.constant 2 : i32
      %dma_start3A_556 = arith.constant 256 : i32
      %dma_start3A_557 = tpu.memref_slice %arg15[%dma_start3A_556] : memref<512xf32, #tpu.memory_space<vmem>> -> memref<128xf32, #tpu.memory_space<vmem>>
      %dma_start3A_558 = arith.constant 0 : i32
      %dma_start3A_559 = tpu.memref_slice %arg13[%dma_start3A_555, %dma_start3A_558] : memref<4x128xi32, #tpu.memory_space<vmem>> -> memref<1x128xi32, #tpu.memory_space<vmem>>
      %dma_start3A_560 = tpu.memref_squeeze %dma_start3A_559 : memref<1x128xi32, #tpu.memory_space<vmem>> -> memref<128xi32, #tpu.memory_space<vmem>>
      %dma_start3A_561 = arith.constant 0 : i32
      %dma_start3A_562 = tpu.memref_slice %arg8[%dma_start3A_561] : memref<16960xf32, #tpu.memory_space<vmem_shared>> -> memref<16960xf32, #tpu.memory_space<vmem_shared>>
      %dma_start3A_563 = arith.constant -1 : i32
      tpu.enqueue_indirect_dma source(%dma_start3A_562 : memref<16960xf32, #tpu.memory_space<vmem_shared>>) target(%dma_start3A_557 : memref<128xf32, #tpu.memory_space<vmem>>) offsets(%dma_start3A_560 : memref<128xi32, #tpu.memory_space<vmem>>) offset_filter(%dma_start3A_563) semaphore(%arg18 : memref<!tpu.dma_semaphore, #tpu.memory_space<semaphore_mem>>)
      %dma_start3A_564 = arith.constant 3 : i32
      %dma_start3A_565 = arith.constant 384 : i32
      %dma_start3A_566 = tpu.memref_slice %arg14[%dma_start3A_565] : memref<512xf32, #tpu.memory_space<vmem>> -> memref<128xf32, #tpu.memory_space<vmem>>
      %dma_start3A_567 = arith.constant 0 : i32
      %dma_start3A_568 = tpu.memref_slice %arg12[%dma_start3A_564, %dma_start3A_567] : memref<4x128xi32, #tpu.memory_space<vmem>> -> memref<1x128xi32, #tpu.memory_space<vmem>>
      %dma_start3A_569 = tpu.memref_squeeze %dma_start3A_568 : memref<1x128xi32, #tpu.memory_space<vmem>> -> memref<128xi32, #tpu.memory_space<vmem>>
      %dma_start3A_570 = arith.constant 0 : i32
      %dma_start3A_571 = tpu.memref_slice %arg8[%dma_start3A_570] : memref<16960xf32, #tpu.memory_space<vmem_shared>> -> memref<16960xf32, #tpu.memory_space<vmem_shared>>
      %dma_start3A_572 = arith.constant -1 : i32
      tpu.enqueue_indirect_dma source(%dma_start3A_571 : memref<16960xf32, #tpu.memory_space<vmem_shared>>) target(%dma_start3A_566 : memref<128xf32, #tpu.memory_space<vmem>>) offsets(%dma_start3A_569 : memref<128xi32, #tpu.memory_space<vmem>>) offset_filter(%dma_start3A_572) semaphore(%arg18 : memref<!tpu.dma_semaphore, #tpu.memory_space<semaphore_mem>>)
      %dma_start3A_573 = arith.constant 3 : i32
      %dma_start3A_574 = arith.constant 384 : i32
      %dma_start3A_575 = tpu.memref_slice %arg15[%dma_start3A_574] : memref<512xf32, #tpu.memory_space<vmem>> -> memref<128xf32, #tpu.memory_space<vmem>>
      %dma_start3A_576 = arith.constant 0 : i32
      %dma_start3A_577 = tpu.memref_slice %arg13[%dma_start3A_573, %dma_start3A_576] : memref<4x128xi32, #tpu.memory_space<vmem>> -> memref<1x128xi32, #tpu.memory_space<vmem>>
      %dma_start3A_578 = tpu.memref_squeeze %dma_start3A_577 : memref<1x128xi32, #tpu.memory_space<vmem>> -> memref<128xi32, #tpu.memory_space<vmem>>
      %dma_start3A_579 = arith.constant 0 : i32
      %dma_start3A_580 = tpu.memref_slice %arg8[%dma_start3A_579] : memref<16960xf32, #tpu.memory_space<vmem_shared>> -> memref<16960xf32, #tpu.memory_space<vmem_shared>>
      %dma_start3A_581 = arith.constant -1 : i32
      tpu.enqueue_indirect_dma source(%dma_start3A_580 : memref<16960xf32, #tpu.memory_space<vmem_shared>>) target(%dma_start3A_575 : memref<128xf32, #tpu.memory_space<vmem>>) offsets(%dma_start3A_578 : memref<128xi32, #tpu.memory_space<vmem>>) offset_filter(%dma_start3A_581) semaphore(%arg18 : memref<!tpu.dma_semaphore, #tpu.memory_space<semaphore_mem>>)
      %dma_wait3A_582 = arith.constant 0 : i32
      %dma_wait3A_583 = arith.constant 0 : i32
      %dma_wait3A_584 = tpu.memref_slice %arg14[%dma_wait3A_583] : memref<512xf32, #tpu.memory_space<vmem>> -> memref<128xf32, #tpu.memory_space<vmem>>
      %dma_wait3A_585 = arith.constant 0 : i32
      %dma_wait3A_586 = tpu.memref_slice %arg12[%dma_wait3A_582, %dma_wait3A_585] : memref<4x128xi32, #tpu.memory_space<vmem>> -> memref<1x128xi32, #tpu.memory_space<vmem>>
      %dma_wait3A_587 = tpu.memref_squeeze %dma_wait3A_586 : memref<1x128xi32, #tpu.memory_space<vmem>> -> memref<128xi32, #tpu.memory_space<vmem>>
      %dma_wait3A_588 = arith.constant 0 : i32
      %dma_wait3A_589 = tpu.memref_slice %arg8[%dma_wait3A_588] : memref<16960xf32, #tpu.memory_space<vmem_shared>> -> memref<16960xf32, #tpu.memory_space<vmem_shared>>
      tpu.wait_indirect_dma semaphore(%arg18 : memref<!tpu.dma_semaphore, #tpu.memory_space<semaphore_mem>>) src(%dma_wait3A_589 : memref<16960xf32, #tpu.memory_space<vmem_shared>>) dst(%dma_wait3A_584 : memref<128xf32, #tpu.memory_space<vmem>>)
      %dma_wait3A_590 = arith.constant 0 : i32
      %dma_wait3A_591 = arith.constant 0 : i32
      %dma_wait3A_592 = tpu.memref_slice %arg15[%dma_wait3A_591] : memref<512xf32, #tpu.memory_space<vmem>> -> memref<128xf32, #tpu.memory_space<vmem>>
      %dma_wait3A_593 = arith.constant 0 : i32
      %dma_wait3A_594 = tpu.memref_slice %arg13[%dma_wait3A_590, %dma_wait3A_593] : memref<4x128xi32, #tpu.memory_space<vmem>> -> memref<1x128xi32, #tpu.memory_space<vmem>>
      %dma_wait3A_595 = tpu.memref_squeeze %dma_wait3A_594 : memref<1x128xi32, #tpu.memory_space<vmem>> -> memref<128xi32, #tpu.memory_space<vmem>>
      %dma_wait3A_596 = arith.constant 0 : i32
      %dma_wait3A_597 = tpu.memref_slice %arg8[%dma_wait3A_596] : memref<16960xf32, #tpu.memory_space<vmem_shared>> -> memref<16960xf32, #tpu.memory_space<vmem_shared>>
      tpu.wait_indirect_dma semaphore(%arg18 : memref<!tpu.dma_semaphore, #tpu.memory_space<semaphore_mem>>) src(%dma_wait3A_597 : memref<16960xf32, #tpu.memory_space<vmem_shared>>) dst(%dma_wait3A_592 : memref<128xf32, #tpu.memory_space<vmem>>)
      %dma_wait3A_598 = arith.constant 1 : i32
      %dma_wait3A_599 = arith.constant 128 : i32
      %dma_wait3A_600 = tpu.memref_slice %arg14[%dma_wait3A_599] : memref<512xf32, #tpu.memory_space<vmem>> -> memref<128xf32, #tpu.memory_space<vmem>>
      %dma_wait3A_601 = arith.constant 0 : i32
      %dma_wait3A_602 = tpu.memref_slice %arg12[%dma_wait3A_598, %dma_wait3A_601] : memref<4x128xi32, #tpu.memory_space<vmem>> -> memref<1x128xi32, #tpu.memory_space<vmem>>
      %dma_wait3A_603 = tpu.memref_squeeze %dma_wait3A_602 : memref<1x128xi32, #tpu.memory_space<vmem>> -> memref<128xi32, #tpu.memory_space<vmem>>
      %dma_wait3A_604 = arith.constant 0 : i32
      %dma_wait3A_605 = tpu.memref_slice %arg8[%dma_wait3A_604] : memref<16960xf32, #tpu.memory_space<vmem_shared>> -> memref<16960xf32, #tpu.memory_space<vmem_shared>>
      tpu.wait_indirect_dma semaphore(%arg18 : memref<!tpu.dma_semaphore, #tpu.memory_space<semaphore_mem>>) src(%dma_wait3A_605 : memref<16960xf32, #tpu.memory_space<vmem_shared>>) dst(%dma_wait3A_600 : memref<128xf32, #tpu.memory_space<vmem>>)
      %dma_wait3A_606 = arith.constant 1 : i32
      %dma_wait3A_607 = arith.constant 128 : i32
      %dma_wait3A_608 = tpu.memref_slice %arg15[%dma_wait3A_607] : memref<512xf32, #tpu.memory_space<vmem>> -> memref<128xf32, #tpu.memory_space<vmem>>
      %dma_wait3A_609 = arith.constant 0 : i32
      %dma_wait3A_610 = tpu.memref_slice %arg13[%dma_wait3A_606, %dma_wait3A_609] : memref<4x128xi32, #tpu.memory_space<vmem>> -> memref<1x128xi32, #tpu.memory_space<vmem>>
      %dma_wait3A_611 = tpu.memref_squeeze %dma_wait3A_610 : memref<1x128xi32, #tpu.memory_space<vmem>> -> memref<128xi32, #tpu.memory_space<vmem>>
      %dma_wait3A_612 = arith.constant 0 : i32
      %dma_wait3A_613 = tpu.memref_slice %arg8[%dma_wait3A_612] : memref<16960xf32, #tpu.memory_space<vmem_shared>> -> memref<16960xf32, #tpu.memory_space<vmem_shared>>
      tpu.wait_indirect_dma semaphore(%arg18 : memref<!tpu.dma_semaphore, #tpu.memory_space<semaphore_mem>>) src(%dma_wait3A_613 : memref<16960xf32, #tpu.memory_space<vmem_shared>>) dst(%dma_wait3A_608 : memref<128xf32, #tpu.memory_space<vmem>>)
      %dma_wait3A_614 = arith.constant 2 : i32
      %dma_wait3A_615 = arith.constant 256 : i32
      %dma_wait3A_616 = tpu.memref_slice %arg14[%dma_wait3A_615] : memref<512xf32, #tpu.memory_space<vmem>> -> memref<128xf32, #tpu.memory_space<vmem>>
      %dma_wait3A_617 = arith.constant 0 : i32
      %dma_wait3A_618 = tpu.memref_slice %arg12[%dma_wait3A_614, %dma_wait3A_617] : memref<4x128xi32, #tpu.memory_space<vmem>> -> memref<1x128xi32, #tpu.memory_space<vmem>>
      %dma_wait3A_619 = tpu.memref_squeeze %dma_wait3A_618 : memref<1x128xi32, #tpu.memory_space<vmem>> -> memref<128xi32, #tpu.memory_space<vmem>>
      %dma_wait3A_620 = arith.constant 0 : i32
      %dma_wait3A_621 = tpu.memref_slice %arg8[%dma_wait3A_620] : memref<16960xf32, #tpu.memory_space<vmem_shared>> -> memref<16960xf32, #tpu.memory_space<vmem_shared>>
      tpu.wait_indirect_dma semaphore(%arg18 : memref<!tpu.dma_semaphore, #tpu.memory_space<semaphore_mem>>) src(%dma_wait3A_621 : memref<16960xf32, #tpu.memory_space<vmem_shared>>) dst(%dma_wait3A_616 : memref<128xf32, #tpu.memory_space<vmem>>)
      %dma_wait3A_622 = arith.constant 2 : i32
      %dma_wait3A_623 = arith.constant 256 : i32
      %dma_wait3A_624 = tpu.memref_slice %arg15[%dma_wait3A_623] : memref<512xf32, #tpu.memory_space<vmem>> -> memref<128xf32, #tpu.memory_space<vmem>>
      %dma_wait3A_625 = arith.constant 0 : i32
      %dma_wait3A_626 = tpu.memref_slice %arg13[%dma_wait3A_622, %dma_wait3A_625] : memref<4x128xi32, #tpu.memory_space<vmem>> -> memref<1x128xi32, #tpu.memory_space<vmem>>
      %dma_wait3A_627 = tpu.memref_squeeze %dma_wait3A_626 : memref<1x128xi32, #tpu.memory_space<vmem>> -> memref<128xi32, #tpu.memory_space<vmem>>
      %dma_wait3A_628 = arith.constant 0 : i32
      %dma_wait3A_629 = tpu.memref_slice %arg8[%dma_wait3A_628] : memref<16960xf32, #tpu.memory_space<vmem_shared>> -> memref<16960xf32, #tpu.memory_space<vmem_shared>>
      tpu.wait_indirect_dma semaphore(%arg18 : memref<!tpu.dma_semaphore, #tpu.memory_space<semaphore_mem>>) src(%dma_wait3A_629 : memref<16960xf32, #tpu.memory_space<vmem_shared>>) dst(%dma_wait3A_624 : memref<128xf32, #tpu.memory_space<vmem>>)
      %dma_wait3A_630 = arith.constant 3 : i32
      %dma_wait3A_631 = arith.constant 384 : i32
      %dma_wait3A_632 = tpu.memref_slice %arg14[%dma_wait3A_631] : memref<512xf32, #tpu.memory_space<vmem>> -> memref<128xf32, #tpu.memory_space<vmem>>
      %dma_wait3A_633 = arith.constant 0 : i32
      %dma_wait3A_634 = tpu.memref_slice %arg12[%dma_wait3A_630, %dma_wait3A_633] : memref<4x128xi32, #tpu.memory_space<vmem>> -> memref<1x128xi32, #tpu.memory_space<vmem>>
      %dma_wait3A_635 = tpu.memref_squeeze %dma_wait3A_634 : memref<1x128xi32, #tpu.memory_space<vmem>> -> memref<128xi32, #tpu.memory_space<vmem>>
      %dma_wait3A_636 = arith.constant 0 : i32
      %dma_wait3A_637 = tpu.memref_slice %arg8[%dma_wait3A_636] : memref<16960xf32, #tpu.memory_space<vmem_shared>> -> memref<16960xf32, #tpu.memory_space<vmem_shared>>
      tpu.wait_indirect_dma semaphore(%arg18 : memref<!tpu.dma_semaphore, #tpu.memory_space<semaphore_mem>>) src(%dma_wait3A_637 : memref<16960xf32, #tpu.memory_space<vmem_shared>>) dst(%dma_wait3A_632 : memref<128xf32, #tpu.memory_space<vmem>>)
      %dma_wait3A_638 = arith.constant 3 : i32
      %dma_wait3A_639 = arith.constant 384 : i32
      %dma_wait3A_640 = tpu.memref_slice %arg15[%dma_wait3A_639] : memref<512xf32, #tpu.memory_space<vmem>> -> memref<128xf32, #tpu.memory_space<vmem>>
      %dma_wait3A_641 = arith.constant 0 : i32
      %dma_wait3A_642 = tpu.memref_slice %arg13[%dma_wait3A_638, %dma_wait3A_641] : memref<4x128xi32, #tpu.memory_space<vmem>> -> memref<1x128xi32, #tpu.memory_space<vmem>>
      %dma_wait3A_643 = tpu.memref_squeeze %dma_wait3A_642 : memref<1x128xi32, #tpu.memory_space<vmem>> -> memref<128xi32, #tpu.memory_space<vmem>>
      %dma_wait3A_644 = arith.constant 0 : i32
      %dma_wait3A_645 = tpu.memref_slice %arg8[%dma_wait3A_644] : memref<16960xf32, #tpu.memory_space<vmem_shared>> -> memref<16960xf32, #tpu.memory_space<vmem_shared>>
      tpu.wait_indirect_dma semaphore(%arg18 : memref<!tpu.dma_semaphore, #tpu.memory_space<semaphore_mem>>) src(%dma_wait3A_645 : memref<16960xf32, #tpu.memory_space<vmem_shared>>) dst(%dma_wait3A_640 : memref<128xf32, #tpu.memory_space<vmem>>)
      %scan3A_646 = arith.constant 0 : i32
      %scan3A_647 = arith.constant 0 : i32
      %scan3A_648 = arith.constant 32 : i32
      %scan3A_649 = arith.addi %scan3A_647, %scan3A_648 : i32
      %scan3A_650 = arith.constant 1 : i32
      scf.for %scan3A_1259 = %scan3A_647 to %scan3A_649 step %scan3A_650  : i32 {
        %mul3A_1260 = arith.constant 16 : i32
        %mul3A_1261 = arith.muli %scan3A_1259, %mul3A_1260 : i32
        %mul3A_1262 = arith.constant 16 : i32
        %mul3A_1263 = arith.muli %scan3A_1259, %mul3A_1262 : i32
        %add3A_1264 = arith.constant 512 : i32
        %add3A_1265 = arith.addi %add3A_1264, %mul3A_1263 : i32
        %get3A = arith.index_cast %add3A_1265 : i32 to index
        %get3A_1266 = tpu.vector_load %arg16[%get3A] {strides = array<i32>} : memref<1024xf32, #tpu.memory_space<vmem>>, vector<16xf32>,
        %get3A_1267 = arith.index_cast %mul3A_1261 : i32 to index
        %get3A_1268 = tpu.vector_load %arg14[%get3A_1267] {strides = array<i32>} : memref<512xf32, #tpu.memory_space<vmem>>, vector<16xf32>,
        %get3A_1269 = arith.index_cast %mul3A_1261 : i32 to index
        %get3A_1270 = tpu.vector_load %arg15[%get3A_1269] {strides = array<i32>} : memref<512xf32, #tpu.memory_space<vmem>>, vector<16xf32>,
        %mul3A_1271 = arith.mulf %get3A_1268, %get3A_1270 : vector<16xf32>
        %add3A_1272 = arith.addf %get3A_1266, %mul3A_1271 : vector<16xf32>
        %swap3A = arith.index_cast %add3A_1265 : i32 to index
        %swap3A_1273 = tpu.vector_load %arg16[%swap3A] {strides = array<i32>} : memref<1024xf32, #tpu.memory_space<vmem>>, vector<16xf32>,
        tpu.vector_store %arg16[%swap3A], %add3A_1272 {strides = array<i32>} : memref<1024xf32, #tpu.memory_space<vmem>>, vector<16xf32>,
      }
      %scan3A_651 = arith.constant 32 : i32
      %barrier3A_652 = arith.constant 0 : index
      tpu.barrier barrier_id(%barrier3A_652)
      %add3A_653 = arith.constant 1 : i32
      %add3A_654 = arith.addi %scan3A_63, %add3A_653 : i32
      %lt3A = arith.constant 8 : i32
      %lt3A_655 = arith.cmpi slt, %add3A_654, %lt3A : i32
      %convert_element_type3A_656 = arith.extui %lt3A_655 : i1 to i32
      %cond3A_657 = arith.constant 0 : i32
      %cond3A_658 = arith.cmpi ne, %convert_element_type3A_656, %cond3A_657 : i32
      scf.if %cond3A_658 {
        %mul3A_1259 = arith.constant 2 : i32
        %mul3A_1260 = arith.muli %mul3A_1259, %scan3A_63 : i32
        %add3A_1261 = arith.constant 2 : i32
        %add3A_1262 = arith.addi %mul3A_1260, %add3A_1261 : i32
        %mul3A_1263 = arith.constant 2 : i32
        %mul3A_1264 = arith.muli %mul3A_1263, %arg0 : i32
        %shift_right_logical3A_1265 = arith.constant 3 : i32
        %shift_right_logical3A_1266 = arith.shrui %add3A_1262, %shift_right_logical3A_1265 : i32
        %add3A_1267 = arith.addi %mul3A_1264, %shift_right_logical3A_1266 : i32
        %and3A_1268 = arith.constant 7 : i32
        %and3A_1269 = arith.andi %add3A_1262, %and3A_1268 : i32
        %mul3A_1270 = arith.constant 61440 : i32
        %mul3A_1271 = arith.muli %arg1, %mul3A_1270 : i32
        %add3A_1272 = arith.constant 0 : i32
        %add3A_1273 = arith.addi %mul3A_1271, %add3A_1272 : i32
        %mul3A_1274 = arith.constant 61440 : i32
        %mul3A_1275 = arith.muli %arg1, %mul3A_1274 : i32
        %add3A_1276 = arith.constant 0 : i32
        %add3A_1277 = arith.addi %mul3A_1275, %add3A_1276 : i32
        %dma_start3A_1278 = tpu.memref_slice %arg6[%add3A_1277] : memref<983040xf32, #tpu.memory_space<vmem_shared>> -> memref<61440xf32, #tpu.memory_space<vmem_shared>>
        %dma_start3A_1279 = tpu.memref_slice %arg2[%add3A_1267, %and3A_1269, %add3A_1273] : memref<4x8x1000000xf32, #tpu.memory_space<hbm>> -> memref<1x1x61440xf32, #tpu.memory_space<hbm>>
        %dma_start3A_1280 = tpu.memref_squeeze %dma_start3A_1279 : memref<1x1x61440xf32, #tpu.memory_space<hbm>> -> memref<61440xf32, #tpu.memory_space<hbm>>
        tpu.enqueue_dma source(%dma_start3A_1280 : memref<61440xf32, #tpu.memory_space<hbm>>) target(%dma_start3A_1278 : memref<61440xf32, #tpu.memory_space<vmem_shared>>) target_semaphore(%arg17 : memref<!tpu.dma_semaphore, #tpu.memory_space<semaphore_mem>>)
        %eq3A_1281 = arith.constant 0 : i32
        %eq3A_1282 = arith.cmpi eq, %arg1, %eq3A_1281 : i32
        %convert_element_type3A_1283 = arith.extui %eq3A_1282 : i1 to i32
        %cond3A_1284 = arith.constant 0 : i32
        %cond3A_1285 = arith.cmpi ne, %convert_element_type3A_1283, %cond3A_1284 : i32
        scf.if %cond3A_1285 {
          %dma_start3A_1286 = arith.constant 983040 : i32
          %dma_start3A_1287 = tpu.memref_slice %arg2[%add3A_1267, %and3A_1269, %dma_start3A_1286] : memref<4x8x1000000xf32, #tpu.memory_space<hbm>> -> memref<1x1x16960xf32, #tpu.memory_space<hbm>>
          %dma_start3A_1288 = tpu.memref_squeeze %dma_start3A_1287 : memref<1x1x16960xf32, #tpu.memory_space<hbm>> -> memref<16960xf32, #tpu.memory_space<hbm>>
          tpu.enqueue_dma source(%dma_start3A_1288 : memref<16960xf32, #tpu.memory_space<hbm>>) target(%arg8 : memref<16960xf32, #tpu.memory_space<vmem_shared>>) target_semaphore(%arg17 : memref<!tpu.dma_semaphore, #tpu.memory_space<semaphore_mem>>)
        } else {
        }
      } else {
      }
      %mul3A_659 = arith.constant 2 : i32
      %mul3A_660 = arith.muli %mul3A_659, %scan3A_63 : i32
      %add3A_661 = arith.constant 1 : i32
      %add3A_662 = arith.addi %mul3A_660, %add3A_661 : i32
      %mul3A_663 = arith.constant 2 : i32
      %mul3A_664 = arith.muli %mul3A_663, %arg0 : i32
      %shift_right_logical3A_665 = arith.constant 3 : i32
      %shift_right_logical3A_666 = arith.shrui %add3A_662, %shift_right_logical3A_665 : i32
      %add3A_667 = arith.addi %mul3A_664, %shift_right_logical3A_666 : i32
      %and3A_668 = arith.constant 7 : i32
      %and3A_669 = arith.andi %add3A_662, %and3A_668 : i32
      %mul3A_670 = arith.constant 61440 : i32
      %mul3A_671 = arith.muli %arg1, %mul3A_670 : i32
      %add3A_672 = arith.constant 0 : i32
      %add3A_673 = arith.addi %mul3A_671, %add3A_672 : i32
      %mul3A_674 = arith.constant 61440 : i32
      %mul3A_675 = arith.muli %arg1, %mul3A_674 : i32
      %add3A_676 = arith.constant 0 : i32
      %add3A_677 = arith.addi %mul3A_675, %add3A_676 : i32
      %dma_wait3A_678 = tpu.memref_slice %arg7[%add3A_677] : memref<983040xf32, #tpu.memory_space<vmem_shared>> -> memref<61440xf32, #tpu.memory_space<vmem_shared>>
      %dma_wait3A_679 = tpu.memref_slice %arg2[%add3A_667, %and3A_669, %add3A_673] : memref<4x8x1000000xf32, #tpu.memory_space<hbm>> -> memref<1x1x61440xf32, #tpu.memory_space<hbm>>
      %dma_wait3A_680 = tpu.memref_squeeze %dma_wait3A_679 : memref<1x1x61440xf32, #tpu.memory_space<hbm>> -> memref<61440xf32, #tpu.memory_space<hbm>>
      tpu.wait_dma2 semaphore(%arg17 : memref<!tpu.dma_semaphore, #tpu.memory_space<semaphore_mem>>) src(%dma_wait3A_680 : memref<61440xf32, #tpu.memory_space<hbm>>) dst(%dma_wait3A_678 : memref<61440xf32, #tpu.memory_space<vmem_shared>>)
      %eq3A_681 = arith.constant 0 : i32
      %eq3A_682 = arith.cmpi eq, %arg1, %eq3A_681 : i32
      %convert_element_type3A_683 = arith.extui %eq3A_682 : i1 to i32
      %cond3A_684 = arith.constant 0 : i32
      %cond3A_685 = arith.cmpi ne, %convert_element_type3A_683, %cond3A_684 : i32
      scf.if %cond3A_685 {
        %dma_wait3A_1259 = arith.constant 983040 : i32
        %dma_wait3A_1260 = tpu.memref_slice %arg2[%add3A_667, %and3A_669, %dma_wait3A_1259] : memref<4x8x1000000xf32, #tpu.memory_space<hbm>> -> memref<1x1x16960xf32, #tpu.memory_space<hbm>>
        %dma_wait3A_1261 = tpu.memref_squeeze %dma_wait3A_1260 : memref<1x1x16960xf32, #tpu.memory_space<hbm>> -> memref<16960xf32, #tpu.memory_space<hbm>>
        tpu.wait_dma2 semaphore(%arg17 : memref<!tpu.dma_semaphore, #tpu.memory_space<semaphore_mem>>) src(%dma_wait3A_1261 : memref<16960xf32, #tpu.memory_space<hbm>>) dst(%arg9 : memref<16960xf32, #tpu.memory_space<vmem_shared>>)
      } else {
      }
      %barrier3A_686 = arith.constant 0 : index
      tpu.barrier barrier_id(%barrier3A_686)
      %scan3A_687 = arith.constant 0 : i32
      %scan3A_688 = arith.constant 0 : i32
      %scan3A_689 = arith.constant 32 : i32
      %scan3A_690 = arith.addi %scan3A_688, %scan3A_689 : i32
      %scan3A_691 = arith.constant 1 : i32
      scf.for %scan3A_1259 = %scan3A_688 to %scan3A_690 step %scan3A_691  : i32 {
        %shift_right_logical3A_1260 = arith.constant 3 : i32
        %shift_right_logical3A_1261 = arith.shrui %scan3A_1259, %shift_right_logical3A_1260 : i32
        %and3A_1262 = arith.constant 7 : i32
        %and3A_1263 = arith.andi %scan3A_1259, %and3A_1262 : i32
        %mul3A_1264 = arith.constant 16 : i32
        %mul3A_1265 = arith.muli %and3A_1263, %mul3A_1264 : i32
        %add3A_1266 = arith.constant 0 : i32
        %add3A_1267 = arith.addi %add3A_1266, %shift_right_logical3A_1261 : i32
        %get3A = arith.index_cast %add3A_1267 : i32 to index
        %get3A_1268 = arith.index_cast %mul3A_1265 : i32 to index
        %get3A_1269 = tpu.vector_load %arg10[%get3A, %get3A_1268] {strides = array<i32>} : memref<8x128xi32, #tpu.memory_space<vmem>>, vector<16xi32>,
        %min3A = arith.constant 983039 : i32
        %min3A_1270 = vector.broadcast %min3A : i32 to vector<16xi32>
        %min3A_1271 = arith.minsi %get3A_1269, %min3A_1270 : vector<16xi32>
        %swap3A = arith.index_cast %shift_right_logical3A_1261 : i32 to index
        %swap3A_1272 = arith.index_cast %mul3A_1265 : i32 to index
        %swap3A_1273 = tpu.vector_load %arg12[%swap3A, %swap3A_1272] {strides = array<i32>} : memref<4x128xi32, #tpu.memory_space<vmem>>, vector<16xi32>,
        tpu.vector_store %arg12[%swap3A, %swap3A_1272], %min3A_1271 {strides = array<i32>} : memref<4x128xi32, #tpu.memory_space<vmem>>, vector<16xi32>,
        %add3A_1274 = arith.constant 0 : i32
        %add3A_1275 = arith.addi %add3A_1274, %shift_right_logical3A_1261 : i32
        %get3A_1276 = arith.index_cast %add3A_1275 : i32 to index
        %get3A_1277 = arith.index_cast %mul3A_1265 : i32 to index
        %get3A_1278 = tpu.vector_load %arg11[%get3A_1276, %get3A_1277] {strides = array<i32>} : memref<8x128xi32, #tpu.memory_space<vmem>>, vector<16xi32>,
        %min3A_1279 = arith.constant 983039 : i32
        %min3A_1280 = vector.broadcast %min3A_1279 : i32 to vector<16xi32>
        %min3A_1281 = arith.minsi %get3A_1278, %min3A_1280 : vector<16xi32>
        %swap3A_1282 = arith.index_cast %shift_right_logical3A_1261 : i32 to index
        %swap3A_1283 = arith.index_cast %mul3A_1265 : i32 to index
        %swap3A_1284 = tpu.vector_load %arg13[%swap3A_1282, %swap3A_1283] {strides = array<i32>} : memref<4x128xi32, #tpu.memory_space<vmem>>, vector<16xi32>,
        tpu.vector_store %arg13[%swap3A_1282, %swap3A_1283], %min3A_1281 {strides = array<i32>} : memref<4x128xi32, #tpu.memory_space<vmem>>, vector<16xi32>,
      }
      %scan3A_692 = arith.constant 32 : i32
      %dma_start3A_693 = arith.constant 0 : i32
      %dma_start3A_694 = arith.constant 0 : i32
      %dma_start3A_695 = tpu.memref_slice %arg14[%dma_start3A_694] : memref<512xf32, #tpu.memory_space<vmem>> -> memref<128xf32, #tpu.memory_space<vmem>>
      %dma_start3A_696 = arith.constant 0 : i32
      %dma_start3A_697 = tpu.memref_slice %arg12[%dma_start3A_693, %dma_start3A_696] : memref<4x128xi32, #tpu.memory_space<vmem>> -> memref<1x128xi32, #tpu.memory_space<vmem>>
      %dma_start3A_698 = tpu.memref_squeeze %dma_start3A_697 : memref<1x128xi32, #tpu.memory_space<vmem>> -> memref<128xi32, #tpu.memory_space<vmem>>
      %dma_start3A_699 = arith.constant 0 : i32
      %dma_start3A_700 = tpu.memref_slice %arg7[%dma_start3A_699] : memref<983040xf32, #tpu.memory_space<vmem_shared>> -> memref<983040xf32, #tpu.memory_space<vmem_shared>>
      tpu.enqueue_indirect_dma source(%dma_start3A_700 : memref<983040xf32, #tpu.memory_space<vmem_shared>>) target(%dma_start3A_695 : memref<128xf32, #tpu.memory_space<vmem>>) offsets(%dma_start3A_698 : memref<128xi32, #tpu.memory_space<vmem>>) semaphore(%arg18 : memref<!tpu.dma_semaphore, #tpu.memory_space<semaphore_mem>>)
      %dma_start3A_701 = arith.constant 0 : i32
      %dma_start3A_702 = arith.constant 0 : i32
      %dma_start3A_703 = tpu.memref_slice %arg15[%dma_start3A_702] : memref<512xf32, #tpu.memory_space<vmem>> -> memref<128xf32, #tpu.memory_space<vmem>>
      %dma_start3A_704 = arith.constant 0 : i32
      %dma_start3A_705 = tpu.memref_slice %arg13[%dma_start3A_701, %dma_start3A_704] : memref<4x128xi32, #tpu.memory_space<vmem>> -> memref<1x128xi32, #tpu.memory_space<vmem>>
      %dma_start3A_706 = tpu.memref_squeeze %dma_start3A_705 : memref<1x128xi32, #tpu.memory_space<vmem>> -> memref<128xi32, #tpu.memory_space<vmem>>
      %dma_start3A_707 = arith.constant 0 : i32
      %dma_start3A_708 = tpu.memref_slice %arg7[%dma_start3A_707] : memref<983040xf32, #tpu.memory_space<vmem_shared>> -> memref<983040xf32, #tpu.memory_space<vmem_shared>>
      tpu.enqueue_indirect_dma source(%dma_start3A_708 : memref<983040xf32, #tpu.memory_space<vmem_shared>>) target(%dma_start3A_703 : memref<128xf32, #tpu.memory_space<vmem>>) offsets(%dma_start3A_706 : memref<128xi32, #tpu.memory_space<vmem>>) semaphore(%arg18 : memref<!tpu.dma_semaphore, #tpu.memory_space<semaphore_mem>>)
      %dma_start3A_709 = arith.constant 1 : i32
      %dma_start3A_710 = arith.constant 128 : i32
      %dma_start3A_711 = tpu.memref_slice %arg14[%dma_start3A_710] : memref<512xf32, #tpu.memory_space<vmem>> -> memref<128xf32, #tpu.memory_space<vmem>>
      %dma_start3A_712 = arith.constant 0 : i32
      %dma_start3A_713 = tpu.memref_slice %arg12[%dma_start3A_709, %dma_start3A_712] : memref<4x128xi32, #tpu.memory_space<vmem>> -> memref<1x128xi32, #tpu.memory_space<vmem>>
      %dma_start3A_714 = tpu.memref_squeeze %dma_start3A_713 : memref<1x128xi32, #tpu.memory_space<vmem>> -> memref<128xi32, #tpu.memory_space<vmem>>
      %dma_start3A_715 = arith.constant 0 : i32
      %dma_start3A_716 = tpu.memref_slice %arg7[%dma_start3A_715] : memref<983040xf32, #tpu.memory_space<vmem_shared>> -> memref<983040xf32, #tpu.memory_space<vmem_shared>>
      tpu.enqueue_indirect_dma source(%dma_start3A_716 : memref<983040xf32, #tpu.memory_space<vmem_shared>>) target(%dma_start3A_711 : memref<128xf32, #tpu.memory_space<vmem>>) offsets(%dma_start3A_714 : memref<128xi32, #tpu.memory_space<vmem>>) semaphore(%arg18 : memref<!tpu.dma_semaphore, #tpu.memory_space<semaphore_mem>>)
      %dma_start3A_717 = arith.constant 1 : i32
      %dma_start3A_718 = arith.constant 128 : i32
      %dma_start3A_719 = tpu.memref_slice %arg15[%dma_start3A_718] : memref<512xf32, #tpu.memory_space<vmem>> -> memref<128xf32, #tpu.memory_space<vmem>>
      %dma_start3A_720 = arith.constant 0 : i32
      %dma_start3A_721 = tpu.memref_slice %arg13[%dma_start3A_717, %dma_start3A_720] : memref<4x128xi32, #tpu.memory_space<vmem>> -> memref<1x128xi32, #tpu.memory_space<vmem>>
      %dma_start3A_722 = tpu.memref_squeeze %dma_start3A_721 : memref<1x128xi32, #tpu.memory_space<vmem>> -> memref<128xi32, #tpu.memory_space<vmem>>
      %dma_start3A_723 = arith.constant 0 : i32
      %dma_start3A_724 = tpu.memref_slice %arg7[%dma_start3A_723] : memref<983040xf32, #tpu.memory_space<vmem_shared>> -> memref<983040xf32, #tpu.memory_space<vmem_shared>>
      tpu.enqueue_indirect_dma source(%dma_start3A_724 : memref<983040xf32, #tpu.memory_space<vmem_shared>>) target(%dma_start3A_719 : memref<128xf32, #tpu.memory_space<vmem>>) offsets(%dma_start3A_722 : memref<128xi32, #tpu.memory_space<vmem>>) semaphore(%arg18 : memref<!tpu.dma_semaphore, #tpu.memory_space<semaphore_mem>>)
      %dma_start3A_725 = arith.constant 2 : i32
      %dma_start3A_726 = arith.constant 256 : i32
      %dma_start3A_727 = tpu.memref_slice %arg14[%dma_start3A_726] : memref<512xf32, #tpu.memory_space<vmem>> -> memref<128xf32, #tpu.memory_space<vmem>>
      %dma_start3A_728 = arith.constant 0 : i32
      %dma_start3A_729 = tpu.memref_slice %arg12[%dma_start3A_725, %dma_start3A_728] : memref<4x128xi32, #tpu.memory_space<vmem>> -> memref<1x128xi32, #tpu.memory_space<vmem>>
      %dma_start3A_730 = tpu.memref_squeeze %dma_start3A_729 : memref<1x128xi32, #tpu.memory_space<vmem>> -> memref<128xi32, #tpu.memory_space<vmem>>
      %dma_start3A_731 = arith.constant 0 : i32
      %dma_start3A_732 = tpu.memref_slice %arg7[%dma_start3A_731] : memref<983040xf32, #tpu.memory_space<vmem_shared>> -> memref<983040xf32, #tpu.memory_space<vmem_shared>>
      tpu.enqueue_indirect_dma source(%dma_start3A_732 : memref<983040xf32, #tpu.memory_space<vmem_shared>>) target(%dma_start3A_727 : memref<128xf32, #tpu.memory_space<vmem>>) offsets(%dma_start3A_730 : memref<128xi32, #tpu.memory_space<vmem>>) semaphore(%arg18 : memref<!tpu.dma_semaphore, #tpu.memory_space<semaphore_mem>>)
      %dma_start3A_733 = arith.constant 2 : i32
      %dma_start3A_734 = arith.constant 256 : i32
      %dma_start3A_735 = tpu.memref_slice %arg15[%dma_start3A_734] : memref<512xf32, #tpu.memory_space<vmem>> -> memref<128xf32, #tpu.memory_space<vmem>>
      %dma_start3A_736 = arith.constant 0 : i32
      %dma_start3A_737 = tpu.memref_slice %arg13[%dma_start3A_733, %dma_start3A_736] : memref<4x128xi32, #tpu.memory_space<vmem>> -> memref<1x128xi32, #tpu.memory_space<vmem>>
      %dma_start3A_738 = tpu.memref_squeeze %dma_start3A_737 : memref<1x128xi32, #tpu.memory_space<vmem>> -> memref<128xi32, #tpu.memory_space<vmem>>
      %dma_start3A_739 = arith.constant 0 : i32
      %dma_start3A_740 = tpu.memref_slice %arg7[%dma_start3A_739] : memref<983040xf32, #tpu.memory_space<vmem_shared>> -> memref<983040xf32, #tpu.memory_space<vmem_shared>>
      tpu.enqueue_indirect_dma source(%dma_start3A_740 : memref<983040xf32, #tpu.memory_space<vmem_shared>>) target(%dma_start3A_735 : memref<128xf32, #tpu.memory_space<vmem>>) offsets(%dma_start3A_738 : memref<128xi32, #tpu.memory_space<vmem>>) semaphore(%arg18 : memref<!tpu.dma_semaphore, #tpu.memory_space<semaphore_mem>>)
      %dma_start3A_741 = arith.constant 3 : i32
      %dma_start3A_742 = arith.constant 384 : i32
      %dma_start3A_743 = tpu.memref_slice %arg14[%dma_start3A_742] : memref<512xf32, #tpu.memory_space<vmem>> -> memref<128xf32, #tpu.memory_space<vmem>>
      %dma_start3A_744 = arith.constant 0 : i32
      %dma_start3A_745 = tpu.memref_slice %arg12[%dma_start3A_741, %dma_start3A_744] : memref<4x128xi32, #tpu.memory_space<vmem>> -> memref<1x128xi32, #tpu.memory_space<vmem>>
      %dma_start3A_746 = tpu.memref_squeeze %dma_start3A_745 : memref<1x128xi32, #tpu.memory_space<vmem>> -> memref<128xi32, #tpu.memory_space<vmem>>
      %dma_start3A_747 = arith.constant 0 : i32
      %dma_start3A_748 = tpu.memref_slice %arg7[%dma_start3A_747] : memref<983040xf32, #tpu.memory_space<vmem_shared>> -> memref<983040xf32, #tpu.memory_space<vmem_shared>>
      tpu.enqueue_indirect_dma source(%dma_start3A_748 : memref<983040xf32, #tpu.memory_space<vmem_shared>>) target(%dma_start3A_743 : memref<128xf32, #tpu.memory_space<vmem>>) offsets(%dma_start3A_746 : memref<128xi32, #tpu.memory_space<vmem>>) semaphore(%arg18 : memref<!tpu.dma_semaphore, #tpu.memory_space<semaphore_mem>>)
      %dma_start3A_749 = arith.constant 3 : i32
      %dma_start3A_750 = arith.constant 384 : i32
      %dma_start3A_751 = tpu.memref_slice %arg15[%dma_start3A_750] : memref<512xf32, #tpu.memory_space<vmem>> -> memref<128xf32, #tpu.memory_space<vmem>>
      %dma_start3A_752 = arith.constant 0 : i32
      %dma_start3A_753 = tpu.memref_slice %arg13[%dma_start3A_749, %dma_start3A_752] : memref<4x128xi32, #tpu.memory_space<vmem>> -> memref<1x128xi32, #tpu.memory_space<vmem>>
      %dma_start3A_754 = tpu.memref_squeeze %dma_start3A_753 : memref<1x128xi32, #tpu.memory_space<vmem>> -> memref<128xi32, #tpu.memory_space<vmem>>
      %dma_start3A_755 = arith.constant 0 : i32
      %dma_start3A_756 = tpu.memref_slice %arg7[%dma_start3A_755] : memref<983040xf32, #tpu.memory_space<vmem_shared>> -> memref<983040xf32, #tpu.memory_space<vmem_shared>>
      tpu.enqueue_indirect_dma source(%dma_start3A_756 : memref<983040xf32, #tpu.memory_space<vmem_shared>>) target(%dma_start3A_751 : memref<128xf32, #tpu.memory_space<vmem>>) offsets(%dma_start3A_754 : memref<128xi32, #tpu.memory_space<vmem>>) semaphore(%arg18 : memref<!tpu.dma_semaphore, #tpu.memory_space<semaphore_mem>>)
      %dma_wait3A_757 = arith.constant 0 : i32
      %dma_wait3A_758 = arith.constant 0 : i32
      %dma_wait3A_759 = tpu.memref_slice %arg14[%dma_wait3A_758] : memref<512xf32, #tpu.memory_space<vmem>> -> memref<128xf32, #tpu.memory_space<vmem>>
      %dma_wait3A_760 = arith.constant 0 : i32
      %dma_wait3A_761 = tpu.memref_slice %arg12[%dma_wait3A_757, %dma_wait3A_760] : memref<4x128xi32, #tpu.memory_space<vmem>> -> memref<1x128xi32, #tpu.memory_space<vmem>>
      %dma_wait3A_762 = tpu.memref_squeeze %dma_wait3A_761 : memref<1x128xi32, #tpu.memory_space<vmem>> -> memref<128xi32, #tpu.memory_space<vmem>>
      %dma_wait3A_763 = arith.constant 0 : i32
      %dma_wait3A_764 = tpu.memref_slice %arg7[%dma_wait3A_763] : memref<983040xf32, #tpu.memory_space<vmem_shared>> -> memref<983040xf32, #tpu.memory_space<vmem_shared>>
      tpu.wait_indirect_dma semaphore(%arg18 : memref<!tpu.dma_semaphore, #tpu.memory_space<semaphore_mem>>) src(%dma_wait3A_764 : memref<983040xf32, #tpu.memory_space<vmem_shared>>) dst(%dma_wait3A_759 : memref<128xf32, #tpu.memory_space<vmem>>)
      %dma_wait3A_765 = arith.constant 0 : i32
      %dma_wait3A_766 = arith.constant 0 : i32
      %dma_wait3A_767 = tpu.memref_slice %arg15[%dma_wait3A_766] : memref<512xf32, #tpu.memory_space<vmem>> -> memref<128xf32, #tpu.memory_space<vmem>>
      %dma_wait3A_768 = arith.constant 0 : i32
      %dma_wait3A_769 = tpu.memref_slice %arg13[%dma_wait3A_765, %dma_wait3A_768] : memref<4x128xi32, #tpu.memory_space<vmem>> -> memref<1x128xi32, #tpu.memory_space<vmem>>
      %dma_wait3A_770 = tpu.memref_squeeze %dma_wait3A_769 : memref<1x128xi32, #tpu.memory_space<vmem>> -> memref<128xi32, #tpu.memory_space<vmem>>
      %dma_wait3A_771 = arith.constant 0 : i32
      %dma_wait3A_772 = tpu.memref_slice %arg7[%dma_wait3A_771] : memref<983040xf32, #tpu.memory_space<vmem_shared>> -> memref<983040xf32, #tpu.memory_space<vmem_shared>>
      tpu.wait_indirect_dma semaphore(%arg18 : memref<!tpu.dma_semaphore, #tpu.memory_space<semaphore_mem>>) src(%dma_wait3A_772 : memref<983040xf32, #tpu.memory_space<vmem_shared>>) dst(%dma_wait3A_767 : memref<128xf32, #tpu.memory_space<vmem>>)
      %dma_wait3A_773 = arith.constant 1 : i32
      %dma_wait3A_774 = arith.constant 128 : i32
      %dma_wait3A_775 = tpu.memref_slice %arg14[%dma_wait3A_774] : memref<512xf32, #tpu.memory_space<vmem>> -> memref<128xf32, #tpu.memory_space<vmem>>
      %dma_wait3A_776 = arith.constant 0 : i32
      %dma_wait3A_777 = tpu.memref_slice %arg12[%dma_wait3A_773, %dma_wait3A_776] : memref<4x128xi32, #tpu.memory_space<vmem>> -> memref<1x128xi32, #tpu.memory_space<vmem>>
      %dma_wait3A_778 = tpu.memref_squeeze %dma_wait3A_777 : memref<1x128xi32, #tpu.memory_space<vmem>> -> memref<128xi32, #tpu.memory_space<vmem>>
      %dma_wait3A_779 = arith.constant 0 : i32
      %dma_wait3A_780 = tpu.memref_slice %arg7[%dma_wait3A_779] : memref<983040xf32, #tpu.memory_space<vmem_shared>> -> memref<983040xf32, #tpu.memory_space<vmem_shared>>
      tpu.wait_indirect_dma semaphore(%arg18 : memref<!tpu.dma_semaphore, #tpu.memory_space<semaphore_mem>>) src(%dma_wait3A_780 : memref<983040xf32, #tpu.memory_space<vmem_shared>>) dst(%dma_wait3A_775 : memref<128xf32, #tpu.memory_space<vmem>>)
      %dma_wait3A_781 = arith.constant 1 : i32
      %dma_wait3A_782 = arith.constant 128 : i32
      %dma_wait3A_783 = tpu.memref_slice %arg15[%dma_wait3A_782] : memref<512xf32, #tpu.memory_space<vmem>> -> memref<128xf32, #tpu.memory_space<vmem>>
      %dma_wait3A_784 = arith.constant 0 : i32
      %dma_wait3A_785 = tpu.memref_slice %arg13[%dma_wait3A_781, %dma_wait3A_784] : memref<4x128xi32, #tpu.memory_space<vmem>> -> memref<1x128xi32, #tpu.memory_space<vmem>>
      %dma_wait3A_786 = tpu.memref_squeeze %dma_wait3A_785 : memref<1x128xi32, #tpu.memory_space<vmem>> -> memref<128xi32, #tpu.memory_space<vmem>>
      %dma_wait3A_787 = arith.constant 0 : i32
      %dma_wait3A_788 = tpu.memref_slice %arg7[%dma_wait3A_787] : memref<983040xf32, #tpu.memory_space<vmem_shared>> -> memref<983040xf32, #tpu.memory_space<vmem_shared>>
      tpu.wait_indirect_dma semaphore(%arg18 : memref<!tpu.dma_semaphore, #tpu.memory_space<semaphore_mem>>) src(%dma_wait3A_788 : memref<983040xf32, #tpu.memory_space<vmem_shared>>) dst(%dma_wait3A_783 : memref<128xf32, #tpu.memory_space<vmem>>)
      %dma_wait3A_789 = arith.constant 2 : i32
      %dma_wait3A_790 = arith.constant 256 : i32
      %dma_wait3A_791 = tpu.memref_slice %arg14[%dma_wait3A_790] : memref<512xf32, #tpu.memory_space<vmem>> -> memref<128xf32, #tpu.memory_space<vmem>>
      %dma_wait3A_792 = arith.constant 0 : i32
      %dma_wait3A_793 = tpu.memref_slice %arg12[%dma_wait3A_789, %dma_wait3A_792] : memref<4x128xi32, #tpu.memory_space<vmem>> -> memref<1x128xi32, #tpu.memory_space<vmem>>
      %dma_wait3A_794 = tpu.memref_squeeze %dma_wait3A_793 : memref<1x128xi32, #tpu.memory_space<vmem>> -> memref<128xi32, #tpu.memory_space<vmem>>
      %dma_wait3A_795 = arith.constant 0 : i32
      %dma_wait3A_796 = tpu.memref_slice %arg7[%dma_wait3A_795] : memref<983040xf32, #tpu.memory_space<vmem_shared>> -> memref<983040xf32, #tpu.memory_space<vmem_shared>>
      tpu.wait_indirect_dma semaphore(%arg18 : memref<!tpu.dma_semaphore, #tpu.memory_space<semaphore_mem>>) src(%dma_wait3A_796 : memref<983040xf32, #tpu.memory_space<vmem_shared>>) dst(%dma_wait3A_791 : memref<128xf32, #tpu.memory_space<vmem>>)
      %dma_wait3A_797 = arith.constant 2 : i32
      %dma_wait3A_798 = arith.constant 256 : i32
      %dma_wait3A_799 = tpu.memref_slice %arg15[%dma_wait3A_798] : memref<512xf32, #tpu.memory_space<vmem>> -> memref<128xf32, #tpu.memory_space<vmem>>
      %dma_wait3A_800 = arith.constant 0 : i32
      %dma_wait3A_801 = tpu.memref_slice %arg13[%dma_wait3A_797, %dma_wait3A_800] : memref<4x128xi32, #tpu.memory_space<vmem>> -> memref<1x128xi32, #tpu.memory_space<vmem>>
      %dma_wait3A_802 = tpu.memref_squeeze %dma_wait3A_801 : memref<1x128xi32, #tpu.memory_space<vmem>> -> memref<128xi32, #tpu.memory_space<vmem>>
      %dma_wait3A_803 = arith.constant 0 : i32
      %dma_wait3A_804 = tpu.memref_slice %arg7[%dma_wait3A_803] : memref<983040xf32, #tpu.memory_space<vmem_shared>> -> memref<983040xf32, #tpu.memory_space<vmem_shared>>
      tpu.wait_indirect_dma semaphore(%arg18 : memref<!tpu.dma_semaphore, #tpu.memory_space<semaphore_mem>>) src(%dma_wait3A_804 : memref<983040xf32, #tpu.memory_space<vmem_shared>>) dst(%dma_wait3A_799 : memref<128xf32, #tpu.memory_space<vmem>>)
      %dma_wait3A_805 = arith.constant 3 : i32
      %dma_wait3A_806 = arith.constant 384 : i32
      %dma_wait3A_807 = tpu.memref_slice %arg14[%dma_wait3A_806] : memref<512xf32, #tpu.memory_space<vmem>> -> memref<128xf32, #tpu.memory_space<vmem>>
      %dma_wait3A_808 = arith.constant 0 : i32
      %dma_wait3A_809 = tpu.memref_slice %arg12[%dma_wait3A_805, %dma_wait3A_808] : memref<4x128xi32, #tpu.memory_space<vmem>> -> memref<1x128xi32, #tpu.memory_space<vmem>>
      %dma_wait3A_810 = tpu.memref_squeeze %dma_wait3A_809 : memref<1x128xi32, #tpu.memory_space<vmem>> -> memref<128xi32, #tpu.memory_space<vmem>>
      %dma_wait3A_811 = arith.constant 0 : i32
      %dma_wait3A_812 = tpu.memref_slice %arg7[%dma_wait3A_811] : memref<983040xf32, #tpu.memory_space<vmem_shared>> -> memref<983040xf32, #tpu.memory_space<vmem_shared>>
      tpu.wait_indirect_dma semaphore(%arg18 : memref<!tpu.dma_semaphore, #tpu.memory_space<semaphore_mem>>) src(%dma_wait3A_812 : memref<983040xf32, #tpu.memory_space<vmem_shared>>) dst(%dma_wait3A_807 : memref<128xf32, #tpu.memory_space<vmem>>)
      %dma_wait3A_813 = arith.constant 3 : i32
      %dma_wait3A_814 = arith.constant 384 : i32
      %dma_wait3A_815 = tpu.memref_slice %arg15[%dma_wait3A_814] : memref<512xf32, #tpu.memory_space<vmem>> -> memref<128xf32, #tpu.memory_space<vmem>>
      %dma_wait3A_816 = arith.constant 0 : i32
      %dma_wait3A_817 = tpu.memref_slice %arg13[%dma_wait3A_813, %dma_wait3A_816] : memref<4x128xi32, #tpu.memory_space<vmem>> -> memref<1x128xi32, #tpu.memory_space<vmem>>
      %dma_wait3A_818 = tpu.memref_squeeze %dma_wait3A_817 : memref<1x128xi32, #tpu.memory_space<vmem>> -> memref<128xi32, #tpu.memory_space<vmem>>
      %dma_wait3A_819 = arith.constant 0 : i32
      %dma_wait3A_820 = tpu.memref_slice %arg7[%dma_wait3A_819] : memref<983040xf32, #tpu.memory_space<vmem_shared>> -> memref<983040xf32, #tpu.memory_space<vmem_shared>>
      tpu.wait_indirect_dma semaphore(%arg18 : memref<!tpu.dma_semaphore, #tpu.memory_space<semaphore_mem>>) src(%dma_wait3A_820 : memref<983040xf32, #tpu.memory_space<vmem_shared>>) dst(%dma_wait3A_815 : memref<128xf32, #tpu.memory_space<vmem>>)
      %scan3A_821 = arith.constant 0 : i32
      %scan3A_822 = arith.constant 0 : i32
      %scan3A_823 = arith.constant 32 : i32
      %scan3A_824 = arith.addi %scan3A_822, %scan3A_823 : i32
      %scan3A_825 = arith.constant 1 : i32
      scf.for %scan3A_1259 = %scan3A_822 to %scan3A_824 step %scan3A_825  : i32 {
        %shift_right_logical3A_1260 = arith.constant 3 : i32
        %shift_right_logical3A_1261 = arith.shrui %scan3A_1259, %shift_right_logical3A_1260 : i32
        %and3A_1262 = arith.constant 7 : i32
        %and3A_1263 = arith.andi %scan3A_1259, %and3A_1262 : i32
        %mul3A_1264 = arith.constant 16 : i32
        %mul3A_1265 = arith.muli %and3A_1263, %mul3A_1264 : i32
        %add3A_1266 = arith.constant 0 : i32
        %add3A_1267 = arith.addi %add3A_1266, %shift_right_logical3A_1261 : i32
        %get3A = arith.index_cast %add3A_1267 : i32 to index
        %get3A_1268 = arith.index_cast %mul3A_1265 : i32 to index
        %get3A_1269 = tpu.vector_load %arg10[%get3A, %get3A_1268] {strides = array<i32>} : memref<8x128xi32, #tpu.memory_space<vmem>>, vector<16xi32>,
        %add3A_1270 = arith.constant 0 : i32
        %add3A_1271 = arith.addi %add3A_1270, %shift_right_logical3A_1261 : i32
        %get3A_1272 = arith.index_cast %add3A_1271 : i32 to index
        %get3A_1273 = arith.index_cast %mul3A_1265 : i32 to index
        %get3A_1274 = tpu.vector_load %arg11[%get3A_1272, %get3A_1273] {strides = array<i32>} : memref<8x128xi32, #tpu.memory_space<vmem>>, vector<16xi32>,
        %ge3A = arith.constant 983040 : i32
        %ge3A_1275 = vector.broadcast %ge3A : i32 to vector<16xi32>
        %ge3A_1276 = arith.cmpi sge, %get3A_1269, %ge3A_1275 : vector<16xi32>
        %sub3A = arith.constant 983040 : i32
        %sub3A_1277 = vector.broadcast %sub3A : i32 to vector<16xi32>
        %sub3A_1278 = arith.subi %get3A_1269, %sub3A_1277 : vector<16xi32>
        %jit3A = arith.constant -1 : i32
        %broadcast_in_dim3A = vector.broadcast %jit3A : i32 to vector<16xi32>
        %select_n3A = arith.select %ge3A_1276, %sub3A_1278, %broadcast_in_dim3A : vector<16xi1>, vector<16xi32>
        %swap3A = arith.index_cast %shift_right_logical3A_1261 : i32 to index
        %swap3A_1279 = arith.index_cast %mul3A_1265 : i32 to index
        %swap3A_1280 = tpu.vector_load %arg12[%swap3A, %swap3A_1279] {strides = array<i32>} : memref<4x128xi32, #tpu.memory_space<vmem>>, vector<16xi32>,
        tpu.vector_store %arg12[%swap3A, %swap3A_1279], %select_n3A {strides = array<i32>} : memref<4x128xi32, #tpu.memory_space<vmem>>, vector<16xi32>,
        %ge3A_1281 = arith.constant 983040 : i32
        %ge3A_1282 = vector.broadcast %ge3A_1281 : i32 to vector<16xi32>
        %ge3A_1283 = arith.cmpi sge, %get3A_1274, %ge3A_1282 : vector<16xi32>
        %sub3A_1284 = arith.constant 983040 : i32
        %sub3A_1285 = vector.broadcast %sub3A_1284 : i32 to vector<16xi32>
        %sub3A_1286 = arith.subi %get3A_1274, %sub3A_1285 : vector<16xi32>
        %jit3A_1287 = arith.constant -1 : i32
        %broadcast_in_dim3A_1288 = vector.broadcast %jit3A_1287 : i32 to vector<16xi32>
        %select_n3A_1289 = arith.select %ge3A_1283, %sub3A_1286, %broadcast_in_dim3A_1288 : vector<16xi1>, vector<16xi32>
        %swap3A_1290 = arith.index_cast %shift_right_logical3A_1261 : i32 to index
        %swap3A_1291 = arith.index_cast %mul3A_1265 : i32 to index
        %swap3A_1292 = tpu.vector_load %arg13[%swap3A_1290, %swap3A_1291] {strides = array<i32>} : memref<4x128xi32, #tpu.memory_space<vmem>>, vector<16xi32>,
        tpu.vector_store %arg13[%swap3A_1290, %swap3A_1291], %select_n3A_1289 {strides = array<i32>} : memref<4x128xi32, #tpu.memory_space<vmem>>, vector<16xi32>,
      }
      %scan3A_826 = arith.constant 32 : i32
      %dma_start3A_827 = arith.constant 0 : i32
      %dma_start3A_828 = arith.constant 0 : i32
      %dma_start3A_829 = tpu.memref_slice %arg14[%dma_start3A_828] : memref<512xf32, #tpu.memory_space<vmem>> -> memref<128xf32, #tpu.memory_space<vmem>>
      %dma_start3A_830 = arith.constant 0 : i32
      %dma_start3A_831 = tpu.memref_slice %arg12[%dma_start3A_827, %dma_start3A_830] : memref<4x128xi32, #tpu.memory_space<vmem>> -> memref<1x128xi32, #tpu.memory_space<vmem>>
      %dma_start3A_832 = tpu.memref_squeeze %dma_start3A_831 : memref<1x128xi32, #tpu.memory_space<vmem>> -> memref<128xi32, #tpu.memory_space<vmem>>
      %dma_start3A_833 = arith.constant 0 : i32
      %dma_start3A_834 = tpu.memref_slice %arg9[%dma_start3A_833] : memref<16960xf32, #tpu.memory_space<vmem_shared>> -> memref<16960xf32, #tpu.memory_space<vmem_shared>>
      %dma_start3A_835 = arith.constant -1 : i32
      tpu.enqueue_indirect_dma source(%dma_start3A_834 : memref<16960xf32, #tpu.memory_space<vmem_shared>>) target(%dma_start3A_829 : memref<128xf32, #tpu.memory_space<vmem>>) offsets(%dma_start3A_832 : memref<128xi32, #tpu.memory_space<vmem>>) offset_filter(%dma_start3A_835) semaphore(%arg18 : memref<!tpu.dma_semaphore, #tpu.memory_space<semaphore_mem>>)
      %dma_start3A_836 = arith.constant 0 : i32
      %dma_start3A_837 = arith.constant 0 : i32
      %dma_start3A_838 = tpu.memref_slice %arg15[%dma_start3A_837] : memref<512xf32, #tpu.memory_space<vmem>> -> memref<128xf32, #tpu.memory_space<vmem>>
      %dma_start3A_839 = arith.constant 0 : i32
      %dma_start3A_840 = tpu.memref_slice %arg13[%dma_start3A_836, %dma_start3A_839] : memref<4x128xi32, #tpu.memory_space<vmem>> -> memref<1x128xi32, #tpu.memory_space<vmem>>
      %dma_start3A_841 = tpu.memref_squeeze %dma_start3A_840 : memref<1x128xi32, #tpu.memory_space<vmem>> -> memref<128xi32, #tpu.memory_space<vmem>>
      %dma_start3A_842 = arith.constant 0 : i32
      %dma_start3A_843 = tpu.memref_slice %arg9[%dma_start3A_842] : memref<16960xf32, #tpu.memory_space<vmem_shared>> -> memref<16960xf32, #tpu.memory_space<vmem_shared>>
      %dma_start3A_844 = arith.constant -1 : i32
      tpu.enqueue_indirect_dma source(%dma_start3A_843 : memref<16960xf32, #tpu.memory_space<vmem_shared>>) target(%dma_start3A_838 : memref<128xf32, #tpu.memory_space<vmem>>) offsets(%dma_start3A_841 : memref<128xi32, #tpu.memory_space<vmem>>) offset_filter(%dma_start3A_844) semaphore(%arg18 : memref<!tpu.dma_semaphore, #tpu.memory_space<semaphore_mem>>)
      %dma_start3A_845 = arith.constant 1 : i32
      %dma_start3A_846 = arith.constant 128 : i32
      %dma_start3A_847 = tpu.memref_slice %arg14[%dma_start3A_846] : memref<512xf32, #tpu.memory_space<vmem>> -> memref<128xf32, #tpu.memory_space<vmem>>
      %dma_start3A_848 = arith.constant 0 : i32
      %dma_start3A_849 = tpu.memref_slice %arg12[%dma_start3A_845, %dma_start3A_848] : memref<4x128xi32, #tpu.memory_space<vmem>> -> memref<1x128xi32, #tpu.memory_space<vmem>>
      %dma_start3A_850 = tpu.memref_squeeze %dma_start3A_849 : memref<1x128xi32, #tpu.memory_space<vmem>> -> memref<128xi32, #tpu.memory_space<vmem>>
      %dma_start3A_851 = arith.constant 0 : i32
      %dma_start3A_852 = tpu.memref_slice %arg9[%dma_start3A_851] : memref<16960xf32, #tpu.memory_space<vmem_shared>> -> memref<16960xf32, #tpu.memory_space<vmem_shared>>
      %dma_start3A_853 = arith.constant -1 : i32
      tpu.enqueue_indirect_dma source(%dma_start3A_852 : memref<16960xf32, #tpu.memory_space<vmem_shared>>) target(%dma_start3A_847 : memref<128xf32, #tpu.memory_space<vmem>>) offsets(%dma_start3A_850 : memref<128xi32, #tpu.memory_space<vmem>>) offset_filter(%dma_start3A_853) semaphore(%arg18 : memref<!tpu.dma_semaphore, #tpu.memory_space<semaphore_mem>>)
      %dma_start3A_854 = arith.constant 1 : i32
      %dma_start3A_855 = arith.constant 128 : i32
      %dma_start3A_856 = tpu.memref_slice %arg15[%dma_start3A_855] : memref<512xf32, #tpu.memory_space<vmem>> -> memref<128xf32, #tpu.memory_space<vmem>>
      %dma_start3A_857 = arith.constant 0 : i32
      %dma_start3A_858 = tpu.memref_slice %arg13[%dma_start3A_854, %dma_start3A_857] : memref<4x128xi32, #tpu.memory_space<vmem>> -> memref<1x128xi32, #tpu.memory_space<vmem>>
      %dma_start3A_859 = tpu.memref_squeeze %dma_start3A_858 : memref<1x128xi32, #tpu.memory_space<vmem>> -> memref<128xi32, #tpu.memory_space<vmem>>
      %dma_start3A_860 = arith.constant 0 : i32
      %dma_start3A_861 = tpu.memref_slice %arg9[%dma_start3A_860] : memref<16960xf32, #tpu.memory_space<vmem_shared>> -> memref<16960xf32, #tpu.memory_space<vmem_shared>>
      %dma_start3A_862 = arith.constant -1 : i32
      tpu.enqueue_indirect_dma source(%dma_start3A_861 : memref<16960xf32, #tpu.memory_space<vmem_shared>>) target(%dma_start3A_856 : memref<128xf32, #tpu.memory_space<vmem>>) offsets(%dma_start3A_859 : memref<128xi32, #tpu.memory_space<vmem>>) offset_filter(%dma_start3A_862) semaphore(%arg18 : memref<!tpu.dma_semaphore, #tpu.memory_space<semaphore_mem>>)
      %dma_start3A_863 = arith.constant 2 : i32
      %dma_start3A_864 = arith.constant 256 : i32
      %dma_start3A_865 = tpu.memref_slice %arg14[%dma_start3A_864] : memref<512xf32, #tpu.memory_space<vmem>> -> memref<128xf32, #tpu.memory_space<vmem>>
      %dma_start3A_866 = arith.constant 0 : i32
      %dma_start3A_867 = tpu.memref_slice %arg12[%dma_start3A_863, %dma_start3A_866] : memref<4x128xi32, #tpu.memory_space<vmem>> -> memref<1x128xi32, #tpu.memory_space<vmem>>
      %dma_start3A_868 = tpu.memref_squeeze %dma_start3A_867 : memref<1x128xi32, #tpu.memory_space<vmem>> -> memref<128xi32, #tpu.memory_space<vmem>>
      %dma_start3A_869 = arith.constant 0 : i32
      %dma_start3A_870 = tpu.memref_slice %arg9[%dma_start3A_869] : memref<16960xf32, #tpu.memory_space<vmem_shared>> -> memref<16960xf32, #tpu.memory_space<vmem_shared>>
      %dma_start3A_871 = arith.constant -1 : i32
      tpu.enqueue_indirect_dma source(%dma_start3A_870 : memref<16960xf32, #tpu.memory_space<vmem_shared>>) target(%dma_start3A_865 : memref<128xf32, #tpu.memory_space<vmem>>) offsets(%dma_start3A_868 : memref<128xi32, #tpu.memory_space<vmem>>) offset_filter(%dma_start3A_871) semaphore(%arg18 : memref<!tpu.dma_semaphore, #tpu.memory_space<semaphore_mem>>)
      %dma_start3A_872 = arith.constant 2 : i32
      %dma_start3A_873 = arith.constant 256 : i32
      %dma_start3A_874 = tpu.memref_slice %arg15[%dma_start3A_873] : memref<512xf32, #tpu.memory_space<vmem>> -> memref<128xf32, #tpu.memory_space<vmem>>
      %dma_start3A_875 = arith.constant 0 : i32
      %dma_start3A_876 = tpu.memref_slice %arg13[%dma_start3A_872, %dma_start3A_875] : memref<4x128xi32, #tpu.memory_space<vmem>> -> memref<1x128xi32, #tpu.memory_space<vmem>>
      %dma_start3A_877 = tpu.memref_squeeze %dma_start3A_876 : memref<1x128xi32, #tpu.memory_space<vmem>> -> memref<128xi32, #tpu.memory_space<vmem>>
      %dma_start3A_878 = arith.constant 0 : i32
      %dma_start3A_879 = tpu.memref_slice %arg9[%dma_start3A_878] : memref<16960xf32, #tpu.memory_space<vmem_shared>> -> memref<16960xf32, #tpu.memory_space<vmem_shared>>
      %dma_start3A_880 = arith.constant -1 : i32
      tpu.enqueue_indirect_dma source(%dma_start3A_879 : memref<16960xf32, #tpu.memory_space<vmem_shared>>) target(%dma_start3A_874 : memref<128xf32, #tpu.memory_space<vmem>>) offsets(%dma_start3A_877 : memref<128xi32, #tpu.memory_space<vmem>>) offset_filter(%dma_start3A_880) semaphore(%arg18 : memref<!tpu.dma_semaphore, #tpu.memory_space<semaphore_mem>>)
      %dma_start3A_881 = arith.constant 3 : i32
      %dma_start3A_882 = arith.constant 384 : i32
      %dma_start3A_883 = tpu.memref_slice %arg14[%dma_start3A_882] : memref<512xf32, #tpu.memory_space<vmem>> -> memref<128xf32, #tpu.memory_space<vmem>>
      %dma_start3A_884 = arith.constant 0 : i32
      %dma_start3A_885 = tpu.memref_slice %arg12[%dma_start3A_881, %dma_start3A_884] : memref<4x128xi32, #tpu.memory_space<vmem>> -> memref<1x128xi32, #tpu.memory_space<vmem>>
      %dma_start3A_886 = tpu.memref_squeeze %dma_start3A_885 : memref<1x128xi32, #tpu.memory_space<vmem>> -> memref<128xi32, #tpu.memory_space<vmem>>
      %dma_start3A_887 = arith.constant 0 : i32
      %dma_start3A_888 = tpu.memref_slice %arg9[%dma_start3A_887] : memref<16960xf32, #tpu.memory_space<vmem_shared>> -> memref<16960xf32, #tpu.memory_space<vmem_shared>>
      %dma_start3A_889 = arith.constant -1 : i32
      tpu.enqueue_indirect_dma source(%dma_start3A_888 : memref<16960xf32, #tpu.memory_space<vmem_shared>>) target(%dma_start3A_883 : memref<128xf32, #tpu.memory_space<vmem>>) offsets(%dma_start3A_886 : memref<128xi32, #tpu.memory_space<vmem>>) offset_filter(%dma_start3A_889) semaphore(%arg18 : memref<!tpu.dma_semaphore, #tpu.memory_space<semaphore_mem>>)
      %dma_start3A_890 = arith.constant 3 : i32
      %dma_start3A_891 = arith.constant 384 : i32
      %dma_start3A_892 = tpu.memref_slice %arg15[%dma_start3A_891] : memref<512xf32, #tpu.memory_space<vmem>> -> memref<128xf32, #tpu.memory_space<vmem>>
      %dma_start3A_893 = arith.constant 0 : i32
      %dma_start3A_894 = tpu.memref_slice %arg13[%dma_start3A_890, %dma_start3A_893] : memref<4x128xi32, #tpu.memory_space<vmem>> -> memref<1x128xi32, #tpu.memory_space<vmem>>
      %dma_start3A_895 = tpu.memref_squeeze %dma_start3A_894 : memref<1x128xi32, #tpu.memory_space<vmem>> -> memref<128xi32, #tpu.memory_space<vmem>>
      %dma_start3A_896 = arith.constant 0 : i32
      %dma_start3A_897 = tpu.memref_slice %arg9[%dma_start3A_896] : memref<16960xf32, #tpu.memory_space<vmem_shared>> -> memref<16960xf32, #tpu.memory_space<vmem_shared>>
      %dma_start3A_898 = arith.constant -1 : i32
      tpu.enqueue_indirect_dma source(%dma_start3A_897 : memref<16960xf32, #tpu.memory_space<vmem_shared>>) target(%dma_start3A_892 : memref<128xf32, #tpu.memory_space<vmem>>) offsets(%dma_start3A_895 : memref<128xi32, #tpu.memory_space<vmem>>) offset_filter(%dma_start3A_898) semaphore(%arg18 : memref<!tpu.dma_semaphore, #tpu.memory_space<semaphore_mem>>)
      %dma_wait3A_899 = arith.constant 0 : i32
      %dma_wait3A_900 = arith.constant 0 : i32
      %dma_wait3A_901 = tpu.memref_slice %arg14[%dma_wait3A_900] : memref<512xf32, #tpu.memory_space<vmem>> -> memref<128xf32, #tpu.memory_space<vmem>>
      %dma_wait3A_902 = arith.constant 0 : i32
      %dma_wait3A_903 = tpu.memref_slice %arg12[%dma_wait3A_899, %dma_wait3A_902] : memref<4x128xi32, #tpu.memory_space<vmem>> -> memref<1x128xi32, #tpu.memory_space<vmem>>
      %dma_wait3A_904 = tpu.memref_squeeze %dma_wait3A_903 : memref<1x128xi32, #tpu.memory_space<vmem>> -> memref<128xi32, #tpu.memory_space<vmem>>
      %dma_wait3A_905 = arith.constant 0 : i32
      %dma_wait3A_906 = tpu.memref_slice %arg9[%dma_wait3A_905] : memref<16960xf32, #tpu.memory_space<vmem_shared>> -> memref<16960xf32, #tpu.memory_space<vmem_shared>>
      tpu.wait_indirect_dma semaphore(%arg18 : memref<!tpu.dma_semaphore, #tpu.memory_space<semaphore_mem>>) src(%dma_wait3A_906 : memref<16960xf32, #tpu.memory_space<vmem_shared>>) dst(%dma_wait3A_901 : memref<128xf32, #tpu.memory_space<vmem>>)
      %dma_wait3A_907 = arith.constant 0 : i32
      %dma_wait3A_908 = arith.constant 0 : i32
      %dma_wait3A_909 = tpu.memref_slice %arg15[%dma_wait3A_908] : memref<512xf32, #tpu.memory_space<vmem>> -> memref<128xf32, #tpu.memory_space<vmem>>
      %dma_wait3A_910 = arith.constant 0 : i32
      %dma_wait3A_911 = tpu.memref_slice %arg13[%dma_wait3A_907, %dma_wait3A_910] : memref<4x128xi32, #tpu.memory_space<vmem>> -> memref<1x128xi32, #tpu.memory_space<vmem>>
      %dma_wait3A_912 = tpu.memref_squeeze %dma_wait3A_911 : memref<1x128xi32, #tpu.memory_space<vmem>> -> memref<128xi32, #tpu.memory_space<vmem>>
      %dma_wait3A_913 = arith.constant 0 : i32
      %dma_wait3A_914 = tpu.memref_slice %arg9[%dma_wait3A_913] : memref<16960xf32, #tpu.memory_space<vmem_shared>> -> memref<16960xf32, #tpu.memory_space<vmem_shared>>
      tpu.wait_indirect_dma semaphore(%arg18 : memref<!tpu.dma_semaphore, #tpu.memory_space<semaphore_mem>>) src(%dma_wait3A_914 : memref<16960xf32, #tpu.memory_space<vmem_shared>>) dst(%dma_wait3A_909 : memref<128xf32, #tpu.memory_space<vmem>>)
      %dma_wait3A_915 = arith.constant 1 : i32
      %dma_wait3A_916 = arith.constant 128 : i32
      %dma_wait3A_917 = tpu.memref_slice %arg14[%dma_wait3A_916] : memref<512xf32, #tpu.memory_space<vmem>> -> memref<128xf32, #tpu.memory_space<vmem>>
      %dma_wait3A_918 = arith.constant 0 : i32
      %dma_wait3A_919 = tpu.memref_slice %arg12[%dma_wait3A_915, %dma_wait3A_918] : memref<4x128xi32, #tpu.memory_space<vmem>> -> memref<1x128xi32, #tpu.memory_space<vmem>>
      %dma_wait3A_920 = tpu.memref_squeeze %dma_wait3A_919 : memref<1x128xi32, #tpu.memory_space<vmem>> -> memref<128xi32, #tpu.memory_space<vmem>>
      %dma_wait3A_921 = arith.constant 0 : i32
      %dma_wait3A_922 = tpu.memref_slice %arg9[%dma_wait3A_921] : memref<16960xf32, #tpu.memory_space<vmem_shared>> -> memref<16960xf32, #tpu.memory_space<vmem_shared>>
      tpu.wait_indirect_dma semaphore(%arg18 : memref<!tpu.dma_semaphore, #tpu.memory_space<semaphore_mem>>) src(%dma_wait3A_922 : memref<16960xf32, #tpu.memory_space<vmem_shared>>) dst(%dma_wait3A_917 : memref<128xf32, #tpu.memory_space<vmem>>)
      %dma_wait3A_923 = arith.constant 1 : i32
      %dma_wait3A_924 = arith.constant 128 : i32
      %dma_wait3A_925 = tpu.memref_slice %arg15[%dma_wait3A_924] : memref<512xf32, #tpu.memory_space<vmem>> -> memref<128xf32, #tpu.memory_space<vmem>>
      %dma_wait3A_926 = arith.constant 0 : i32
      %dma_wait3A_927 = tpu.memref_slice %arg13[%dma_wait3A_923, %dma_wait3A_926] : memref<4x128xi32, #tpu.memory_space<vmem>> -> memref<1x128xi32, #tpu.memory_space<vmem>>
      %dma_wait3A_928 = tpu.memref_squeeze %dma_wait3A_927 : memref<1x128xi32, #tpu.memory_space<vmem>> -> memref<128xi32, #tpu.memory_space<vmem>>
      %dma_wait3A_929 = arith.constant 0 : i32
      %dma_wait3A_930 = tpu.memref_slice %arg9[%dma_wait3A_929] : memref<16960xf32, #tpu.memory_space<vmem_shared>> -> memref<16960xf32, #tpu.memory_space<vmem_shared>>
      tpu.wait_indirect_dma semaphore(%arg18 : memref<!tpu.dma_semaphore, #tpu.memory_space<semaphore_mem>>) src(%dma_wait3A_930 : memref<16960xf32, #tpu.memory_space<vmem_shared>>) dst(%dma_wait3A_925 : memref<128xf32, #tpu.memory_space<vmem>>)
      %dma_wait3A_931 = arith.constant 2 : i32
      %dma_wait3A_932 = arith.constant 256 : i32
      %dma_wait3A_933 = tpu.memref_slice %arg14[%dma_wait3A_932] : memref<512xf32, #tpu.memory_space<vmem>> -> memref<128xf32, #tpu.memory_space<vmem>>
      %dma_wait3A_934 = arith.constant 0 : i32
      %dma_wait3A_935 = tpu.memref_slice %arg12[%dma_wait3A_931, %dma_wait3A_934] : memref<4x128xi32, #tpu.memory_space<vmem>> -> memref<1x128xi32, #tpu.memory_space<vmem>>
      %dma_wait3A_936 = tpu.memref_squeeze %dma_wait3A_935 : memref<1x128xi32, #tpu.memory_space<vmem>> -> memref<128xi32, #tpu.memory_space<vmem>>
      %dma_wait3A_937 = arith.constant 0 : i32
      %dma_wait3A_938 = tpu.memref_slice %arg9[%dma_wait3A_937] : memref<16960xf32, #tpu.memory_space<vmem_shared>> -> memref<16960xf32, #tpu.memory_space<vmem_shared>>
      tpu.wait_indirect_dma semaphore(%arg18 : memref<!tpu.dma_semaphore, #tpu.memory_space<semaphore_mem>>) src(%dma_wait3A_938 : memref<16960xf32, #tpu.memory_space<vmem_shared>>) dst(%dma_wait3A_933 : memref<128xf32, #tpu.memory_space<vmem>>)
      %dma_wait3A_939 = arith.constant 2 : i32
      %dma_wait3A_940 = arith.constant 256 : i32
      %dma_wait3A_941 = tpu.memref_slice %arg15[%dma_wait3A_940] : memref<512xf32, #tpu.memory_space<vmem>> -> memref<128xf32, #tpu.memory_space<vmem>>
      %dma_wait3A_942 = arith.constant 0 : i32
      %dma_wait3A_943 = tpu.memref_slice %arg13[%dma_wait3A_939, %dma_wait3A_942] : memref<4x128xi32, #tpu.memory_space<vmem>> -> memref<1x128xi32, #tpu.memory_space<vmem>>
      %dma_wait3A_944 = tpu.memref_squeeze %dma_wait3A_943 : memref<1x128xi32, #tpu.memory_space<vmem>> -> memref<128xi32, #tpu.memory_space<vmem>>
      %dma_wait3A_945 = arith.constant 0 : i32
      %dma_wait3A_946 = tpu.memref_slice %arg9[%dma_wait3A_945] : memref<16960xf32, #tpu.memory_space<vmem_shared>> -> memref<16960xf32, #tpu.memory_space<vmem_shared>>
      tpu.wait_indirect_dma semaphore(%arg18 : memref<!tpu.dma_semaphore, #tpu.memory_space<semaphore_mem>>) src(%dma_wait3A_946 : memref<16960xf32, #tpu.memory_space<vmem_shared>>) dst(%dma_wait3A_941 : memref<128xf32, #tpu.memory_space<vmem>>)
      %dma_wait3A_947 = arith.constant 3 : i32
      %dma_wait3A_948 = arith.constant 384 : i32
      %dma_wait3A_949 = tpu.memref_slice %arg14[%dma_wait3A_948] : memref<512xf32, #tpu.memory_space<vmem>> -> memref<128xf32, #tpu.memory_space<vmem>>
      %dma_wait3A_950 = arith.constant 0 : i32
      %dma_wait3A_951 = tpu.memref_slice %arg12[%dma_wait3A_947, %dma_wait3A_950] : memref<4x128xi32, #tpu.memory_space<vmem>> -> memref<1x128xi32, #tpu.memory_space<vmem>>
      %dma_wait3A_952 = tpu.memref_squeeze %dma_wait3A_951 : memref<1x128xi32, #tpu.memory_space<vmem>> -> memref<128xi32, #tpu.memory_space<vmem>>
      %dma_wait3A_953 = arith.constant 0 : i32
      %dma_wait3A_954 = tpu.memref_slice %arg9[%dma_wait3A_953] : memref<16960xf32, #tpu.memory_space<vmem_shared>> -> memref<16960xf32, #tpu.memory_space<vmem_shared>>
      tpu.wait_indirect_dma semaphore(%arg18 : memref<!tpu.dma_semaphore, #tpu.memory_space<semaphore_mem>>) src(%dma_wait3A_954 : memref<16960xf32, #tpu.memory_space<vmem_shared>>) dst(%dma_wait3A_949 : memref<128xf32, #tpu.memory_space<vmem>>)
      %dma_wait3A_955 = arith.constant 3 : i32
      %dma_wait3A_956 = arith.constant 384 : i32
      %dma_wait3A_957 = tpu.memref_slice %arg15[%dma_wait3A_956] : memref<512xf32, #tpu.memory_space<vmem>> -> memref<128xf32, #tpu.memory_space<vmem>>
      %dma_wait3A_958 = arith.constant 0 : i32
      %dma_wait3A_959 = tpu.memref_slice %arg13[%dma_wait3A_955, %dma_wait3A_958] : memref<4x128xi32, #tpu.memory_space<vmem>> -> memref<1x128xi32, #tpu.memory_space<vmem>>
      %dma_wait3A_960 = tpu.memref_squeeze %dma_wait3A_959 : memref<1x128xi32, #tpu.memory_space<vmem>> -> memref<128xi32, #tpu.memory_space<vmem>>
      %dma_wait3A_961 = arith.constant 0 : i32
      %dma_wait3A_962 = tpu.memref_slice %arg9[%dma_wait3A_961] : memref<16960xf32, #tpu.memory_space<vmem_shared>> -> memref<16960xf32, #tpu.memory_space<vmem_shared>>
      tpu.wait_indirect_dma semaphore(%arg18 : memref<!tpu.dma_semaphore, #tpu.memory_space<semaphore_mem>>) src(%dma_wait3A_962 : memref<16960xf32, #tpu.memory_space<vmem_shared>>) dst(%dma_wait3A_957 : memref<128xf32, #tpu.memory_space<vmem>>)
      %scan3A_963 = arith.constant 0 : i32
      %scan3A_964 = arith.constant 0 : i32
      %scan3A_965 = arith.constant 32 : i32
      %scan3A_966 = arith.addi %scan3A_964, %scan3A_965 : i32
      %scan3A_967 = arith.constant 1 : i32
      scf.for %scan3A_1259 = %scan3A_964 to %scan3A_966 step %scan3A_967  : i32 {
        %mul3A_1260 = arith.constant 16 : i32
        %mul3A_1261 = arith.muli %scan3A_1259, %mul3A_1260 : i32
        %mul3A_1262 = arith.constant 16 : i32
        %mul3A_1263 = arith.muli %scan3A_1259, %mul3A_1262 : i32
        %add3A_1264 = arith.constant 0 : i32
        %add3A_1265 = arith.addi %add3A_1264, %mul3A_1263 : i32
        %get3A = arith.index_cast %add3A_1265 : i32 to index
        %get3A_1266 = tpu.vector_load %arg16[%get3A] {strides = array<i32>} : memref<1024xf32, #tpu.memory_space<vmem>>, vector<16xf32>,
        %get3A_1267 = arith.index_cast %mul3A_1261 : i32 to index
        %get3A_1268 = tpu.vector_load %arg14[%get3A_1267] {strides = array<i32>} : memref<512xf32, #tpu.memory_space<vmem>>, vector<16xf32>,
        %get3A_1269 = arith.index_cast %mul3A_1261 : i32 to index
        %get3A_1270 = tpu.vector_load %arg15[%get3A_1269] {strides = array<i32>} : memref<512xf32, #tpu.memory_space<vmem>>, vector<16xf32>,
        %mul3A_1271 = arith.mulf %get3A_1268, %get3A_1270 : vector<16xf32>
        %add3A_1272 = arith.addf %get3A_1266, %mul3A_1271 : vector<16xf32>
        %swap3A = arith.index_cast %add3A_1265 : i32 to index
        %swap3A_1273 = tpu.vector_load %arg16[%swap3A] {strides = array<i32>} : memref<1024xf32, #tpu.memory_space<vmem>>, vector<16xf32>,
        tpu.vector_store %arg16[%swap3A], %add3A_1272 {strides = array<i32>} : memref<1024xf32, #tpu.memory_space<vmem>>, vector<16xf32>,
      }
      %scan3A_968 = arith.constant 32 : i32
      %scan3A_969 = arith.constant 0 : i32
      %scan3A_970 = arith.constant 0 : i32
      %scan3A_971 = arith.constant 32 : i32
      %scan3A_972 = arith.addi %scan3A_970, %scan3A_971 : i32
      %scan3A_973 = arith.constant 1 : i32
      scf.for %scan3A_1259 = %scan3A_970 to %scan3A_972 step %scan3A_973  : i32 {
        %shift_right_logical3A_1260 = arith.constant 3 : i32
        %shift_right_logical3A_1261 = arith.shrui %scan3A_1259, %shift_right_logical3A_1260 : i32
        %and3A_1262 = arith.constant 7 : i32
        %and3A_1263 = arith.andi %scan3A_1259, %and3A_1262 : i32
        %mul3A_1264 = arith.constant 16 : i32
        %mul3A_1265 = arith.muli %and3A_1263, %mul3A_1264 : i32
        %add3A_1266 = arith.constant 4 : i32
        %add3A_1267 = arith.addi %add3A_1266, %shift_right_logical3A_1261 : i32
        %get3A = arith.index_cast %add3A_1267 : i32 to index
        %get3A_1268 = arith.index_cast %mul3A_1265 : i32 to index
        %get3A_1269 = tpu.vector_load %arg10[%get3A, %get3A_1268] {strides = array<i32>} : memref<8x128xi32, #tpu.memory_space<vmem>>, vector<16xi32>,
        %min3A = arith.constant 983039 : i32
        %min3A_1270 = vector.broadcast %min3A : i32 to vector<16xi32>
        %min3A_1271 = arith.minsi %get3A_1269, %min3A_1270 : vector<16xi32>
        %swap3A = arith.index_cast %shift_right_logical3A_1261 : i32 to index
        %swap3A_1272 = arith.index_cast %mul3A_1265 : i32 to index
        %swap3A_1273 = tpu.vector_load %arg12[%swap3A, %swap3A_1272] {strides = array<i32>} : memref<4x128xi32, #tpu.memory_space<vmem>>, vector<16xi32>,
        tpu.vector_store %arg12[%swap3A, %swap3A_1272], %min3A_1271 {strides = array<i32>} : memref<4x128xi32, #tpu.memory_space<vmem>>, vector<16xi32>,
        %add3A_1274 = arith.constant 4 : i32
        %add3A_1275 = arith.addi %add3A_1274, %shift_right_logical3A_1261 : i32
        %get3A_1276 = arith.index_cast %add3A_1275 : i32 to index
        %get3A_1277 = arith.index_cast %mul3A_1265 : i32 to index
        %get3A_1278 = tpu.vector_load %arg11[%get3A_1276, %get3A_1277] {strides = array<i32>} : memref<8x128xi32, #tpu.memory_space<vmem>>, vector<16xi32>,
        %min3A_1279 = arith.constant 983039 : i32
        %min3A_1280 = vector.broadcast %min3A_1279 : i32 to vector<16xi32>
        %min3A_1281 = arith.minsi %get3A_1278, %min3A_1280 : vector<16xi32>
        %swap3A_1282 = arith.index_cast %shift_right_logical3A_1261 : i32 to index
        %swap3A_1283 = arith.index_cast %mul3A_1265 : i32 to index
        %swap3A_1284 = tpu.vector_load %arg13[%swap3A_1282, %swap3A_1283] {strides = array<i32>} : memref<4x128xi32, #tpu.memory_space<vmem>>, vector<16xi32>,
        tpu.vector_store %arg13[%swap3A_1282, %swap3A_1283], %min3A_1281 {strides = array<i32>} : memref<4x128xi32, #tpu.memory_space<vmem>>, vector<16xi32>,
      }
      %scan3A_974 = arith.constant 32 : i32
      %dma_start3A_975 = arith.constant 0 : i32
      %dma_start3A_976 = arith.constant 0 : i32
      %dma_start3A_977 = tpu.memref_slice %arg14[%dma_start3A_976] : memref<512xf32, #tpu.memory_space<vmem>> -> memref<128xf32, #tpu.memory_space<vmem>>
      %dma_start3A_978 = arith.constant 0 : i32
      %dma_start3A_979 = tpu.memref_slice %arg12[%dma_start3A_975, %dma_start3A_978] : memref<4x128xi32, #tpu.memory_space<vmem>> -> memref<1x128xi32, #tpu.memory_space<vmem>>
      %dma_start3A_980 = tpu.memref_squeeze %dma_start3A_979 : memref<1x128xi32, #tpu.memory_space<vmem>> -> memref<128xi32, #tpu.memory_space<vmem>>
      %dma_start3A_981 = arith.constant 0 : i32
      %dma_start3A_982 = tpu.memref_slice %arg7[%dma_start3A_981] : memref<983040xf32, #tpu.memory_space<vmem_shared>> -> memref<983040xf32, #tpu.memory_space<vmem_shared>>
      tpu.enqueue_indirect_dma source(%dma_start3A_982 : memref<983040xf32, #tpu.memory_space<vmem_shared>>) target(%dma_start3A_977 : memref<128xf32, #tpu.memory_space<vmem>>) offsets(%dma_start3A_980 : memref<128xi32, #tpu.memory_space<vmem>>) semaphore(%arg18 : memref<!tpu.dma_semaphore, #tpu.memory_space<semaphore_mem>>)
      %dma_start3A_983 = arith.constant 0 : i32
      %dma_start3A_984 = arith.constant 0 : i32
      %dma_start3A_985 = tpu.memref_slice %arg15[%dma_start3A_984] : memref<512xf32, #tpu.memory_space<vmem>> -> memref<128xf32, #tpu.memory_space<vmem>>
      %dma_start3A_986 = arith.constant 0 : i32
      %dma_start3A_987 = tpu.memref_slice %arg13[%dma_start3A_983, %dma_start3A_986] : memref<4x128xi32, #tpu.memory_space<vmem>> -> memref<1x128xi32, #tpu.memory_space<vmem>>
      %dma_start3A_988 = tpu.memref_squeeze %dma_start3A_987 : memref<1x128xi32, #tpu.memory_space<vmem>> -> memref<128xi32, #tpu.memory_space<vmem>>
      %dma_start3A_989 = arith.constant 0 : i32
      %dma_start3A_990 = tpu.memref_slice %arg7[%dma_start3A_989] : memref<983040xf32, #tpu.memory_space<vmem_shared>> -> memref<983040xf32, #tpu.memory_space<vmem_shared>>
      tpu.enqueue_indirect_dma source(%dma_start3A_990 : memref<983040xf32, #tpu.memory_space<vmem_shared>>) target(%dma_start3A_985 : memref<128xf32, #tpu.memory_space<vmem>>) offsets(%dma_start3A_988 : memref<128xi32, #tpu.memory_space<vmem>>) semaphore(%arg18 : memref<!tpu.dma_semaphore, #tpu.memory_space<semaphore_mem>>)
      %dma_start3A_991 = arith.constant 1 : i32
      %dma_start3A_992 = arith.constant 128 : i32
      %dma_start3A_993 = tpu.memref_slice %arg14[%dma_start3A_992] : memref<512xf32, #tpu.memory_space<vmem>> -> memref<128xf32, #tpu.memory_space<vmem>>
      %dma_start3A_994 = arith.constant 0 : i32
      %dma_start3A_995 = tpu.memref_slice %arg12[%dma_start3A_991, %dma_start3A_994] : memref<4x128xi32, #tpu.memory_space<vmem>> -> memref<1x128xi32, #tpu.memory_space<vmem>>
      %dma_start3A_996 = tpu.memref_squeeze %dma_start3A_995 : memref<1x128xi32, #tpu.memory_space<vmem>> -> memref<128xi32, #tpu.memory_space<vmem>>
      %dma_start3A_997 = arith.constant 0 : i32
      %dma_start3A_998 = tpu.memref_slice %arg7[%dma_start3A_997] : memref<983040xf32, #tpu.memory_space<vmem_shared>> -> memref<983040xf32, #tpu.memory_space<vmem_shared>>
      tpu.enqueue_indirect_dma source(%dma_start3A_998 : memref<983040xf32, #tpu.memory_space<vmem_shared>>) target(%dma_start3A_993 : memref<128xf32, #tpu.memory_space<vmem>>) offsets(%dma_start3A_996 : memref<128xi32, #tpu.memory_space<vmem>>) semaphore(%arg18 : memref<!tpu.dma_semaphore, #tpu.memory_space<semaphore_mem>>)
      %dma_start3A_999 = arith.constant 1 : i32
      %dma_start3A_1000 = arith.constant 128 : i32
      %dma_start3A_1001 = tpu.memref_slice %arg15[%dma_start3A_1000] : memref<512xf32, #tpu.memory_space<vmem>> -> memref<128xf32, #tpu.memory_space<vmem>>
      %dma_start3A_1002 = arith.constant 0 : i32
      %dma_start3A_1003 = tpu.memref_slice %arg13[%dma_start3A_999, %dma_start3A_1002] : memref<4x128xi32, #tpu.memory_space<vmem>> -> memref<1x128xi32, #tpu.memory_space<vmem>>
      %dma_start3A_1004 = tpu.memref_squeeze %dma_start3A_1003 : memref<1x128xi32, #tpu.memory_space<vmem>> -> memref<128xi32, #tpu.memory_space<vmem>>
      %dma_start3A_1005 = arith.constant 0 : i32
      %dma_start3A_1006 = tpu.memref_slice %arg7[%dma_start3A_1005] : memref<983040xf32, #tpu.memory_space<vmem_shared>> -> memref<983040xf32, #tpu.memory_space<vmem_shared>>
      tpu.enqueue_indirect_dma source(%dma_start3A_1006 : memref<983040xf32, #tpu.memory_space<vmem_shared>>) target(%dma_start3A_1001 : memref<128xf32, #tpu.memory_space<vmem>>) offsets(%dma_start3A_1004 : memref<128xi32, #tpu.memory_space<vmem>>) semaphore(%arg18 : memref<!tpu.dma_semaphore, #tpu.memory_space<semaphore_mem>>)
      %dma_start3A_1007 = arith.constant 2 : i32
      %dma_start3A_1008 = arith.constant 256 : i32
      %dma_start3A_1009 = tpu.memref_slice %arg14[%dma_start3A_1008] : memref<512xf32, #tpu.memory_space<vmem>> -> memref<128xf32, #tpu.memory_space<vmem>>
      %dma_start3A_1010 = arith.constant 0 : i32
      %dma_start3A_1011 = tpu.memref_slice %arg12[%dma_start3A_1007, %dma_start3A_1010] : memref<4x128xi32, #tpu.memory_space<vmem>> -> memref<1x128xi32, #tpu.memory_space<vmem>>
      %dma_start3A_1012 = tpu.memref_squeeze %dma_start3A_1011 : memref<1x128xi32, #tpu.memory_space<vmem>> -> memref<128xi32, #tpu.memory_space<vmem>>
      %dma_start3A_1013 = arith.constant 0 : i32
      %dma_start3A_1014 = tpu.memref_slice %arg7[%dma_start3A_1013] : memref<983040xf32, #tpu.memory_space<vmem_shared>> -> memref<983040xf32, #tpu.memory_space<vmem_shared>>
      tpu.enqueue_indirect_dma source(%dma_start3A_1014 : memref<983040xf32, #tpu.memory_space<vmem_shared>>) target(%dma_start3A_1009 : memref<128xf32, #tpu.memory_space<vmem>>) offsets(%dma_start3A_1012 : memref<128xi32, #tpu.memory_space<vmem>>) semaphore(%arg18 : memref<!tpu.dma_semaphore, #tpu.memory_space<semaphore_mem>>)
      %dma_start3A_1015 = arith.constant 2 : i32
      %dma_start3A_1016 = arith.constant 256 : i32
      %dma_start3A_1017 = tpu.memref_slice %arg15[%dma_start3A_1016] : memref<512xf32, #tpu.memory_space<vmem>> -> memref<128xf32, #tpu.memory_space<vmem>>
      %dma_start3A_1018 = arith.constant 0 : i32
      %dma_start3A_1019 = tpu.memref_slice %arg13[%dma_start3A_1015, %dma_start3A_1018] : memref<4x128xi32, #tpu.memory_space<vmem>> -> memref<1x128xi32, #tpu.memory_space<vmem>>
      %dma_start3A_1020 = tpu.memref_squeeze %dma_start3A_1019 : memref<1x128xi32, #tpu.memory_space<vmem>> -> memref<128xi32, #tpu.memory_space<vmem>>
      %dma_start3A_1021 = arith.constant 0 : i32
      %dma_start3A_1022 = tpu.memref_slice %arg7[%dma_start3A_1021] : memref<983040xf32, #tpu.memory_space<vmem_shared>> -> memref<983040xf32, #tpu.memory_space<vmem_shared>>
      tpu.enqueue_indirect_dma source(%dma_start3A_1022 : memref<983040xf32, #tpu.memory_space<vmem_shared>>) target(%dma_start3A_1017 : memref<128xf32, #tpu.memory_space<vmem>>) offsets(%dma_start3A_1020 : memref<128xi32, #tpu.memory_space<vmem>>) semaphore(%arg18 : memref<!tpu.dma_semaphore, #tpu.memory_space<semaphore_mem>>)
      %dma_start3A_1023 = arith.constant 3 : i32
      %dma_start3A_1024 = arith.constant 384 : i32
      %dma_start3A_1025 = tpu.memref_slice %arg14[%dma_start3A_1024] : memref<512xf32, #tpu.memory_space<vmem>> -> memref<128xf32, #tpu.memory_space<vmem>>
      %dma_start3A_1026 = arith.constant 0 : i32
      %dma_start3A_1027 = tpu.memref_slice %arg12[%dma_start3A_1023, %dma_start3A_1026] : memref<4x128xi32, #tpu.memory_space<vmem>> -> memref<1x128xi32, #tpu.memory_space<vmem>>
      %dma_start3A_1028 = tpu.memref_squeeze %dma_start3A_1027 : memref<1x128xi32, #tpu.memory_space<vmem>> -> memref<128xi32, #tpu.memory_space<vmem>>
      %dma_start3A_1029 = arith.constant 0 : i32
      %dma_start3A_1030 = tpu.memref_slice %arg7[%dma_start3A_1029] : memref<983040xf32, #tpu.memory_space<vmem_shared>> -> memref<983040xf32, #tpu.memory_space<vmem_shared>>
      tpu.enqueue_indirect_dma source(%dma_start3A_1030 : memref<983040xf32, #tpu.memory_space<vmem_shared>>) target(%dma_start3A_1025 : memref<128xf32, #tpu.memory_space<vmem>>) offsets(%dma_start3A_1028 : memref<128xi32, #tpu.memory_space<vmem>>) semaphore(%arg18 : memref<!tpu.dma_semaphore, #tpu.memory_space<semaphore_mem>>)
      %dma_start3A_1031 = arith.constant 3 : i32
      %dma_start3A_1032 = arith.constant 384 : i32
      %dma_start3A_1033 = tpu.memref_slice %arg15[%dma_start3A_1032] : memref<512xf32, #tpu.memory_space<vmem>> -> memref<128xf32, #tpu.memory_space<vmem>>
      %dma_start3A_1034 = arith.constant 0 : i32
      %dma_start3A_1035 = tpu.memref_slice %arg13[%dma_start3A_1031, %dma_start3A_1034] : memref<4x128xi32, #tpu.memory_space<vmem>> -> memref<1x128xi32, #tpu.memory_space<vmem>>
      %dma_start3A_1036 = tpu.memref_squeeze %dma_start3A_1035 : memref<1x128xi32, #tpu.memory_space<vmem>> -> memref<128xi32, #tpu.memory_space<vmem>>
      %dma_start3A_1037 = arith.constant 0 : i32
      %dma_start3A_1038 = tpu.memref_slice %arg7[%dma_start3A_1037] : memref<983040xf32, #tpu.memory_space<vmem_shared>> -> memref<983040xf32, #tpu.memory_space<vmem_shared>>
      tpu.enqueue_indirect_dma source(%dma_start3A_1038 : memref<983040xf32, #tpu.memory_space<vmem_shared>>) target(%dma_start3A_1033 : memref<128xf32, #tpu.memory_space<vmem>>) offsets(%dma_start3A_1036 : memref<128xi32, #tpu.memory_space<vmem>>) semaphore(%arg18 : memref<!tpu.dma_semaphore, #tpu.memory_space<semaphore_mem>>)
      %dma_wait3A_1039 = arith.constant 0 : i32
      %dma_wait3A_1040 = arith.constant 0 : i32
      %dma_wait3A_1041 = tpu.memref_slice %arg14[%dma_wait3A_1040] : memref<512xf32, #tpu.memory_space<vmem>> -> memref<128xf32, #tpu.memory_space<vmem>>
      %dma_wait3A_1042 = arith.constant 0 : i32
      %dma_wait3A_1043 = tpu.memref_slice %arg12[%dma_wait3A_1039, %dma_wait3A_1042] : memref<4x128xi32, #tpu.memory_space<vmem>> -> memref<1x128xi32, #tpu.memory_space<vmem>>
      %dma_wait3A_1044 = tpu.memref_squeeze %dma_wait3A_1043 : memref<1x128xi32, #tpu.memory_space<vmem>> -> memref<128xi32, #tpu.memory_space<vmem>>
      %dma_wait3A_1045 = arith.constant 0 : i32
      %dma_wait3A_1046 = tpu.memref_slice %arg7[%dma_wait3A_1045] : memref<983040xf32, #tpu.memory_space<vmem_shared>> -> memref<983040xf32, #tpu.memory_space<vmem_shared>>
      tpu.wait_indirect_dma semaphore(%arg18 : memref<!tpu.dma_semaphore, #tpu.memory_space<semaphore_mem>>) src(%dma_wait3A_1046 : memref<983040xf32, #tpu.memory_space<vmem_shared>>) dst(%dma_wait3A_1041 : memref<128xf32, #tpu.memory_space<vmem>>)
      %dma_wait3A_1047 = arith.constant 0 : i32
      %dma_wait3A_1048 = arith.constant 0 : i32
      %dma_wait3A_1049 = tpu.memref_slice %arg15[%dma_wait3A_1048] : memref<512xf32, #tpu.memory_space<vmem>> -> memref<128xf32, #tpu.memory_space<vmem>>
      %dma_wait3A_1050 = arith.constant 0 : i32
      %dma_wait3A_1051 = tpu.memref_slice %arg13[%dma_wait3A_1047, %dma_wait3A_1050] : memref<4x128xi32, #tpu.memory_space<vmem>> -> memref<1x128xi32, #tpu.memory_space<vmem>>
      %dma_wait3A_1052 = tpu.memref_squeeze %dma_wait3A_1051 : memref<1x128xi32, #tpu.memory_space<vmem>> -> memref<128xi32, #tpu.memory_space<vmem>>
      %dma_wait3A_1053 = arith.constant 0 : i32
      %dma_wait3A_1054 = tpu.memref_slice %arg7[%dma_wait3A_1053] : memref<983040xf32, #tpu.memory_space<vmem_shared>> -> memref<983040xf32, #tpu.memory_space<vmem_shared>>
      tpu.wait_indirect_dma semaphore(%arg18 : memref<!tpu.dma_semaphore, #tpu.memory_space<semaphore_mem>>) src(%dma_wait3A_1054 : memref<983040xf32, #tpu.memory_space<vmem_shared>>) dst(%dma_wait3A_1049 : memref<128xf32, #tpu.memory_space<vmem>>)
      %dma_wait3A_1055 = arith.constant 1 : i32
      %dma_wait3A_1056 = arith.constant 128 : i32
      %dma_wait3A_1057 = tpu.memref_slice %arg14[%dma_wait3A_1056] : memref<512xf32, #tpu.memory_space<vmem>> -> memref<128xf32, #tpu.memory_space<vmem>>
      %dma_wait3A_1058 = arith.constant 0 : i32
      %dma_wait3A_1059 = tpu.memref_slice %arg12[%dma_wait3A_1055, %dma_wait3A_1058] : memref<4x128xi32, #tpu.memory_space<vmem>> -> memref<1x128xi32, #tpu.memory_space<vmem>>
      %dma_wait3A_1060 = tpu.memref_squeeze %dma_wait3A_1059 : memref<1x128xi32, #tpu.memory_space<vmem>> -> memref<128xi32, #tpu.memory_space<vmem>>
      %dma_wait3A_1061 = arith.constant 0 : i32
      %dma_wait3A_1062 = tpu.memref_slice %arg7[%dma_wait3A_1061] : memref<983040xf32, #tpu.memory_space<vmem_shared>> -> memref<983040xf32, #tpu.memory_space<vmem_shared>>
      tpu.wait_indirect_dma semaphore(%arg18 : memref<!tpu.dma_semaphore, #tpu.memory_space<semaphore_mem>>) src(%dma_wait3A_1062 : memref<983040xf32, #tpu.memory_space<vmem_shared>>) dst(%dma_wait3A_1057 : memref<128xf32, #tpu.memory_space<vmem>>)
      %dma_wait3A_1063 = arith.constant 1 : i32
      %dma_wait3A_1064 = arith.constant 128 : i32
      %dma_wait3A_1065 = tpu.memref_slice %arg15[%dma_wait3A_1064] : memref<512xf32, #tpu.memory_space<vmem>> -> memref<128xf32, #tpu.memory_space<vmem>>
      %dma_wait3A_1066 = arith.constant 0 : i32
      %dma_wait3A_1067 = tpu.memref_slice %arg13[%dma_wait3A_1063, %dma_wait3A_1066] : memref<4x128xi32, #tpu.memory_space<vmem>> -> memref<1x128xi32, #tpu.memory_space<vmem>>
      %dma_wait3A_1068 = tpu.memref_squeeze %dma_wait3A_1067 : memref<1x128xi32, #tpu.memory_space<vmem>> -> memref<128xi32, #tpu.memory_space<vmem>>
      %dma_wait3A_1069 = arith.constant 0 : i32
      %dma_wait3A_1070 = tpu.memref_slice %arg7[%dma_wait3A_1069] : memref<983040xf32, #tpu.memory_space<vmem_shared>> -> memref<983040xf32, #tpu.memory_space<vmem_shared>>
      tpu.wait_indirect_dma semaphore(%arg18 : memref<!tpu.dma_semaphore, #tpu.memory_space<semaphore_mem>>) src(%dma_wait3A_1070 : memref<983040xf32, #tpu.memory_space<vmem_shared>>) dst(%dma_wait3A_1065 : memref<128xf32, #tpu.memory_space<vmem>>)
      %dma_wait3A_1071 = arith.constant 2 : i32
      %dma_wait3A_1072 = arith.constant 256 : i32
      %dma_wait3A_1073 = tpu.memref_slice %arg14[%dma_wait3A_1072] : memref<512xf32, #tpu.memory_space<vmem>> -> memref<128xf32, #tpu.memory_space<vmem>>
      %dma_wait3A_1074 = arith.constant 0 : i32
      %dma_wait3A_1075 = tpu.memref_slice %arg12[%dma_wait3A_1071, %dma_wait3A_1074] : memref<4x128xi32, #tpu.memory_space<vmem>> -> memref<1x128xi32, #tpu.memory_space<vmem>>
      %dma_wait3A_1076 = tpu.memref_squeeze %dma_wait3A_1075 : memref<1x128xi32, #tpu.memory_space<vmem>> -> memref<128xi32, #tpu.memory_space<vmem>>
      %dma_wait3A_1077 = arith.constant 0 : i32
      %dma_wait3A_1078 = tpu.memref_slice %arg7[%dma_wait3A_1077] : memref<983040xf32, #tpu.memory_space<vmem_shared>> -> memref<983040xf32, #tpu.memory_space<vmem_shared>>
      tpu.wait_indirect_dma semaphore(%arg18 : memref<!tpu.dma_semaphore, #tpu.memory_space<semaphore_mem>>) src(%dma_wait3A_1078 : memref<983040xf32, #tpu.memory_space<vmem_shared>>) dst(%dma_wait3A_1073 : memref<128xf32, #tpu.memory_space<vmem>>)
      %dma_wait3A_1079 = arith.constant 2 : i32
      %dma_wait3A_1080 = arith.constant 256 : i32
      %dma_wait3A_1081 = tpu.memref_slice %arg15[%dma_wait3A_1080] : memref<512xf32, #tpu.memory_space<vmem>> -> memref<128xf32, #tpu.memory_space<vmem>>
      %dma_wait3A_1082 = arith.constant 0 : i32
      %dma_wait3A_1083 = tpu.memref_slice %arg13[%dma_wait3A_1079, %dma_wait3A_1082] : memref<4x128xi32, #tpu.memory_space<vmem>> -> memref<1x128xi32, #tpu.memory_space<vmem>>
      %dma_wait3A_1084 = tpu.memref_squeeze %dma_wait3A_1083 : memref<1x128xi32, #tpu.memory_space<vmem>> -> memref<128xi32, #tpu.memory_space<vmem>>
      %dma_wait3A_1085 = arith.constant 0 : i32
      %dma_wait3A_1086 = tpu.memref_slice %arg7[%dma_wait3A_1085] : memref<983040xf32, #tpu.memory_space<vmem_shared>> -> memref<983040xf32, #tpu.memory_space<vmem_shared>>
      tpu.wait_indirect_dma semaphore(%arg18 : memref<!tpu.dma_semaphore, #tpu.memory_space<semaphore_mem>>) src(%dma_wait3A_1086 : memref<983040xf32, #tpu.memory_space<vmem_shared>>) dst(%dma_wait3A_1081 : memref<128xf32, #tpu.memory_space<vmem>>)
      %dma_wait3A_1087 = arith.constant 3 : i32
      %dma_wait3A_1088 = arith.constant 384 : i32
      %dma_wait3A_1089 = tpu.memref_slice %arg14[%dma_wait3A_1088] : memref<512xf32, #tpu.memory_space<vmem>> -> memref<128xf32, #tpu.memory_space<vmem>>
      %dma_wait3A_1090 = arith.constant 0 : i32
      %dma_wait3A_1091 = tpu.memref_slice %arg12[%dma_wait3A_1087, %dma_wait3A_1090] : memref<4x128xi32, #tpu.memory_space<vmem>> -> memref<1x128xi32, #tpu.memory_space<vmem>>
      %dma_wait3A_1092 = tpu.memref_squeeze %dma_wait3A_1091 : memref<1x128xi32, #tpu.memory_space<vmem>> -> memref<128xi32, #tpu.memory_space<vmem>>
      %dma_wait3A_1093 = arith.constant 0 : i32
      %dma_wait3A_1094 = tpu.memref_slice %arg7[%dma_wait3A_1093] : memref<983040xf32, #tpu.memory_space<vmem_shared>> -> memref<983040xf32, #tpu.memory_space<vmem_shared>>
      tpu.wait_indirect_dma semaphore(%arg18 : memref<!tpu.dma_semaphore, #tpu.memory_space<semaphore_mem>>) src(%dma_wait3A_1094 : memref<983040xf32, #tpu.memory_space<vmem_shared>>) dst(%dma_wait3A_1089 : memref<128xf32, #tpu.memory_space<vmem>>)
      %dma_wait3A_1095 = arith.constant 3 : i32
      %dma_wait3A_1096 = arith.constant 384 : i32
      %dma_wait3A_1097 = tpu.memref_slice %arg15[%dma_wait3A_1096] : memref<512xf32, #tpu.memory_space<vmem>> -> memref<128xf32, #tpu.memory_space<vmem>>
      %dma_wait3A_1098 = arith.constant 0 : i32
      %dma_wait3A_1099 = tpu.memref_slice %arg13[%dma_wait3A_1095, %dma_wait3A_1098] : memref<4x128xi32, #tpu.memory_space<vmem>> -> memref<1x128xi32, #tpu.memory_space<vmem>>
      %dma_wait3A_1100 = tpu.memref_squeeze %dma_wait3A_1099 : memref<1x128xi32, #tpu.memory_space<vmem>> -> memref<128xi32, #tpu.memory_space<vmem>>
      %dma_wait3A_1101 = arith.constant 0 : i32
      %dma_wait3A_1102 = tpu.memref_slice %arg7[%dma_wait3A_1101] : memref<983040xf32, #tpu.memory_space<vmem_shared>> -> memref<983040xf32, #tpu.memory_space<vmem_shared>>
      tpu.wait_indirect_dma semaphore(%arg18 : memref<!tpu.dma_semaphore, #tpu.memory_space<semaphore_mem>>) src(%dma_wait3A_1102 : memref<983040xf32, #tpu.memory_space<vmem_shared>>) dst(%dma_wait3A_1097 : memref<128xf32, #tpu.memory_space<vmem>>)
      %scan3A_1103 = arith.constant 0 : i32
      %scan3A_1104 = arith.constant 0 : i32
      %scan3A_1105 = arith.constant 32 : i32
      %scan3A_1106 = arith.addi %scan3A_1104, %scan3A_1105 : i32
      %scan3A_1107 = arith.constant 1 : i32
      scf.for %scan3A_1259 = %scan3A_1104 to %scan3A_1106 step %scan3A_1107  : i32 {
        %shift_right_logical3A_1260 = arith.constant 3 : i32
        %shift_right_logical3A_1261 = arith.shrui %scan3A_1259, %shift_right_logical3A_1260 : i32
        %and3A_1262 = arith.constant 7 : i32
        %and3A_1263 = arith.andi %scan3A_1259, %and3A_1262 : i32
        %mul3A_1264 = arith.constant 16 : i32
        %mul3A_1265 = arith.muli %and3A_1263, %mul3A_1264 : i32
        %add3A_1266 = arith.constant 4 : i32
        %add3A_1267 = arith.addi %add3A_1266, %shift_right_logical3A_1261 : i32
        %get3A = arith.index_cast %add3A_1267 : i32 to index
        %get3A_1268 = arith.index_cast %mul3A_1265 : i32 to index
        %get3A_1269 = tpu.vector_load %arg10[%get3A, %get3A_1268] {strides = array<i32>} : memref<8x128xi32, #tpu.memory_space<vmem>>, vector<16xi32>,
        %add3A_1270 = arith.constant 4 : i32
        %add3A_1271 = arith.addi %add3A_1270, %shift_right_logical3A_1261 : i32
        %get3A_1272 = arith.index_cast %add3A_1271 : i32 to index
        %get3A_1273 = arith.index_cast %mul3A_1265 : i32 to index
        %get3A_1274 = tpu.vector_load %arg11[%get3A_1272, %get3A_1273] {strides = array<i32>} : memref<8x128xi32, #tpu.memory_space<vmem>>, vector<16xi32>,
        %ge3A = arith.constant 983040 : i32
        %ge3A_1275 = vector.broadcast %ge3A : i32 to vector<16xi32>
        %ge3A_1276 = arith.cmpi sge, %get3A_1269, %ge3A_1275 : vector<16xi32>
        %sub3A = arith.constant 983040 : i32
        %sub3A_1277 = vector.broadcast %sub3A : i32 to vector<16xi32>
        %sub3A_1278 = arith.subi %get3A_1269, %sub3A_1277 : vector<16xi32>
        %jit3A = arith.constant -1 : i32
        %broadcast_in_dim3A = vector.broadcast %jit3A : i32 to vector<16xi32>
        %select_n3A = arith.select %ge3A_1276, %sub3A_1278, %broadcast_in_dim3A : vector<16xi1>, vector<16xi32>
        %swap3A = arith.index_cast %shift_right_logical3A_1261 : i32 to index
        %swap3A_1279 = arith.index_cast %mul3A_1265 : i32 to index
        %swap3A_1280 = tpu.vector_load %arg12[%swap3A, %swap3A_1279] {strides = array<i32>} : memref<4x128xi32, #tpu.memory_space<vmem>>, vector<16xi32>,
        tpu.vector_store %arg12[%swap3A, %swap3A_1279], %select_n3A {strides = array<i32>} : memref<4x128xi32, #tpu.memory_space<vmem>>, vector<16xi32>,
        %ge3A_1281 = arith.constant 983040 : i32
        %ge3A_1282 = vector.broadcast %ge3A_1281 : i32 to vector<16xi32>
        %ge3A_1283 = arith.cmpi sge, %get3A_1274, %ge3A_1282 : vector<16xi32>
        %sub3A_1284 = arith.constant 983040 : i32
        %sub3A_1285 = vector.broadcast %sub3A_1284 : i32 to vector<16xi32>
        %sub3A_1286 = arith.subi %get3A_1274, %sub3A_1285 : vector<16xi32>
        %jit3A_1287 = arith.constant -1 : i32
        %broadcast_in_dim3A_1288 = vector.broadcast %jit3A_1287 : i32 to vector<16xi32>
        %select_n3A_1289 = arith.select %ge3A_1283, %sub3A_1286, %broadcast_in_dim3A_1288 : vector<16xi1>, vector<16xi32>
        %swap3A_1290 = arith.index_cast %shift_right_logical3A_1261 : i32 to index
        %swap3A_1291 = arith.index_cast %mul3A_1265 : i32 to index
        %swap3A_1292 = tpu.vector_load %arg13[%swap3A_1290, %swap3A_1291] {strides = array<i32>} : memref<4x128xi32, #tpu.memory_space<vmem>>, vector<16xi32>,
        tpu.vector_store %arg13[%swap3A_1290, %swap3A_1291], %select_n3A_1289 {strides = array<i32>} : memref<4x128xi32, #tpu.memory_space<vmem>>, vector<16xi32>,
      }
      %scan3A_1108 = arith.constant 32 : i32
      %dma_start3A_1109 = arith.constant 0 : i32
      %dma_start3A_1110 = arith.constant 0 : i32
      %dma_start3A_1111 = tpu.memref_slice %arg14[%dma_start3A_1110] : memref<512xf32, #tpu.memory_space<vmem>> -> memref<128xf32, #tpu.memory_space<vmem>>
      %dma_start3A_1112 = arith.constant 0 : i32
      %dma_start3A_1113 = tpu.memref_slice %arg12[%dma_start3A_1109, %dma_start3A_1112] : memref<4x128xi32, #tpu.memory_space<vmem>> -> memref<1x128xi32, #tpu.memory_space<vmem>>
      %dma_start3A_1114 = tpu.memref_squeeze %dma_start3A_1113 : memref<1x128xi32, #tpu.memory_space<vmem>> -> memref<128xi32, #tpu.memory_space<vmem>>
      %dma_start3A_1115 = arith.constant 0 : i32
      %dma_start3A_1116 = tpu.memref_slice %arg9[%dma_start3A_1115] : memref<16960xf32, #tpu.memory_space<vmem_shared>> -> memref<16960xf32, #tpu.memory_space<vmem_shared>>
      %dma_start3A_1117 = arith.constant -1 : i32
      tpu.enqueue_indirect_dma source(%dma_start3A_1116 : memref<16960xf32, #tpu.memory_space<vmem_shared>>) target(%dma_start3A_1111 : memref<128xf32, #tpu.memory_space<vmem>>) offsets(%dma_start3A_1114 : memref<128xi32, #tpu.memory_space<vmem>>) offset_filter(%dma_start3A_1117) semaphore(%arg18 : memref<!tpu.dma_semaphore, #tpu.memory_space<semaphore_mem>>)
      %dma_start3A_1118 = arith.constant 0 : i32
      %dma_start3A_1119 = arith.constant 0 : i32
      %dma_start3A_1120 = tpu.memref_slice %arg15[%dma_start3A_1119] : memref<512xf32, #tpu.memory_space<vmem>> -> memref<128xf32, #tpu.memory_space<vmem>>
      %dma_start3A_1121 = arith.constant 0 : i32
      %dma_start3A_1122 = tpu.memref_slice %arg13[%dma_start3A_1118, %dma_start3A_1121] : memref<4x128xi32, #tpu.memory_space<vmem>> -> memref<1x128xi32, #tpu.memory_space<vmem>>
      %dma_start3A_1123 = tpu.memref_squeeze %dma_start3A_1122 : memref<1x128xi32, #tpu.memory_space<vmem>> -> memref<128xi32, #tpu.memory_space<vmem>>
      %dma_start3A_1124 = arith.constant 0 : i32
      %dma_start3A_1125 = tpu.memref_slice %arg9[%dma_start3A_1124] : memref<16960xf32, #tpu.memory_space<vmem_shared>> -> memref<16960xf32, #tpu.memory_space<vmem_shared>>
      %dma_start3A_1126 = arith.constant -1 : i32
      tpu.enqueue_indirect_dma source(%dma_start3A_1125 : memref<16960xf32, #tpu.memory_space<vmem_shared>>) target(%dma_start3A_1120 : memref<128xf32, #tpu.memory_space<vmem>>) offsets(%dma_start3A_1123 : memref<128xi32, #tpu.memory_space<vmem>>) offset_filter(%dma_start3A_1126) semaphore(%arg18 : memref<!tpu.dma_semaphore, #tpu.memory_space<semaphore_mem>>)
      %dma_start3A_1127 = arith.constant 1 : i32
      %dma_start3A_1128 = arith.constant 128 : i32
      %dma_start3A_1129 = tpu.memref_slice %arg14[%dma_start3A_1128] : memref<512xf32, #tpu.memory_space<vmem>> -> memref<128xf32, #tpu.memory_space<vmem>>
      %dma_start3A_1130 = arith.constant 0 : i32
      %dma_start3A_1131 = tpu.memref_slice %arg12[%dma_start3A_1127, %dma_start3A_1130] : memref<4x128xi32, #tpu.memory_space<vmem>> -> memref<1x128xi32, #tpu.memory_space<vmem>>
      %dma_start3A_1132 = tpu.memref_squeeze %dma_start3A_1131 : memref<1x128xi32, #tpu.memory_space<vmem>> -> memref<128xi32, #tpu.memory_space<vmem>>
      %dma_start3A_1133 = arith.constant 0 : i32
      %dma_start3A_1134 = tpu.memref_slice %arg9[%dma_start3A_1133] : memref<16960xf32, #tpu.memory_space<vmem_shared>> -> memref<16960xf32, #tpu.memory_space<vmem_shared>>
      %dma_start3A_1135 = arith.constant -1 : i32
      tpu.enqueue_indirect_dma source(%dma_start3A_1134 : memref<16960xf32, #tpu.memory_space<vmem_shared>>) target(%dma_start3A_1129 : memref<128xf32, #tpu.memory_space<vmem>>) offsets(%dma_start3A_1132 : memref<128xi32, #tpu.memory_space<vmem>>) offset_filter(%dma_start3A_1135) semaphore(%arg18 : memref<!tpu.dma_semaphore, #tpu.memory_space<semaphore_mem>>)
      %dma_start3A_1136 = arith.constant 1 : i32
      %dma_start3A_1137 = arith.constant 128 : i32
      %dma_start3A_1138 = tpu.memref_slice %arg15[%dma_start3A_1137] : memref<512xf32, #tpu.memory_space<vmem>> -> memref<128xf32, #tpu.memory_space<vmem>>
      %dma_start3A_1139 = arith.constant 0 : i32
      %dma_start3A_1140 = tpu.memref_slice %arg13[%dma_start3A_1136, %dma_start3A_1139] : memref<4x128xi32, #tpu.memory_space<vmem>> -> memref<1x128xi32, #tpu.memory_space<vmem>>
      %dma_start3A_1141 = tpu.memref_squeeze %dma_start3A_1140 : memref<1x128xi32, #tpu.memory_space<vmem>> -> memref<128xi32, #tpu.memory_space<vmem>>
      %dma_start3A_1142 = arith.constant 0 : i32
      %dma_start3A_1143 = tpu.memref_slice %arg9[%dma_start3A_1142] : memref<16960xf32, #tpu.memory_space<vmem_shared>> -> memref<16960xf32, #tpu.memory_space<vmem_shared>>
      %dma_start3A_1144 = arith.constant -1 : i32
      tpu.enqueue_indirect_dma source(%dma_start3A_1143 : memref<16960xf32, #tpu.memory_space<vmem_shared>>) target(%dma_start3A_1138 : memref<128xf32, #tpu.memory_space<vmem>>) offsets(%dma_start3A_1141 : memref<128xi32, #tpu.memory_space<vmem>>) offset_filter(%dma_start3A_1144) semaphore(%arg18 : memref<!tpu.dma_semaphore, #tpu.memory_space<semaphore_mem>>)
      %dma_start3A_1145 = arith.constant 2 : i32
      %dma_start3A_1146 = arith.constant 256 : i32
      %dma_start3A_1147 = tpu.memref_slice %arg14[%dma_start3A_1146] : memref<512xf32, #tpu.memory_space<vmem>> -> memref<128xf32, #tpu.memory_space<vmem>>
      %dma_start3A_1148 = arith.constant 0 : i32
      %dma_start3A_1149 = tpu.memref_slice %arg12[%dma_start3A_1145, %dma_start3A_1148] : memref<4x128xi32, #tpu.memory_space<vmem>> -> memref<1x128xi32, #tpu.memory_space<vmem>>
      %dma_start3A_1150 = tpu.memref_squeeze %dma_start3A_1149 : memref<1x128xi32, #tpu.memory_space<vmem>> -> memref<128xi32, #tpu.memory_space<vmem>>
      %dma_start3A_1151 = arith.constant 0 : i32
      %dma_start3A_1152 = tpu.memref_slice %arg9[%dma_start3A_1151] : memref<16960xf32, #tpu.memory_space<vmem_shared>> -> memref<16960xf32, #tpu.memory_space<vmem_shared>>
      %dma_start3A_1153 = arith.constant -1 : i32
      tpu.enqueue_indirect_dma source(%dma_start3A_1152 : memref<16960xf32, #tpu.memory_space<vmem_shared>>) target(%dma_start3A_1147 : memref<128xf32, #tpu.memory_space<vmem>>) offsets(%dma_start3A_1150 : memref<128xi32, #tpu.memory_space<vmem>>) offset_filter(%dma_start3A_1153) semaphore(%arg18 : memref<!tpu.dma_semaphore, #tpu.memory_space<semaphore_mem>>)
      %dma_start3A_1154 = arith.constant 2 : i32
      %dma_start3A_1155 = arith.constant 256 : i32
      %dma_start3A_1156 = tpu.memref_slice %arg15[%dma_start3A_1155] : memref<512xf32, #tpu.memory_space<vmem>> -> memref<128xf32, #tpu.memory_space<vmem>>
      %dma_start3A_1157 = arith.constant 0 : i32
      %dma_start3A_1158 = tpu.memref_slice %arg13[%dma_start3A_1154, %dma_start3A_1157] : memref<4x128xi32, #tpu.memory_space<vmem>> -> memref<1x128xi32, #tpu.memory_space<vmem>>
      %dma_start3A_1159 = tpu.memref_squeeze %dma_start3A_1158 : memref<1x128xi32, #tpu.memory_space<vmem>> -> memref<128xi32, #tpu.memory_space<vmem>>
      %dma_start3A_1160 = arith.constant 0 : i32
      %dma_start3A_1161 = tpu.memref_slice %arg9[%dma_start3A_1160] : memref<16960xf32, #tpu.memory_space<vmem_shared>> -> memref<16960xf32, #tpu.memory_space<vmem_shared>>
      %dma_start3A_1162 = arith.constant -1 : i32
      tpu.enqueue_indirect_dma source(%dma_start3A_1161 : memref<16960xf32, #tpu.memory_space<vmem_shared>>) target(%dma_start3A_1156 : memref<128xf32, #tpu.memory_space<vmem>>) offsets(%dma_start3A_1159 : memref<128xi32, #tpu.memory_space<vmem>>) offset_filter(%dma_start3A_1162) semaphore(%arg18 : memref<!tpu.dma_semaphore, #tpu.memory_space<semaphore_mem>>)
      %dma_start3A_1163 = arith.constant 3 : i32
      %dma_start3A_1164 = arith.constant 384 : i32
      %dma_start3A_1165 = tpu.memref_slice %arg14[%dma_start3A_1164] : memref<512xf32, #tpu.memory_space<vmem>> -> memref<128xf32, #tpu.memory_space<vmem>>
      %dma_start3A_1166 = arith.constant 0 : i32
      %dma_start3A_1167 = tpu.memref_slice %arg12[%dma_start3A_1163, %dma_start3A_1166] : memref<4x128xi32, #tpu.memory_space<vmem>> -> memref<1x128xi32, #tpu.memory_space<vmem>>
      %dma_start3A_1168 = tpu.memref_squeeze %dma_start3A_1167 : memref<1x128xi32, #tpu.memory_space<vmem>> -> memref<128xi32, #tpu.memory_space<vmem>>
      %dma_start3A_1169 = arith.constant 0 : i32
      %dma_start3A_1170 = tpu.memref_slice %arg9[%dma_start3A_1169] : memref<16960xf32, #tpu.memory_space<vmem_shared>> -> memref<16960xf32, #tpu.memory_space<vmem_shared>>
      %dma_start3A_1171 = arith.constant -1 : i32
      tpu.enqueue_indirect_dma source(%dma_start3A_1170 : memref<16960xf32, #tpu.memory_space<vmem_shared>>) target(%dma_start3A_1165 : memref<128xf32, #tpu.memory_space<vmem>>) offsets(%dma_start3A_1168 : memref<128xi32, #tpu.memory_space<vmem>>) offset_filter(%dma_start3A_1171) semaphore(%arg18 : memref<!tpu.dma_semaphore, #tpu.memory_space<semaphore_mem>>)
      %dma_start3A_1172 = arith.constant 3 : i32
      %dma_start3A_1173 = arith.constant 384 : i32
      %dma_start3A_1174 = tpu.memref_slice %arg15[%dma_start3A_1173] : memref<512xf32, #tpu.memory_space<vmem>> -> memref<128xf32, #tpu.memory_space<vmem>>
      %dma_start3A_1175 = arith.constant 0 : i32
      %dma_start3A_1176 = tpu.memref_slice %arg13[%dma_start3A_1172, %dma_start3A_1175] : memref<4x128xi32, #tpu.memory_space<vmem>> -> memref<1x128xi32, #tpu.memory_space<vmem>>
      %dma_start3A_1177 = tpu.memref_squeeze %dma_start3A_1176 : memref<1x128xi32, #tpu.memory_space<vmem>> -> memref<128xi32, #tpu.memory_space<vmem>>
      %dma_start3A_1178 = arith.constant 0 : i32
      %dma_start3A_1179 = tpu.memref_slice %arg9[%dma_start3A_1178] : memref<16960xf32, #tpu.memory_space<vmem_shared>> -> memref<16960xf32, #tpu.memory_space<vmem_shared>>
      %dma_start3A_1180 = arith.constant -1 : i32
      tpu.enqueue_indirect_dma source(%dma_start3A_1179 : memref<16960xf32, #tpu.memory_space<vmem_shared>>) target(%dma_start3A_1174 : memref<128xf32, #tpu.memory_space<vmem>>) offsets(%dma_start3A_1177 : memref<128xi32, #tpu.memory_space<vmem>>) offset_filter(%dma_start3A_1180) semaphore(%arg18 : memref<!tpu.dma_semaphore, #tpu.memory_space<semaphore_mem>>)
      %dma_wait3A_1181 = arith.constant 0 : i32
      %dma_wait3A_1182 = arith.constant 0 : i32
      %dma_wait3A_1183 = tpu.memref_slice %arg14[%dma_wait3A_1182] : memref<512xf32, #tpu.memory_space<vmem>> -> memref<128xf32, #tpu.memory_space<vmem>>
      %dma_wait3A_1184 = arith.constant 0 : i32
      %dma_wait3A_1185 = tpu.memref_slice %arg12[%dma_wait3A_1181, %dma_wait3A_1184] : memref<4x128xi32, #tpu.memory_space<vmem>> -> memref<1x128xi32, #tpu.memory_space<vmem>>
      %dma_wait3A_1186 = tpu.memref_squeeze %dma_wait3A_1185 : memref<1x128xi32, #tpu.memory_space<vmem>> -> memref<128xi32, #tpu.memory_space<vmem>>
      %dma_wait3A_1187 = arith.constant 0 : i32
      %dma_wait3A_1188 = tpu.memref_slice %arg9[%dma_wait3A_1187] : memref<16960xf32, #tpu.memory_space<vmem_shared>> -> memref<16960xf32, #tpu.memory_space<vmem_shared>>
      tpu.wait_indirect_dma semaphore(%arg18 : memref<!tpu.dma_semaphore, #tpu.memory_space<semaphore_mem>>) src(%dma_wait3A_1188 : memref<16960xf32, #tpu.memory_space<vmem_shared>>) dst(%dma_wait3A_1183 : memref<128xf32, #tpu.memory_space<vmem>>)
      %dma_wait3A_1189 = arith.constant 0 : i32
      %dma_wait3A_1190 = arith.constant 0 : i32
      %dma_wait3A_1191 = tpu.memref_slice %arg15[%dma_wait3A_1190] : memref<512xf32, #tpu.memory_space<vmem>> -> memref<128xf32, #tpu.memory_space<vmem>>
      %dma_wait3A_1192 = arith.constant 0 : i32
      %dma_wait3A_1193 = tpu.memref_slice %arg13[%dma_wait3A_1189, %dma_wait3A_1192] : memref<4x128xi32, #tpu.memory_space<vmem>> -> memref<1x128xi32, #tpu.memory_space<vmem>>
      %dma_wait3A_1194 = tpu.memref_squeeze %dma_wait3A_1193 : memref<1x128xi32, #tpu.memory_space<vmem>> -> memref<128xi32, #tpu.memory_space<vmem>>
      %dma_wait3A_1195 = arith.constant 0 : i32
      %dma_wait3A_1196 = tpu.memref_slice %arg9[%dma_wait3A_1195] : memref<16960xf32, #tpu.memory_space<vmem_shared>> -> memref<16960xf32, #tpu.memory_space<vmem_shared>>
      tpu.wait_indirect_dma semaphore(%arg18 : memref<!tpu.dma_semaphore, #tpu.memory_space<semaphore_mem>>) src(%dma_wait3A_1196 : memref<16960xf32, #tpu.memory_space<vmem_shared>>) dst(%dma_wait3A_1191 : memref<128xf32, #tpu.memory_space<vmem>>)
      %dma_wait3A_1197 = arith.constant 1 : i32
      %dma_wait3A_1198 = arith.constant 128 : i32
      %dma_wait3A_1199 = tpu.memref_slice %arg14[%dma_wait3A_1198] : memref<512xf32, #tpu.memory_space<vmem>> -> memref<128xf32, #tpu.memory_space<vmem>>
      %dma_wait3A_1200 = arith.constant 0 : i32
      %dma_wait3A_1201 = tpu.memref_slice %arg12[%dma_wait3A_1197, %dma_wait3A_1200] : memref<4x128xi32, #tpu.memory_space<vmem>> -> memref<1x128xi32, #tpu.memory_space<vmem>>
      %dma_wait3A_1202 = tpu.memref_squeeze %dma_wait3A_1201 : memref<1x128xi32, #tpu.memory_space<vmem>> -> memref<128xi32, #tpu.memory_space<vmem>>
      %dma_wait3A_1203 = arith.constant 0 : i32
      %dma_wait3A_1204 = tpu.memref_slice %arg9[%dma_wait3A_1203] : memref<16960xf32, #tpu.memory_space<vmem_shared>> -> memref<16960xf32, #tpu.memory_space<vmem_shared>>
      tpu.wait_indirect_dma semaphore(%arg18 : memref<!tpu.dma_semaphore, #tpu.memory_space<semaphore_mem>>) src(%dma_wait3A_1204 : memref<16960xf32, #tpu.memory_space<vmem_shared>>) dst(%dma_wait3A_1199 : memref<128xf32, #tpu.memory_space<vmem>>)
      %dma_wait3A_1205 = arith.constant 1 : i32
      %dma_wait3A_1206 = arith.constant 128 : i32
      %dma_wait3A_1207 = tpu.memref_slice %arg15[%dma_wait3A_1206] : memref<512xf32, #tpu.memory_space<vmem>> -> memref<128xf32, #tpu.memory_space<vmem>>
      %dma_wait3A_1208 = arith.constant 0 : i32
      %dma_wait3A_1209 = tpu.memref_slice %arg13[%dma_wait3A_1205, %dma_wait3A_1208] : memref<4x128xi32, #tpu.memory_space<vmem>> -> memref<1x128xi32, #tpu.memory_space<vmem>>
      %dma_wait3A_1210 = tpu.memref_squeeze %dma_wait3A_1209 : memref<1x128xi32, #tpu.memory_space<vmem>> -> memref<128xi32, #tpu.memory_space<vmem>>
      %dma_wait3A_1211 = arith.constant 0 : i32
      %dma_wait3A_1212 = tpu.memref_slice %arg9[%dma_wait3A_1211] : memref<16960xf32, #tpu.memory_space<vmem_shared>> -> memref<16960xf32, #tpu.memory_space<vmem_shared>>
      tpu.wait_indirect_dma semaphore(%arg18 : memref<!tpu.dma_semaphore, #tpu.memory_space<semaphore_mem>>) src(%dma_wait3A_1212 : memref<16960xf32, #tpu.memory_space<vmem_shared>>) dst(%dma_wait3A_1207 : memref<128xf32, #tpu.memory_space<vmem>>)
      %dma_wait3A_1213 = arith.constant 2 : i32
      %dma_wait3A_1214 = arith.constant 256 : i32
      %dma_wait3A_1215 = tpu.memref_slice %arg14[%dma_wait3A_1214] : memref<512xf32, #tpu.memory_space<vmem>> -> memref<128xf32, #tpu.memory_space<vmem>>
      %dma_wait3A_1216 = arith.constant 0 : i32
      %dma_wait3A_1217 = tpu.memref_slice %arg12[%dma_wait3A_1213, %dma_wait3A_1216] : memref<4x128xi32, #tpu.memory_space<vmem>> -> memref<1x128xi32, #tpu.memory_space<vmem>>
      %dma_wait3A_1218 = tpu.memref_squeeze %dma_wait3A_1217 : memref<1x128xi32, #tpu.memory_space<vmem>> -> memref<128xi32, #tpu.memory_space<vmem>>
      %dma_wait3A_1219 = arith.constant 0 : i32
      %dma_wait3A_1220 = tpu.memref_slice %arg9[%dma_wait3A_1219] : memref<16960xf32, #tpu.memory_space<vmem_shared>> -> memref<16960xf32, #tpu.memory_space<vmem_shared>>
      tpu.wait_indirect_dma semaphore(%arg18 : memref<!tpu.dma_semaphore, #tpu.memory_space<semaphore_mem>>) src(%dma_wait3A_1220 : memref<16960xf32, #tpu.memory_space<vmem_shared>>) dst(%dma_wait3A_1215 : memref<128xf32, #tpu.memory_space<vmem>>)
      %dma_wait3A_1221 = arith.constant 2 : i32
      %dma_wait3A_1222 = arith.constant 256 : i32
      %dma_wait3A_1223 = tpu.memref_slice %arg15[%dma_wait3A_1222] : memref<512xf32, #tpu.memory_space<vmem>> -> memref<128xf32, #tpu.memory_space<vmem>>
      %dma_wait3A_1224 = arith.constant 0 : i32
      %dma_wait3A_1225 = tpu.memref_slice %arg13[%dma_wait3A_1221, %dma_wait3A_1224] : memref<4x128xi32, #tpu.memory_space<vmem>> -> memref<1x128xi32, #tpu.memory_space<vmem>>
      %dma_wait3A_1226 = tpu.memref_squeeze %dma_wait3A_1225 : memref<1x128xi32, #tpu.memory_space<vmem>> -> memref<128xi32, #tpu.memory_space<vmem>>
      %dma_wait3A_1227 = arith.constant 0 : i32
      %dma_wait3A_1228 = tpu.memref_slice %arg9[%dma_wait3A_1227] : memref<16960xf32, #tpu.memory_space<vmem_shared>> -> memref<16960xf32, #tpu.memory_space<vmem_shared>>
      tpu.wait_indirect_dma semaphore(%arg18 : memref<!tpu.dma_semaphore, #tpu.memory_space<semaphore_mem>>) src(%dma_wait3A_1228 : memref<16960xf32, #tpu.memory_space<vmem_shared>>) dst(%dma_wait3A_1223 : memref<128xf32, #tpu.memory_space<vmem>>)
      %dma_wait3A_1229 = arith.constant 3 : i32
      %dma_wait3A_1230 = arith.constant 384 : i32
      %dma_wait3A_1231 = tpu.memref_slice %arg14[%dma_wait3A_1230] : memref<512xf32, #tpu.memory_space<vmem>> -> memref<128xf32, #tpu.memory_space<vmem>>
      %dma_wait3A_1232 = arith.constant 0 : i32
      %dma_wait3A_1233 = tpu.memref_slice %arg12[%dma_wait3A_1229, %dma_wait3A_1232] : memref<4x128xi32, #tpu.memory_space<vmem>> -> memref<1x128xi32, #tpu.memory_space<vmem>>
      %dma_wait3A_1234 = tpu.memref_squeeze %dma_wait3A_1233 : memref<1x128xi32, #tpu.memory_space<vmem>> -> memref<128xi32, #tpu.memory_space<vmem>>
      %dma_wait3A_1235 = arith.constant 0 : i32
      %dma_wait3A_1236 = tpu.memref_slice %arg9[%dma_wait3A_1235] : memref<16960xf32, #tpu.memory_space<vmem_shared>> -> memref<16960xf32, #tpu.memory_space<vmem_shared>>
      tpu.wait_indirect_dma semaphore(%arg18 : memref<!tpu.dma_semaphore, #tpu.memory_space<semaphore_mem>>) src(%dma_wait3A_1236 : memref<16960xf32, #tpu.memory_space<vmem_shared>>) dst(%dma_wait3A_1231 : memref<128xf32, #tpu.memory_space<vmem>>)
      %dma_wait3A_1237 = arith.constant 3 : i32
      %dma_wait3A_1238 = arith.constant 384 : i32
      %dma_wait3A_1239 = tpu.memref_slice %arg15[%dma_wait3A_1238] : memref<512xf32, #tpu.memory_space<vmem>> -> memref<128xf32, #tpu.memory_space<vmem>>
      %dma_wait3A_1240 = arith.constant 0 : i32
      %dma_wait3A_1241 = tpu.memref_slice %arg13[%dma_wait3A_1237, %dma_wait3A_1240] : memref<4x128xi32, #tpu.memory_space<vmem>> -> memref<1x128xi32, #tpu.memory_space<vmem>>
      %dma_wait3A_1242 = tpu.memref_squeeze %dma_wait3A_1241 : memref<1x128xi32, #tpu.memory_space<vmem>> -> memref<128xi32, #tpu.memory_space<vmem>>
      %dma_wait3A_1243 = arith.constant 0 : i32
      %dma_wait3A_1244 = tpu.memref_slice %arg9[%dma_wait3A_1243] : memref<16960xf32, #tpu.memory_space<vmem_shared>> -> memref<16960xf32, #tpu.memory_space<vmem_shared>>
      tpu.wait_indirect_dma semaphore(%arg18 : memref<!tpu.dma_semaphore, #tpu.memory_space<semaphore_mem>>) src(%dma_wait3A_1244 : memref<16960xf32, #tpu.memory_space<vmem_shared>>) dst(%dma_wait3A_1239 : memref<128xf32, #tpu.memory_space<vmem>>)
      %scan3A_1245 = arith.constant 0 : i32
      %scan3A_1246 = arith.constant 0 : i32
      %scan3A_1247 = arith.constant 32 : i32
      %scan3A_1248 = arith.addi %scan3A_1246, %scan3A_1247 : i32
      %scan3A_1249 = arith.constant 1 : i32
      scf.for %scan3A_1259 = %scan3A_1246 to %scan3A_1248 step %scan3A_1249  : i32 {
        %mul3A_1260 = arith.constant 16 : i32
        %mul3A_1261 = arith.muli %scan3A_1259, %mul3A_1260 : i32
        %mul3A_1262 = arith.constant 16 : i32
        %mul3A_1263 = arith.muli %scan3A_1259, %mul3A_1262 : i32
        %add3A_1264 = arith.constant 512 : i32
        %add3A_1265 = arith.addi %add3A_1264, %mul3A_1263 : i32
        %get3A = arith.index_cast %add3A_1265 : i32 to index
        %get3A_1266 = tpu.vector_load %arg16[%get3A] {strides = array<i32>} : memref<1024xf32, #tpu.memory_space<vmem>>, vector<16xf32>,
        %get3A_1267 = arith.index_cast %mul3A_1261 : i32 to index
        %get3A_1268 = tpu.vector_load %arg14[%get3A_1267] {strides = array<i32>} : memref<512xf32, #tpu.memory_space<vmem>>, vector<16xf32>,
        %get3A_1269 = arith.index_cast %mul3A_1261 : i32 to index
        %get3A_1270 = tpu.vector_load %arg15[%get3A_1269] {strides = array<i32>} : memref<512xf32, #tpu.memory_space<vmem>>, vector<16xf32>,
        %mul3A_1271 = arith.mulf %get3A_1268, %get3A_1270 : vector<16xf32>
        %add3A_1272 = arith.addf %get3A_1266, %mul3A_1271 : vector<16xf32>
        %swap3A = arith.index_cast %add3A_1265 : i32 to index
        %swap3A_1273 = tpu.vector_load %arg16[%swap3A] {strides = array<i32>} : memref<1024xf32, #tpu.memory_space<vmem>>, vector<16xf32>,
        tpu.vector_store %arg16[%swap3A], %add3A_1272 {strides = array<i32>} : memref<1024xf32, #tpu.memory_space<vmem>>, vector<16xf32>,
      }
      %scan3A_1250 = arith.constant 32 : i32
      %barrier3A_1251 = arith.constant 0 : index
      tpu.barrier barrier_id(%barrier3A_1251)
      %add3A_1252 = arith.constant 1 : i32
      %add3A_1253 = arith.addi %scan3A_63, %add3A_1252 : i32
      %lt3A_1254 = arith.constant 8 : i32
      %lt3A_1255 = arith.cmpi slt, %add3A_1253, %lt3A_1254 : i32
      %convert_element_type3A_1256 = arith.extui %lt3A_1255 : i1 to i32
      %cond3A_1257 = arith.constant 0 : i32
      %cond3A_1258 = arith.cmpi ne, %convert_element_type3A_1256, %cond3A_1257 : i32
      scf.if %cond3A_1258 {
        %mul3A_1259 = arith.constant 2 : i32
        %mul3A_1260 = arith.muli %mul3A_1259, %scan3A_63 : i32
        %add3A_1261 = arith.constant 3 : i32
        %add3A_1262 = arith.addi %mul3A_1260, %add3A_1261 : i32
        %mul3A_1263 = arith.constant 2 : i32
        %mul3A_1264 = arith.muli %mul3A_1263, %arg0 : i32
        %shift_right_logical3A_1265 = arith.constant 3 : i32
        %shift_right_logical3A_1266 = arith.shrui %add3A_1262, %shift_right_logical3A_1265 : i32
        %add3A_1267 = arith.addi %mul3A_1264, %shift_right_logical3A_1266 : i32
        %and3A_1268 = arith.constant 7 : i32
        %and3A_1269 = arith.andi %add3A_1262, %and3A_1268 : i32
        %mul3A_1270 = arith.constant 61440 : i32
        %mul3A_1271 = arith.muli %arg1, %mul3A_1270 : i32
        %add3A_1272 = arith.constant 0 : i32
        %add3A_1273 = arith.addi %mul3A_1271, %add3A_1272 : i32
        %mul3A_1274 = arith.constant 61440 : i32
        %mul3A_1275 = arith.muli %arg1, %mul3A_1274 : i32
        %add3A_1276 = arith.constant 0 : i32
        %add3A_1277 = arith.addi %mul3A_1275, %add3A_1276 : i32
        %dma_start3A_1278 = tpu.memref_slice %arg7[%add3A_1277] : memref<983040xf32, #tpu.memory_space<vmem_shared>> -> memref<61440xf32, #tpu.memory_space<vmem_shared>>
        %dma_start3A_1279 = tpu.memref_slice %arg2[%add3A_1267, %and3A_1269, %add3A_1273] : memref<4x8x1000000xf32, #tpu.memory_space<hbm>> -> memref<1x1x61440xf32, #tpu.memory_space<hbm>>
        %dma_start3A_1280 = tpu.memref_squeeze %dma_start3A_1279 : memref<1x1x61440xf32, #tpu.memory_space<hbm>> -> memref<61440xf32, #tpu.memory_space<hbm>>
        tpu.enqueue_dma source(%dma_start3A_1280 : memref<61440xf32, #tpu.memory_space<hbm>>) target(%dma_start3A_1278 : memref<61440xf32, #tpu.memory_space<vmem_shared>>) target_semaphore(%arg17 : memref<!tpu.dma_semaphore, #tpu.memory_space<semaphore_mem>>)
        %eq3A_1281 = arith.constant 0 : i32
        %eq3A_1282 = arith.cmpi eq, %arg1, %eq3A_1281 : i32
        %convert_element_type3A_1283 = arith.extui %eq3A_1282 : i1 to i32
        %cond3A_1284 = arith.constant 0 : i32
        %cond3A_1285 = arith.cmpi ne, %convert_element_type3A_1283, %cond3A_1284 : i32
        scf.if %cond3A_1285 {
          %dma_start3A_1286 = arith.constant 983040 : i32
          %dma_start3A_1287 = tpu.memref_slice %arg2[%add3A_1267, %and3A_1269, %dma_start3A_1286] : memref<4x8x1000000xf32, #tpu.memory_space<hbm>> -> memref<1x1x16960xf32, #tpu.memory_space<hbm>>
          %dma_start3A_1288 = tpu.memref_squeeze %dma_start3A_1287 : memref<1x1x16960xf32, #tpu.memory_space<hbm>> -> memref<16960xf32, #tpu.memory_space<hbm>>
          tpu.enqueue_dma source(%dma_start3A_1288 : memref<16960xf32, #tpu.memory_space<hbm>>) target(%arg9 : memref<16960xf32, #tpu.memory_space<vmem_shared>>) target_semaphore(%arg17 : memref<!tpu.dma_semaphore, #tpu.memory_space<semaphore_mem>>)
        } else {
        }
      } else {
      }
    }
    %scan3A_60 = arith.constant 8 : i32
    %mul3A_61 = arith.constant 1024 : i32
    %mul3A_62 = arith.muli %arg1, %mul3A_61 : i32
    "tpu.region"() ({
      %run_scoped3A = tpu.sem_alloc : memref<!tpu.dma_semaphore, #tpu.memory_space<semaphore_mem>>
      %dma_start3A_63 = tpu.memref_slice %arg5[%arg0, %mul3A_62] : memref<2x16384xf32, #tpu.memory_space<hbm>> -> memref<1x1024xf32, #tpu.memory_space<hbm>>
      %dma_start3A_64 = tpu.memref_squeeze %dma_start3A_63 : memref<1x1024xf32, #tpu.memory_space<hbm>> -> memref<1024xf32, #tpu.memory_space<hbm>>
      %dma_start3A_65 = tpu.memref_slice %arg5[%arg0, %mul3A_62] : memref<2x16384xf32, #tpu.memory_space<hbm>> -> memref<1x1024xf32, #tpu.memory_space<hbm>>
      %dma_start3A_66 = tpu.memref_squeeze %dma_start3A_65 : memref<1x1024xf32, #tpu.memory_space<hbm>> -> memref<1024xf32, #tpu.memory_space<hbm>>
      tpu.enqueue_dma source(%arg16 : memref<1024xf32, #tpu.memory_space<vmem>>) target(%dma_start3A_66 : memref<1024xf32, #tpu.memory_space<hbm>>) target_semaphore(%run_scoped3A : memref<!tpu.dma_semaphore, #tpu.memory_space<semaphore_mem>>)
      %dma_wait3A = tpu.memref_slice %arg5[%arg0, %mul3A_62] : memref<2x16384xf32, #tpu.memory_space<hbm>> -> memref<1x1024xf32, #tpu.memory_space<hbm>>
      %dma_wait3A_67 = tpu.memref_squeeze %dma_wait3A : memref<1x1024xf32, #tpu.memory_space<hbm>> -> memref<1024xf32, #tpu.memory_space<hbm>>
      %dma_wait3A_68 = tpu.memref_slice %arg5[%arg0, %mul3A_62] : memref<2x16384xf32, #tpu.memory_space<hbm>> -> memref<1x1024xf32, #tpu.memory_space<hbm>>
      %dma_wait3A_69 = tpu.memref_squeeze %dma_wait3A_68 : memref<1x1024xf32, #tpu.memory_space<hbm>> -> memref<1024xf32, #tpu.memory_space<hbm>>
      tpu.wait_dma2 semaphore(%run_scoped3A : memref<!tpu.dma_semaphore, #tpu.memory_space<semaphore_mem>>) src(%arg16 : memref<1024xf32, #tpu.memory_space<vmem>>) dst(%dma_wait3A_69 : memref<1024xf32, #tpu.memory_space<hbm>>)
      tpu.yield
    }) : () -> ()
    return
  }
}

</mosaic_0001>

<sc_bundles>
// kernel: kernel.3.cloned.1.call-start
scs
__scs_entry_jumppad:
0x0: {  	(pc) =	sbr.rel $0x88, $3  }
0x1: {  	(tag) =	ssettag $0x0;
	lr =	simm.s32 $0x1  }
0x2: {  	[smem:$0x3F9E] =	sst lr;
	_ =	strace $0xD0000000  }
0x3: {  	_ = 	snop  }
0x4: {  	_ = 	snop  }
0x5: {  	_ = 	snop  }
0x6: {  	_ = 	snop  }
0x7: {  	_ = 	snop  }
__scs_overlays_trampoline_lowered:
0x8: {  	[smem:$0x3FAD] =	sst s0  }
0x9: {  	[smem:$0x3FAE] =	sst s1  }
0xa: {  	[smem:$0x3FAF] =	sst s2  }
0xb: {  	[smem:$0x3FB0] =	sst s3  }
0xc: {  	[smem:$0x3FB1] =	sst s4  }
0xd: {  	[smem:$0x3FB2] =	sst s5  }
0xe: {  	[smem:$0x3FB3] =	sst s6  }
0xf: {  	[smem:$0x3FB4] =	sst s7  }
0x10: {  	[smem:$0x3FB5] =	sst s8  }
0x11: {  	[smem:$0x3FB6] =	sst s9;
	s0 =	simm.s32 @!p0 $0x0  }
0x12: {  	s1 =	sld [smem:$0x3F9C];
	s0 =	simm.s32 @p0 $0x1  }
0x13: {  	[smem:$0x3FB7] =	sst s0;
	s0 =	simm.s32 @!p1 $0x0  }
0x14: {  	s2 =	sld [smem:$0x3F9B];
	s0 =	simm.s32 @p1 $0x1  }
0x15: {  	[smem:$0x3FB8] =	sst s0;
	s0 =	simm.s32 @!p2 $0x0  }
0x16: {  	s3 =	sld [smem:$0x3FDB];
	s0 =	simm.s32 @p2 $0x1  }
0x17: {  	s4 =	simm.s32 $0x1BF5;
	[smem:$0x3FBA] =	sst s0  }
0x18: {  	s0 =	sld [smem:$0x3F9D];
	_ =	swait.ge [sflag:s4], $0x0  }
0x19: {  	s7 =	sld [smem:$0x3F9E]  }
0x1a: {  	s8 =	sadd.s32 $0xFFFFE003, lr  }
0x1b: {  	s9 =	sadd.s32 $0xFFFFFEF7, lr;
	s5 =	simm.s32 $0xFFFFFFFF;
	p2 =	slt.u32 s8, $0xFFFFF086  }
0x1c: {  	p1 =	slt.u32 s9, $0xF7A;
	s5 =	simm.s32 @!p2 $0x0  }
0x1d: {  	s5 =	simm.s32 @p1 $0x1;
	p0 =	seq.s32 s7, s2  }
0x1e: {  	s7 =	smul.u32 @!p0 $0xF7A, s2;
	p2 =	seq.s32 @!p0 s5, $0x0  }
0x1f: {  	s9 =	smul.u32 $0xF7A, s1;
	s8 =	simm.s32 @!p0 $0x1BF5;
	p2 =	por !p2, p0  }
0x20: {  	[sflag:s8] =	ssyncset.s32 @!p0 $0xFFFFF086;
	s6 =	sadd.s32 @!p0 s3, s7;
	s7 =	simm.s32 @!p0 $0x108  }
0x21: {  	s3 =	sadd.s32 s3, s9;
	s6 =	sadd.s32 @!p0 $0x88, s6;
	s7 =	simm.s32 @p2 $0x1082  }
0x22: {  	[simem:s7], [sflag:s8] =	dma.local @!p0 [hbm:s6], $0xF7A  }
0x23: {  	s9 =	sor.u32 $0xD0000000, s2;
	s6 =	simm.s32 $0x108;
	_ =	swait.ge @!p0 [sflag:s8], $0x0  }
0x24: {  	s3 =	sadd.s32 $0x88, s3;
	s6 =	simm.s32 @!p1 $0x1082;
	[sflag:s4] =	ssyncset.s32 $0xFFFFF086  }
0x25: {  	[simem:s6], [sflag:s4] =	dma.local [hbm:s3], $0xF7A  }
0x26: {  	[smem:$0x3F9E] =	sst s1;
	(tag) =	ssettag s2;
	_ =	strace s9  }
0x27: {  	s1 =	sld [smem:$0x3FAE]  }
0x28: {  	s2 =	sld [smem:$0x3FAF]  }
0x29: {  	s4 =	sld [smem:$0x3FB1]  }
0x2a: {  	p0 =	seq.s32 s5, $0x0;
	s5 =	sld [smem:$0x3FB2]  }
0x2b: {  	s6 =	sld [smem:$0x3FB3]  }
0x2c: {  	s7 =	sld [smem:$0x3FB4]  }
0x2d: {  	s3 =	simm.s32 $0x108;
	s8 =	sld [smem:$0x3FB5]  }
0x2e: {  	s3 =	simm.s32 @!p0 $0x1082;
	s9 =	sld [smem:$0x3FB6]  }
0x2f: {  	lr =	sadd.s32 s0, s3;
	s0 =	sld [smem:$0x3FAD]  }
0x30: {  	s3 =	sld [smem:$0x3FB0]  }
0x31: {  	[smem:$0x3FB9] =	sst s10  }
0x32: {  	s10 =	sld [smem:$0x3FB7];
	_ =	sdelay $0x3  }
0x33: {  	p0 =	seq.s32 s10, $0x1;
	s10 =	sld [smem:$0x3FB9];
	_ =	sdelay $0x3  }
0x34: {  	[smem:$0x3FB9] =	sst s10  }
0x35: {  	s10 =	sld [smem:$0x3FB8];
	_ =	sdelay $0x3  }
0x36: {  	p1 =	seq.s32 s10, $0x1;
	s10 =	sld [smem:$0x3FB9];
	_ =	sdelay $0x3  }
0x37: {  	[smem:$0x3FB9] =	sst s10  }
0x38: {  	s10 =	sld [smem:$0x3FBA]  }
0x39: {  	_ = 	snop;
	(pc) =	sbr.ind lr, $3  }
0x3a: {  	_ = 	snop  }
0x3b: {  	_ = 	snop  }
0x3c: {  	p2 =	seq.s32 s10, $0x1;
	s10 =	sld [smem:$0x3FB9]  }
0x3d: {  	_ =	shalt  }
0x3e: {  	_ =	shalt  }
0x3f: {  	_ =	shalt  }
0x40: {  	_ =	shalt  }
0x41: {  	_ =	shalt  }
0x42: {  	_ =	shalt  }
0x43: {  	_ =	shalt  }
0x44: {  	_ =	shalt  }
0x45: {  	_ =	shalt  }
0x46: {  	_ =	shalt  }
0x47: {  	_ =	shalt  }
0x48: {  	_ =	shalt  }
0x49: {  	_ =	shalt  }
0x4a: {  	_ =	shalt  }
0x4b: {  	_ =	shalt  }
0x4c: {  	_ =	shalt  }
0x4d: {  	_ =	shalt  }
0x4e: {  	_ =	shalt  }
0x4f: {  	_ =	shalt  }
0x50: {  	_ =	shalt  }
0x51: {  	_ =	shalt  }
0x52: {  	_ =	shalt  }
0x53: {  	_ =	shalt  }
0x54: {  	_ =	shalt  }
0x55: {  	_ =	shalt  }
0x56: {  	_ =	shalt  }
0x57: {  	_ =	shalt  }
0x58: {  	_ =	shalt  }
0x59: {  	_ =	shalt  }
0x5a: {  	_ =	shalt  }
0x5b: {  	_ =	shalt  }
0x5c: {  	_ =	shalt  }
0x5d: {  	_ =	shalt  }
0x5e: {  	_ =	shalt  }
0x5f: {  	_ =	shalt  }
0x60: {  	_ =	shalt  }
0x61: {  	_ =	shalt  }
0x62: {  	_ =	shalt  }
0x63: {  	_ =	shalt  }
0x64: {  	_ =	shalt  }
0x65: {  	_ =	shalt  }
0x66: {  	_ =	shalt  }
0x67: {  	_ =	shalt  }
0x68: {  	_ =	shalt  }
0x69: {  	_ =	shalt  }
0x6a: {  	_ =	shalt  }
0x6b: {  	_ =	shalt  }
0x6c: {  	_ =	shalt  }
0x6d: {  	_ =	shalt  }
0x6e: {  	_ =	shalt  }
0x6f: {  	_ =	shalt  }
0x70: {  	_ =	shalt  }
0x71: {  	_ =	shalt  }
0x72: {  	_ =	shalt  }
0x73: {  	_ =	shalt  }
0x74: {  	_ =	shalt  }
0x75: {  	_ =	shalt  }
0x76: {  	_ =	shalt  }
0x77: {  	_ =	shalt  }
0x78: {  	_ =	shalt  }
0x79: {  	_ =	shalt  }
0x7a: {  	_ =	shalt  }
0x7b: {  	_ =	shalt  }
0x7c: {  	_ =	shalt  }
0x7d: {  	_ =	shalt  }
0x7e: {  	_ =	shalt  }
0x7f: {  	_ =	shalt  }
0x80: {  	_ =	shalt  }
0x81: {  	_ =	shalt  }
0x82: {  	_ =	shalt  }
0x83: {  	_ =	shalt  }
0x84: {  	_ =	shalt  }
0x85: {  	_ =	shalt  }
0x86: {  	_ =	shalt  }
0x87: {  	_ =	shalt  }
.Lfunc_end0:
.L_simem_size_0:
called_computation_lowered:
.L_overlay_start_0:
0x88: {  	s2 =	sld [smem:$0x3FD9]  }
0x89: {  	s3 =	sld [smem:$0x3FFE];
	_ =	sdelay $0x1  }
0x8a: {  	s1 =	srdreg.scid  }
0x8b: {  	s0 =	sand.u32 $0x1, s1  }
0x8c: {  	s17 =	sshll.u32 s0, $0xA;
	s2 =	sadd.s32 s3, s2  }
0x8d: {  	s2 =	sadd.s32 s2, s17  }
0x8e: {  	[smem:$0x3FC5] =	sst s2  }
0x8f: {  	_ = 	snop  }
0x90: {  	s2 =	sld [smem:$0x3FC9]  }
0x91: {  	s18 =	sld [smem:$0x3FC8]  }
0x92: {  	s4 =	sld [smem:$0x3FC7];
	(tm) =	ssettm $0x1  }
0x93: {  	s5 =	sld [smem:$0x3FFB];
	_ =	sdelay $0x3  }
0x94: {  	_ =	strace s5  }
0x95: {  	s5 =	sld [smem:$0x3FFC];
	_ =	sdelay $0x3  }
0x96: {  	_ =	strace s5  }
0x97: {  	s5 =	sld [smem:$0x3FFD];
	_ =	sdelay $0x3  }
0x98: {  	_ =	strace s5  }
0x99: {  	_ =	strace $0x8FFFFFFF  }
0x9a: {  	s19 =	sld [smem:$0x3FDB];
	_ =	sdelay $0x1  }
0x9b: {  	s6 =	simm.s32 $_scs_section_size  }
0x9c: {  	s7 =	simm.s32 $_size__tile_overlayer_lowered;
	s8 =	simm.s32 $_tile_overlayer_lowered  }
0x9d: {  	s22 =	simm.s32 $0x1BFF;
	s21 =	sshll.u32 s8, $0x1;
	s5 =	sadd.s32 s6, s19  }
0x9e: {  	s9 =	simm.s32 $0x0;
	s20 =	sshll.u32 s7, $0x1;
	s7 =	sadd.s32 s21, s5  }
0x9f: {  	[timem:s9], [sflag:s22] =	dma.local [hbm:s7], s20  }
0xa0: {  	_ =	swait.ge [sflag:s22], s20  }
0xa1: {  	s6 =	ssub.s32 $0x0, s20;
	[sflag:s22] =	ssyncset.done $0x0  }
0xa2: {  	[sflag:s22] =	ssyncadd.s32 s6;
	_ =	sdelay $0x1  }
0xa3: {  	s23 =	simm.s32 $0x1B8B  }
0xa4: {  	_ =	swait.ge [sflag:s23], $0x1  }
0xa5: {  	[sflag:s23] =	ssyncset.done $0x0  }
0xa6: {  	s25 =	simm.s32 $0x1B8E;
	s24 =	sld [smem:$0x3FFE];
	[sflag:s23] =	ssyncadd.s32 $0xFFFFFFFF  }
0xa7: {  	s26 =	simm.s32 $execute0_lowered;
	[smem:$0x3FD2] =	sst s25  }
0xa8: {  	s7 =	sshll.u32 s26, $0x1;
	_ =	strace $0x80000046;
	[dreg:$0x1] =	wrdreg $0xFFFFFFFF  }
0xa9: {  	s28 =	simm.s32 $_size_execute0_lowered;
	s5 =	sadd.s32 s5, s7;
	[dreg:$0x0] =	wrdreg $0x0  }
0xaa: {  	s7 =	sshll.u32 s28, $0x1;
	[dreg:$0x2] =	wrdreg s5  }
0xab: {  	[dreg:$0x3] =	wrdreg s7  }
0xac: {  	[dreg:$0x4] =	wrdreg $0xC0  }
0xad: {  	_ =	task [dreg:s9], $0x5FFFF  }
0xae: {  	[dreg:$0x1] =	wrdreg $0xFFFFFFFF  }
0xaf: {  	[dreg:$0x0] =	wrdreg $0x60  }
0xb0: {  	[dreg:$0x2] =	wrdreg s4  }
0xb1: {  	[dreg:$0x3] =	wrdreg s2  }
0xb2: {  	[dreg:$0x4] =	wrdreg s18  }
0xb3: {  	[dreg:$0x5] =	wrdreg s24  }
0xb4: {  	[dreg:$0x6] =	wrdreg $0x0  }
0xb5: {  	[dreg:$0x7] =	wrdreg $0x1E0000  }
0xb6: {  	[dreg:$0x8] =	wrdreg $0xF0000  }
0xb7: {  	[dreg:$0x9] =	wrdreg $0x1E4280  }
0xb8: {  	[dreg:$0xa] =	wrdreg $0x9  }
0xb9: {  	_ =	task.clear_ibuf [dreg:s9], $0xBFFFF;
	_ =	strace $0x90000046  }
0xba: {  	s29 =	simm.s32 $0x9;
	_ =	strace $0x80000048  }
0xbb: {  	_ =	swait.ge [sflag:s29], $0x1  }
0xbc: {  	[sflag:s29] =	ssyncadd.s32 $0xFFFFFFFF  }
0xbd: {  	_ =	strace $0x90000048  }
0xbe: {  	_ =	sfence  }
0xbf: {  	s30 =	sld [smem:$0x0];
	_ =	sdelay $0x2  }
0xc0: {  	s31 =	sshll.u32 s1, $0xD;
	s1 =	sshrl.u32 s1, $0x2  }
0xc1: {  	s3 =	sand.u32 $0x4000, s31;
	s1 =	sadd.s32 s1, s30  }
0xc2: {  	s0 =	sor.u32 s3, s0;
	s1 =	sshll.u32 s1, $0x11  }
0xc3: {  	s0 =	sor.u32 s1, s0  }
0xc4: {  	s0 =	sadd.s32 $0x8F2B, s0  }
0xc5: {  	[sflag:s0] =	ssyncadd.remote.s32 $0x1  }
0xc6: {  	_ =	sfence.sel $0xFFFF  }
0xc7: {  	[dreg:$0x0] =	wrdreg $0xFFFFFFFF;
	(pc) =	sbr.abs _section_cstart, $3  }
0xc8: {  	[dreg:$0x1] =	wrdreg $0xFFFFFFFF  }
0xc9: {  	_ =	task.clear_ibuf [dreg:s9], $0x2FFFF;
	_ =	strace $0x9FFFFFFF  }
0xca: {  	(tm) =	ssettm $0x7FFFFFFF  }
0xcb: {  	_ =	shalt  }
tec
execute0_lowered:
.L_overlay_start_1:
0x0: {  	(tag) =	ssettag $0x1  }
0x1: {  	s28 =	rddreg [dreg:$0x0]  }
0x2: {  	s0 =	rddreg [dreg:$0x1]  }
0x3: {  	s1 =	rddreg [dreg:$0x2]  }
0x4: {  	s6 =	rddreg [dreg:$0x3]  }
0x5: {  	s2 =	rddreg [dreg:$0x4]  }
0x6: {  	s3 =	rddreg [dreg:$0x5]  }
0x7: {  	s4 =	rddreg [dreg:$0x6]  }
0x8: {  	s5 =	rddreg [dreg:$0x7];
	s7 =	simm.s32 $0x0;
	s15 =	srdreg.scid  }
0x9: {  	s12 =	stileid.u32;
	s14 =	simm.s32 $0x3;
	s30 =	simm.s32 $0x1F450  }
0xa: {  	s29 =	simm.s32 $0x1F250;
	s31 =	simm.s32 $0x1F0D0;
	[smem:$0x7FF] =	sst s7  }
0xb: {  	s7 =	sand.u32 $0x1, s15;
	s13 =	smul.u32 $0x78000, s12;
	s16 =	sshll.u32 s12, $0x7  }
0xc: {  	s17 =	smul.u32 $0xF000, s12;
	s23 =	sshll.u32 s12, $0x8;
	p0 =	sne.s32 s12, $0x0  }
0xd: {  	s12 =	simm.s32 $0x2;
	_ =	strace $0x80000047;
	s8 =	ssub.s32 $0x2, s7  }
0xe: {  	s9 =	smul.u32 $0xF42800, s7;
	s10 =	sshll.u32 s7, $0x4;
	s0 =	sadd.s32 s0, s16  }
0xf: {  	s1 =	sadd.s32 s1, s16;
	s25 =	sshll.u32 s7, $0x1;
	[dreg:$0xa] =	wrdreg s0  }
0x10: {  	s16 =	simm.s32 $0x1F5D0;
	s7 =	simm.s32 $0x0;
	[dreg:$0x9] =	wrdreg s13  }
0x11: {  	s11 =	sshrl.u32 s8, $0x1;
	s6 =	sadd.s32 s10, s6;
	[dreg:$0xb] =	wrdreg s1  }
0x12: {  	s20 =	sadd.s32 s17, s2;
	s0 =	sadd.s32 s17, s4;
	[dreg:$0x12] =	wrdreg s25  }
0x13: {  	s25 =	simm.s32 $0x80;
	s10 =	simm.s32 $0x1F350;
	s8 =	ssub.s32 s8, s11  }
0x14: {  	s18 =	sadd.s32 s13, s9;
	s9 =	sshrl.u32 s9, $0x3;
	[dreg:$0xc] =	wrdreg s20  }
0x15: {  	[dreg:$0xf] =	wrdreg s0;
	s0 =	sadd.s32 s23, s6;
	s23 =	simm.s32 $0x1  }
0x16: {  	s20 =	simm.s32 $0x1F2D0;
	s6 =	simm.s32 $0x1F150;
	s11 =	simm.s32 $0x1F750  }
0x17: {  	s13 =	simm.s32 $0x1F1D0;
	s19 =	sshrl.u32 s18, $0x3;
	s0 =	sadd.s32 $0x400, s0  }
0x18: {  	s22 =	sadd.s32 s28, s9;
	s26 =	smax.u32 s8, $0x1;
	[dreg:$0x13] =	wrdreg s0  }
0x19: {  	s18 =	simm.s32 $0x1F3D0;
	s9 =	sadd.s32 $0xF0000, s22;
	[dreg:$0x14] =	wrdreg s26  }
0x1a: {  	s21 =	sadd.s32 s28, s19;
	s1 =	sadd.s32 $0xF0010, s22;
	[dreg:$0xe] =	wrdreg s9  }
0x1b: {  	s26 =	simm.s32 $0x1F050;
	s22 =	simm.s32 $0x1F6D0;
	[dreg:$0xd] =	wrdreg s21  }
0x1c: {  	s19 =	simm.s32 $0x1F7D0;
	s24 =	sadd.s32 $0x10, s21;
	[dreg:$0x11] =	wrdreg s1  }
0x1d: {  	v0 =	vimm.f32 $0.0e+00;
	s1 =	simm.s32 $0x1F4D0;
	s9 =	simm.s32 $0x1F550;
	[dreg:$0x10] =	wrdreg s24  }
.LBB2_1:
0x1e: {  	[dreg:$0x15] =	wrdreg s7;
	s0 =	simm.s32 $0x40;
	s7 =	simm.s32 $0x0  }
.LBB2_2:
0x1f: {  	p1 =	sne.s32 s0, $0xFC0;
	[tilespmem:s7+$0x1F850] =	vst v0;
	s7 =	smov.u32 s0;
	s0 =	sadd.s32 $0x40, s0  }
.Ltmp0:
0x20: {  	(pc) =	sbr.rel @p1 .LBB2_2-.Ltmp0, $2  }
0x21: {  	_ =	sdelay $0x2  }
0x22: {  	s7 =	sshra.s32 s7, $0x2  }
0x23: {  	[tilespmem:s7+$0x1F850] =	vst v0;
	s0 =	simm.s32 $0x0;
	s17 =	rddreg [dreg:$0xa];
	s8 =	simm.s32 $0x1E850  }
0x24: {  	[tilespmem:s8], [sflag:$0x3] =	stream.linear.gather [hbm4b:s17+s0], $0x400, $0x38;
	[tilespmem:$0x1FC50] =	vst v63  }
0x25: {  	_ =	swait.ge [sflag:s14], $0x400  }
0x26: {  	[sflag:s14] =	ssyncset.done $0x0  }
0x27: {  	s24 =	simm.s32 $0x1EC50;
	s21 =	rddreg [dreg:$0xb];
	[sflag:s14] =	ssyncadd.s32 $0xFFFFFC00  }
0x28: {  	[tilespmem:s24], [sflag:$0x3] =	stream.linear.gather [hbm4b:s21+s0], $0x400, $0x38;
	[tilespmem:$0x1FC50] =	vst v63  }
0x29: {  	_ =	swait.ge [sflag:s14], $0x400  }
0x2a: {  	[sflag:s14] =	ssyncset.done $0x0  }
0x2b: {  	s8 =	stileid.u32;
	[sflag:s14] =	ssyncadd.s32 $0xFFFFFC00;
	s14 =	rddreg [dreg:$0xc]  }
0x2c: {  	s0 =	sshll.u32 s8, $0x6;
	s17 =	rddreg [dreg:$0xd];
	s15 =	sshrl.u32 s14, $0x3  }
0x2d: {  	s24 =	simm.s32 $0x10;
	s21 =	sor.u32 $0x1C01, s0;
	[dreg:$0x16] =	wrdreg s15  }
0x2e: {  	[spmem:s15@s24], [sflag:s21] =	dma.strided [hbm:s17@s25], $0x1E00, s23, $0x10   }
0x2f: {  	s7 =	simm.s32 @p0 $0x1;
	s8 =	simm.s32 @p0 $0x10;
	s15 =	rddreg [dreg:$0xf]  }
0x30: {  	s14 =	simm.s32 @p0 $0x80;
	s17 =	rddreg [dreg:$0x10];
	s0 =	sshrl.u32 @p0 s15, $0x3  }
0x31: {  	[spmem:s0@s8], [sflag:s21] =	dma.strided @p0 [hbm:s17@s14], $0x1E00, s7, $0x10   }
0x32: {  	s24 =	simm.s32 @!p0 $0x1;
	s0 =	sshrl.u32 @!p0 s3, $0x3  }
0x33: {  	s7 =	simm.s32 @!p0 $0x10;
	s8 =	simm.s32 @!p0 $0x80;
	s14 =	rddreg [dreg:$0xe]  }
0x34: {  	[spmem:s0@s7], [sflag:s21] =	dma.strided @!p0 [hbm:s14@s8], $0x850, s24, $0x10   }
0x35: {  	s0 =	sshrl.u32 @!p0 s15, $0x3  }
0x36: {  	[spmem:s0@s7], [sflag:s21] =	dma.strided @!p0 [hbm:s17@s8], $0x1E00, s24, $0x10   }
0x37: {  	s0 =	sshrl.u32 @!p0 s5, $0x3;
	s14 =	rddreg [dreg:$0x11]  }
0x38: {  	[spmem:s0@s7], [sflag:s21] =	dma.strided @!p0 [hbm:s14@s8], $0x850, s24, $0x10   }
0x39: {  	s7 =	simm.s32 $0x0  }
.LBB2_4:
0x3a: {  	_ =	swait.ge [sflag:s23], $0x1E00  }
0x3b: {  	[sflag:s23] =	ssyncset.done $0x0  }
0x3c: {  	s0 =	simm.s32 @!p0 $0x1;
	[sflag:s23] =	ssyncadd.s32 $0xFFFFE200  }
0x3d: {  	_ =	swait.ge @!p0 [sflag:s0], $0x850  }
0x3e: {  	[sflag:s0] =	ssyncset.done @!p0 $0x0  }
0x3f: {  	[sflag:s0] =	ssyncadd.s32 @!p0 $0xFFFFF7B0  }
0x40: {  	s0 =	simm.s32 $0x0;
	[bflag:$0x0] =	sbarrier.arrive $0xFFFF  }
0x41: {  	v1 =	vld [tilespmem:s0+$0x1EC50]  }
0x42: {  	v2 =	vld [tilespmem:s0+$0x1E850]  }
0x43: {  	s15 =	sshll.u32 s7, $0x1;
	s8 =	simm.s32 $0x40  }
.LBB2_5:
0x44: {  	p1 =	sne.s32 s8, $0x7C0  }
.Ltmp1:
0x45: {  	_ = 	snop;
	(pc) =	sbr.rel @p1 .LBB2_5-.Ltmp1, $4  }
0x46: {  	s14 =	sshra.s32 s8, $0x2;
	vm0 =	vlt.s32 v1, $0xEFFFF  }
0x47: {  	vm1 =	vlt.s32 v2, $0xEFFFF;
	v3 =	vnsel vm0, $0xEFFFF, v1;
	v1 =	vld [tilespmem:s14+$0x1EC50]  }
0x48: {  	v4 =	vnsel vm1, $0xEFFFF, v2;
	v2 =	vld [tilespmem:s14+$0x1E850];
	[tilespmem:s0+$0x1F250] =	vst v3  }
0x49: {  	s8 =	sadd.s32 $0x40, s8;
	[tilespmem:s0+$0x1F050] =	vst v4;
	s0 =	smov.u32 s14  }
0x4a: {  	_ =	sdelay $0x1  }
0x4b: {  	vm0 =	vlt.s32 v1, $0xEFFFF  }
0x4c: {  	vm1 =	vlt.s32 v2, $0xEFFFF;
	v1 =	vnsel vm0, $0xEFFFF, v1  }
0x4d: {  	v2 =	vnsel vm1, $0xEFFFF, v2;
	[tilespmem:s0+$0x1F250] =	vst v1  }
0x4e: {  	[tilespmem:s0+$0x1F050] =	vst v2  }
0x4f: {  	[tilespmem:s30], [sflag:$0x2] =	stream.indirect.gather [spmem:s2], $0x1, s26, s25, $0xb8;
	[tilespmem:$0x1FC50] =	vst v63  }
0x50: {  	s24 =	simm.s32 $0x1F650  }
0x51: {  	[tilespmem:s24], [sflag:$0x2] =	stream.indirect.gather [spmem:s2], $0x1, s29, s25, $0xb8;
	[tilespmem:$0x1FC50] =	vst v63  }
0x52: {  	_ = 	snop  }
0x53: {  	[tilespmem:s1], [sflag:$0x2] =	stream.indirect.gather [spmem:s2], $0x1, s31, s25, $0xb8;
	[tilespmem:$0x1FC50] =	vst v63  }
0x54: {  	_ = 	snop  }
0x55: {  	[tilespmem:s22], [sflag:$0x2] =	stream.indirect.gather [spmem:s2], $0x1, s20, s25, $0xb8;
	[tilespmem:$0x1FC50] =	vst v63  }
0x56: {  	_ = 	snop  }
0x57: {  	[tilespmem:s9], [sflag:$0x2] =	stream.indirect.gather [spmem:s2], $0x1, s6, s25, $0xb8;
	[tilespmem:$0x1FC50] =	vst v63  }
0x58: {  	_ = 	snop  }
0x59: {  	[tilespmem:s11], [sflag:$0x2] =	stream.indirect.gather [spmem:s2], $0x1, s10, s25, $0xb8;
	[tilespmem:$0x1FC50] =	vst v63  }
0x5a: {  	_ = 	snop  }
0x5b: {  	[tilespmem:s16], [sflag:$0x2] =	stream.indirect.gather [spmem:s2], $0x1, s13, s25, $0xb8;
	[tilespmem:$0x1FC50] =	vst v63  }
0x5c: {  	_ = 	snop  }
0x5d: {  	[tilespmem:s19], [sflag:$0x2] =	stream.indirect.gather [spmem:s2], $0x1, s18, s25, $0xb8;
	[tilespmem:$0x1FC50] =	vst v63  }
0x5e: {  	_ =	swait.ge [sflag:s12], $0x80  }
0x5f: {  	[sflag:s12] =	ssyncset.done $0x0  }
0x60: {  	[sflag:s12] =	ssyncadd.s32 $0xFFFFFF80  }
0x61: {  	_ =	swait.ge [sflag:s12], $0x80  }
0x62: {  	[sflag:s12] =	ssyncset.done $0x0  }
0x63: {  	[sflag:s12] =	ssyncadd.s32 $0xFFFFFF80  }
0x64: {  	_ =	swait.ge [sflag:s12], $0x80  }
0x65: {  	[sflag:s12] =	ssyncset.done $0x0  }
0x66: {  	[sflag:s12] =	ssyncadd.s32 $0xFFFFFF80  }
0x67: {  	_ =	swait.ge [sflag:s12], $0x80  }
0x68: {  	[sflag:s12] =	ssyncset.done $0x0  }
0x69: {  	[sflag:s12] =	ssyncadd.s32 $0xFFFFFF80  }
0x6a: {  	_ =	swait.ge [sflag:s12], $0x80  }
0x6b: {  	[sflag:s12] =	ssyncset.done $0x0  }
0x6c: {  	[sflag:s12] =	ssyncadd.s32 $0xFFFFFF80  }
0x6d: {  	_ =	swait.ge [sflag:s12], $0x80  }
0x6e: {  	[sflag:s12] =	ssyncset.done $0x0  }
0x6f: {  	[sflag:s12] =	ssyncadd.s32 $0xFFFFFF80  }
0x70: {  	_ =	swait.ge [sflag:s12], $0x80  }
0x71: {  	[sflag:s12] =	ssyncset.done $0x0  }
0x72: {  	[sflag:s12] =	ssyncadd.s32 $0xFFFFFF80  }
0x73: {  	_ =	swait.ge [sflag:s12], $0x80  }
0x74: {  	[sflag:s12] =	ssyncset.done $0x0  }
0x75: {  	s0 =	simm.s32 $0x0;
	[sflag:s12] =	ssyncadd.s32 $0xFFFFFF80  }
0x76: {  	v1 =	vld [tilespmem:s0+$0x1EC50]  }
0x77: {  	v2 =	vld [tilespmem:s0+$0x1E850];
	_ =	sdelay $0x1  }
0x78: {  	s8 =	simm.s32 $0x40  }
.LBB2_7:
0x79: {  	p1 =	sne.s32 s8, $0x7C0  }
.Ltmp2:
0x7a: {  	s14 =	sshra.s32 s8, $0x2;
	s8 =	sadd.s32 $0x40, s8;
	vm0 =	vgt.s32 v1, $0xEFFFF;
	(pc) =	sbr.rel @p1 .LBB2_7-.Ltmp2, $4  }
0x7b: {  	vm1 =	vgt.s32 v2, $0xEFFFF;
	v3 =	vnsel vm0, $0xEFFFF, v1;
	v1 =	vld [tilespmem:s14+$0x1EC50]  }
0x7c: {  	v4 =	vnsel vm1, $0xEFFFF, v2;
	v2 =	vld [tilespmem:s14+$0x1E850];
	v3 =	vadd.s32 $0xFFF10000, v3  }
0x7d: {  	v4 =	vadd.s32 $0xFFF10000, v4;
	[tilespmem:s0+$0x1F250] =	vst v3  }
0x7e: {  	[tilespmem:s0+$0x1F050] =	vst v4;
	s0 =	smov.u32 s14  }
0x7f: {  	_ = 	snop  }
0x80: {  	vm0 =	vgt.s32 v1, $0xEFFFF  }
0x81: {  	vm1 =	vgt.s32 v2, $0xEFFFF;
	v1 =	vnsel vm0, $0xEFFFF, v1  }
0x82: {  	v2 =	vnsel vm1, $0xEFFFF, v2;
	v1 =	vadd.s32 $0xFFF10000, v1  }
0x83: {  	v2 =	vadd.s32 $0xFFF10000, v2;
	[tilespmem:s0+$0x1F250] =	vst v1  }
0x84: {  	[tilespmem:s0+$0x1F050] =	vst v2;
	(ifvalue) =	ssetifvalue $0xFFFFFFFF  }
0x85: {  	(ifvalue) =	ssetifvalue $0xFFFFFFFF  }
0x86: {  	[tilespmem:s30], [sflag:$0x2] =	stream.indirect.gather [spmem:s3], $0x1, s26, s25, $0x40b8;
	[tilespmem:$0x1FC50] =	vst v63  }
0x87: {  	(ifvalue) =	ssetifvalue $0xFFFFFFFF  }
0x88: {  	s24 =	simm.s32 $0x1F650;
	(ifvalue) =	ssetifvalue $0xFFFFFFFF  }
0x89: {  	[tilespmem:s24], [sflag:$0x2] =	stream.indirect.gather [spmem:s3], $0x1, s29, s25, $0x40b8;
	[tilespmem:$0x1FC50] =	vst v63  }
0x8a: {  	(ifvalue) =	ssetifvalue $0xFFFFFFFF  }
0x8b: {  	(ifvalue) =	ssetifvalue $0xFFFFFFFF  }
0x8c: {  	[tilespmem:s1], [sflag:$0x2] =	stream.indirect.gather [spmem:s3], $0x1, s31, s25, $0x40b8;
	[tilespmem:$0x1FC50] =	vst v63  }
0x8d: {  	(ifvalue) =	ssetifvalue $0xFFFFFFFF  }
0x8e: {  	(ifvalue) =	ssetifvalue $0xFFFFFFFF  }
0x8f: {  	[tilespmem:s22], [sflag:$0x2] =	stream.indirect.gather [spmem:s3], $0x1, s20, s25, $0x40b8;
	[tilespmem:$0x1FC50] =	vst v63  }
0x90: {  	(ifvalue) =	ssetifvalue $0xFFFFFFFF  }
0x91: {  	(ifvalue) =	ssetifvalue $0xFFFFFFFF  }
0x92: {  	[tilespmem:s9], [sflag:$0x2] =	stream.indirect.gather [spmem:s3], $0x1, s6, s25, $0x40b8;
	[tilespmem:$0x1FC50] =	vst v63  }
0x93: {  	(ifvalue) =	ssetifvalue $0xFFFFFFFF  }
0x94: {  	(ifvalue) =	ssetifvalue $0xFFFFFFFF  }
0x95: {  	[tilespmem:s11], [sflag:$0x2] =	stream.indirect.gather [spmem:s3], $0x1, s10, s25, $0x40b8;
	[tilespmem:$0x1FC50] =	vst v63  }
0x96: {  	(ifvalue) =	ssetifvalue $0xFFFFFFFF  }
0x97: {  	(ifvalue) =	ssetifvalue $0xFFFFFFFF  }
0x98: {  	[tilespmem:s16], [sflag:$0x2] =	stream.indirect.gather [spmem:s3], $0x1, s13, s25, $0x40b8;
	[tilespmem:$0x1FC50] =	vst v63  }
0x99: {  	(ifvalue) =	ssetifvalue $0xFFFFFFFF  }
0x9a: {  	(ifvalue) =	ssetifvalue $0xFFFFFFFF  }
0x9b: {  	[tilespmem:s19], [sflag:$0x2] =	stream.indirect.gather [spmem:s3], $0x1, s18, s25, $0x40b8;
	[tilespmem:$0x1FC50] =	vst v63  }
0x9c: {  	_ =	swait.ge [sflag:s12], $0x80  }
0x9d: {  	[sflag:s12] =	ssyncset.done $0x0  }
0x9e: {  	[sflag:s12] =	ssyncadd.s32 $0xFFFFFF80  }
0x9f: {  	_ =	swait.ge [sflag:s12], $0x80  }
0xa0: {  	[sflag:s12] =	ssyncset.done $0x0  }
0xa1: {  	[sflag:s12] =	ssyncadd.s32 $0xFFFFFF80  }
0xa2: {  	_ =	swait.ge [sflag:s12], $0x80  }
0xa3: {  	[sflag:s12] =	ssyncset.done $0x0  }
0xa4: {  	[sflag:s12] =	ssyncadd.s32 $0xFFFFFF80  }
0xa5: {  	_ =	swait.ge [sflag:s12], $0x80  }
0xa6: {  	[sflag:s12] =	ssyncset.done $0x0  }
0xa7: {  	[sflag:s12] =	ssyncadd.s32 $0xFFFFFF80  }
0xa8: {  	_ =	swait.ge [sflag:s12], $0x80  }
0xa9: {  	[sflag:s12] =	ssyncset.done $0x0  }
0xaa: {  	[sflag:s12] =	ssyncadd.s32 $0xFFFFFF80  }
0xab: {  	_ =	swait.ge [sflag:s12], $0x80  }
0xac: {  	[sflag:s12] =	ssyncset.done $0x0  }
0xad: {  	[sflag:s12] =	ssyncadd.s32 $0xFFFFFF80  }
0xae: {  	_ =	swait.ge [sflag:s12], $0x80  }
0xaf: {  	[sflag:s12] =	ssyncset.done $0x0  }
0xb0: {  	[sflag:s12] =	ssyncadd.s32 $0xFFFFFF80  }
0xb1: {  	_ =	swait.ge [sflag:s12], $0x80  }
0xb2: {  	[sflag:s12] =	ssyncset.done $0x0  }
0xb3: {  	s0 =	simm.s32 $0x0;
	[sflag:s12] =	ssyncadd.s32 $0xFFFFFF80  }
0xb4: {  	v1 =	vld [tilespmem:s0+$0x1F450]  }
0xb5: {  	v2 =	vld [tilespmem:s0+$0x1F650];
	_ =	sdelay $0x1  }
0xb6: {  	v3 =	vld [tilespmem:s0+$0x1F850];
	_ =	sdelay $0x2  }
0xb7: {  	v2 =	vmul.f32 v2, v1  }
0xb8: {  	s8 =	simm.s32 $0x10  }
0xb9: {  	s14 =	simm.s32 $0x40;
	s17 =	simm.s32 $0x80;
	s24 =	simm.s32 $0x0;
	v1 =	vld [tilespmem:s8+$0x1F450];
	v2 =	vadd.f32 v2, v3  }
.LBB2_9:
0xba: {  	p1 =	sne.s32 s17, $0x7C0;
	v3 =	vld [tilespmem:s8+$0x1F650]  }
0xbb: {  	[tilespmem:s24+$0x1F850] =	vst v2;
	s24 =	smov.u32 s8  }
0xbc: {  	v2 =	vld [tilespmem:s24+$0x1F850]  }
.Ltmp3:
0xbd: {  	(pc) =	sbr.rel @p1 .LBB2_9-.Ltmp3, $4  }
0xbe: {  	_ = 	snop  }
0xbf: {  	v3 =	vmul.f32 v3, v1  }
0xc0: {  	s8 =	sshra.s32 s17, $0x2  }
0xc1: {  	s17 =	sadd.s32 $0x40, s17;
	v1 =	vld [tilespmem:s8+$0x1F450];
	v2 =	vadd.f32 v3, v2  }
0xc2: {  	v3 =	vld [tilespmem:s8+$0x1F650]  }
0xc3: {  	[tilespmem:s24+$0x1F850] =	vst v2  }
0xc4: {  	v2 =	vld [tilespmem:s8+$0x1F850];
	_ =	sdelay $0x2  }
0xc5: {  	v1 =	vmul.f32 v3, v1;
	_ =	sdelay $0x1  }
0xc6: {  	v1 =	vadd.f32 v1, v2;
	_ =	sdelay $0x1  }
0xc7: {  	[tilespmem:s8+$0x1F850] =	vst v1  }
0xc8: {  	v1 =	vld [tilespmem:s0+$0x1EE50]  }
0xc9: {  	v2 =	vld [tilespmem:s0+$0x1EA50]  }
.LBB2_11:
0xca: {  	p1 =	sne.s32 s14, $0x7C0  }
.Ltmp4:
0xcb: {  	_ = 	snop;
	(pc) =	sbr.rel @p1 .LBB2_11-.Ltmp4, $4  }
0xcc: {  	s8 =	sshra.s32 s14, $0x2;
	vm0 =	vlt.s32 v1, $0xEFFFF  }
0xcd: {  	vm1 =	vlt.s32 v2, $0xEFFFF;
	v3 =	vnsel vm0, $0xEFFFF, v1;
	v1 =	vld [tilespmem:s8+$0x1EE50]  }
0xce: {  	v4 =	vnsel vm1, $0xEFFFF, v2;
	v2 =	vld [tilespmem:s8+$0x1EA50];
	[tilespmem:s0+$0x1F250] =	vst v3  }
0xcf: {  	s14 =	sadd.s32 $0x40, s14;
	[tilespmem:s0+$0x1F050] =	vst v4;
	s0 =	smov.u32 s8  }
0xd0: {  	_ =	sdelay $0x1  }
0xd1: {  	vm0 =	vlt.s32 v1, $0xEFFFF  }
0xd2: {  	vm1 =	vlt.s32 v2, $0xEFFFF;
	v1 =	vnsel vm0, $0xEFFFF, v1  }
0xd3: {  	v2 =	vnsel vm1, $0xEFFFF, v2;
	[tilespmem:s0+$0x1F250] =	vst v1  }
0xd4: {  	[tilespmem:s0+$0x1F050] =	vst v2  }
0xd5: {  	[tilespmem:s30], [sflag:$0x2] =	stream.indirect.gather [spmem:s2], $0x1, s26, s25, $0xb8;
	[tilespmem:$0x1FC50] =	vst v63  }
0xd6: {  	s24 =	simm.s32 $0x1F650  }
0xd7: {  	[tilespmem:s24], [sflag:$0x2] =	stream.indirect.gather [spmem:s2], $0x1, s29, s25, $0xb8;
	[tilespmem:$0x1FC50] =	vst v63  }
0xd8: {  	_ = 	snop  }
0xd9: {  	[tilespmem:s1], [sflag:$0x2] =	stream.indirect.gather [spmem:s2], $0x1, s31, s25, $0xb8;
	[tilespmem:$0x1FC50] =	vst v63  }
0xda: {  	_ = 	snop  }
0xdb: {  	[tilespmem:s22], [sflag:$0x2] =	stream.indirect.gather [spmem:s2], $0x1, s20, s25, $0xb8;
	[tilespmem:$0x1FC50] =	vst v63  }
0xdc: {  	_ = 	snop  }
0xdd: {  	[tilespmem:s9], [sflag:$0x2] =	stream.indirect.gather [spmem:s2], $0x1, s6, s25, $0xb8;
	[tilespmem:$0x1FC50] =	vst v63  }
0xde: {  	_ = 	snop  }
0xdf: {  	[tilespmem:s11], [sflag:$0x2] =	stream.indirect.gather [spmem:s2], $0x1, s10, s25, $0xb8;
	[tilespmem:$0x1FC50] =	vst v63  }
0xe0: {  	_ = 	snop  }
0xe1: {  	[tilespmem:s16], [sflag:$0x2] =	stream.indirect.gather [spmem:s2], $0x1, s13, s25, $0xb8;
	[tilespmem:$0x1FC50] =	vst v63  }
0xe2: {  	_ = 	snop  }
0xe3: {  	[tilespmem:s19], [sflag:$0x2] =	stream.indirect.gather [spmem:s2], $0x1, s18, s25, $0xb8;
	[tilespmem:$0x1FC50] =	vst v63  }
0xe4: {  	_ =	swait.ge [sflag:s12], $0x80  }
0xe5: {  	[sflag:s12] =	ssyncset.done $0x0  }
0xe6: {  	[sflag:s12] =	ssyncadd.s32 $0xFFFFFF80  }
0xe7: {  	_ =	swait.ge [sflag:s12], $0x80  }
0xe8: {  	[sflag:s12] =	ssyncset.done $0x0  }
0xe9: {  	[sflag:s12] =	ssyncadd.s32 $0xFFFFFF80  }
0xea: {  	_ =	swait.ge [sflag:s12], $0x80  }
0xeb: {  	[sflag:s12] =	ssyncset.done $0x0  }
0xec: {  	[sflag:s12] =	ssyncadd.s32 $0xFFFFFF80  }
0xed: {  	_ =	swait.ge [sflag:s12], $0x80  }
0xee: {  	[sflag:s12] =	ssyncset.done $0x0  }
0xef: {  	[sflag:s12] =	ssyncadd.s32 $0xFFFFFF80  }
0xf0: {  	_ =	swait.ge [sflag:s12], $0x80  }
0xf1: {  	[sflag:s12] =	ssyncset.done $0x0  }
0xf2: {  	[sflag:s12] =	ssyncadd.s32 $0xFFFFFF80  }
0xf3: {  	_ =	swait.ge [sflag:s12], $0x80  }
0xf4: {  	[sflag:s12] =	ssyncset.done $0x0  }
0xf5: {  	[sflag:s12] =	ssyncadd.s32 $0xFFFFFF80  }
0xf6: {  	_ =	swait.ge [sflag:s12], $0x80  }
0xf7: {  	[sflag:s12] =	ssyncset.done $0x0  }
0xf8: {  	[sflag:s12] =	ssyncadd.s32 $0xFFFFFF80  }
0xf9: {  	_ =	swait.ge [sflag:s12], $0x80  }
0xfa: {  	[sflag:s12] =	ssyncset.done $0x0  }
0xfb: {  	s0 =	simm.s32 $0x0;
	[sflag:s12] =	ssyncadd.s32 $0xFFFFFF80  }
0xfc: {  	v1 =	vld [tilespmem:s0+$0x1EE50]  }
0xfd: {  	v2 =	vld [tilespmem:s0+$0x1EA50];
	_ =	sdelay $0x1  }
0xfe: {  	s8 =	simm.s32 $0x40  }
.LBB2_13:
0xff: {  	p1 =	sne.s32 s8, $0x7C0  }
.Ltmp5:
0x100: {  	s14 =	sshra.s32 s8, $0x2;
	s8 =	sadd.s32 $0x40, s8;
	vm0 =	vgt.s32 v1, $0xEFFFF;
	(pc) =	sbr.rel @p1 .LBB2_13-.Ltmp5, $4  }
0x101: {  	vm1 =	vgt.s32 v2, $0xEFFFF;
	v3 =	vnsel vm0, $0xEFFFF, v1;
	v1 =	vld [tilespmem:s14+$0x1EE50]  }
0x102: {  	v4 =	vnsel vm1, $0xEFFFF, v2;
	v2 =	vld [tilespmem:s14+$0x1EA50];
	v3 =	vadd.s32 $0xFFF10000, v3  }
0x103: {  	v4 =	vadd.s32 $0xFFF10000, v4;
	[tilespmem:s0+$0x1F250] =	vst v3  }
0x104: {  	[tilespmem:s0+$0x1F050] =	vst v4;
	s0 =	smov.u32 s14  }
0x105: {  	_ = 	snop  }
0x106: {  	vm0 =	vgt.s32 v1, $0xEFFFF  }
0x107: {  	vm1 =	vgt.s32 v2, $0xEFFFF;
	v1 =	vnsel vm0, $0xEFFFF, v1  }
0x108: {  	v2 =	vnsel vm1, $0xEFFFF, v2;
	v1 =	vadd.s32 $0xFFF10000, v1  }
0x109: {  	v2 =	vadd.s32 $0xFFF10000, v2;
	[tilespmem:s0+$0x1F250] =	vst v1  }
0x10a: {  	[tilespmem:s0+$0x1F050] =	vst v2;
	(ifvalue) =	ssetifvalue $0xFFFFFFFF  }
0x10b: {  	s14 =	simm.s32 $0x1F450;
	(ifvalue) =	ssetifvalue $0xFFFFFFFF  }
0x10c: {  	[tilespmem:s14], [sflag:$0x2] =	stream.indirect.gather [spmem:s3], $0x1, s26, s25, $0x40b8;
	[tilespmem:$0x1FC50] =	vst v63  }
0x10d: {  	(ifvalue) =	ssetifvalue $0xFFFFFFFF  }
0x10e: {  	s0 =	simm.s32 $0x1F650;
	(ifvalue) =	ssetifvalue $0xFFFFFFFF  }
0x10f: {  	[tilespmem:s0], [sflag:$0x2] =	stream.indirect.gather [spmem:s3], $0x1, s29, s25, $0x40b8;
	[tilespmem:$0x1FC50] =	vst v63  }
0x110: {  	(ifvalue) =	ssetifvalue $0xFFFFFFFF  }
0x111: {  	(ifvalue) =	ssetifvalue $0xFFFFFFFF  }
0x112: {  	[tilespmem:s1], [sflag:$0x2] =	stream.indirect.gather [spmem:s3], $0x1, s31, s25, $0x40b8;
	[tilespmem:$0x1FC50] =	vst v63  }
0x113: {  	(ifvalue) =	ssetifvalue $0xFFFFFFFF  }
0x114: {  	(ifvalue) =	ssetifvalue $0xFFFFFFFF  }
0x115: {  	[tilespmem:s22], [sflag:$0x2] =	stream.indirect.gather [spmem:s3], $0x1, s20, s25, $0x40b8;
	[tilespmem:$0x1FC50] =	vst v63  }
0x116: {  	(ifvalue) =	ssetifvalue $0xFFFFFFFF  }
0x117: {  	(ifvalue) =	ssetifvalue $0xFFFFFFFF  }
0x118: {  	[tilespmem:s9], [sflag:$0x2] =	stream.indirect.gather [spmem:s3], $0x1, s6, s25, $0x40b8;
	[tilespmem:$0x1FC50] =	vst v63  }
0x119: {  	(ifvalue) =	ssetifvalue $0xFFFFFFFF  }
0x11a: {  	(ifvalue) =	ssetifvalue $0xFFFFFFFF  }
0x11b: {  	[tilespmem:s11], [sflag:$0x2] =	stream.indirect.gather [spmem:s3], $0x1, s10, s25, $0x40b8;
	[tilespmem:$0x1FC50] =	vst v63  }
0x11c: {  	(ifvalue) =	ssetifvalue $0xFFFFFFFF  }
0x11d: {  	(ifvalue) =	ssetifvalue $0xFFFFFFFF  }
0x11e: {  	[tilespmem:s16], [sflag:$0x2] =	stream.indirect.gather [spmem:s3], $0x1, s13, s25, $0x40b8;
	[tilespmem:$0x1FC50] =	vst v63  }
0x11f: {  	(ifvalue) =	ssetifvalue $0xFFFFFFFF  }
0x120: {  	(ifvalue) =	ssetifvalue $0xFFFFFFFF  }
0x121: {  	[tilespmem:s19], [sflag:$0x2] =	stream.indirect.gather [spmem:s3], $0x1, s18, s25, $0x40b8;
	[tilespmem:$0x1FC50] =	vst v63  }
0x122: {  	_ =	swait.ge [sflag:s12], $0x80  }
0x123: {  	[sflag:s12] =	ssyncset.done $0x0  }
0x124: {  	[sflag:s12] =	ssyncadd.s32 $0xFFFFFF80  }
0x125: {  	_ =	swait.ge [sflag:s12], $0x80  }
0x126: {  	[sflag:s12] =	ssyncset.done $0x0  }
0x127: {  	[sflag:s12] =	ssyncadd.s32 $0xFFFFFF80  }
0x128: {  	_ =	swait.ge [sflag:s12], $0x80  }
0x129: {  	[sflag:s12] =	ssyncset.done $0x0  }
0x12a: {  	[sflag:s12] =	ssyncadd.s32 $0xFFFFFF80  }
0x12b: {  	_ =	swait.ge [sflag:s12], $0x80  }
0x12c: {  	[sflag:s12] =	ssyncset.done $0x0  }
0x12d: {  	[sflag:s12] =	ssyncadd.s32 $0xFFFFFF80  }
0x12e: {  	_ =	swait.ge [sflag:s12], $0x80  }
0x12f: {  	[sflag:s12] =	ssyncset.done $0x0  }
0x130: {  	[sflag:s12] =	ssyncadd.s32 $0xFFFFFF80  }
0x131: {  	_ =	swait.ge [sflag:s12], $0x80  }
0x132: {  	[sflag:s12] =	ssyncset.done $0x0  }
0x133: {  	[sflag:s12] =	ssyncadd.s32 $0xFFFFFF80  }
0x134: {  	_ =	swait.ge [sflag:s12], $0x80  }
0x135: {  	[sflag:s12] =	ssyncset.done $0x0  }
0x136: {  	[sflag:s12] =	ssyncadd.s32 $0xFFFFFF80  }
0x137: {  	_ =	swait.ge [sflag:s12], $0x80  }
0x138: {  	[sflag:s12] =	ssyncset.done $0x0  }
0x139: {  	[sflag:s12] =	ssyncadd.s32 $0xFFFFFF80  }
0x13a: {  	v1 =	vld [tilespmem:s14+$0x0]  }
0x13b: {  	s8 =	simm.s32 $0x0;
	s17 =	simm.s32 $0x10;
	v2 =	vld [tilespmem:s0+$0x0]  }
.LBB2_15:
0x13c: {  	p1 =	sne.s32 s17, $0x1F0;
	s24 =	sand.u32 $0x1F0, s8;
	s8 =	smov.u32 s17  }
0x13d: {  	v3 =	vld [tilespmem:s24+$0x1FA50];
	_ =	sdelay $0x2  }
0x13e: {  	v1 =	vmul.f32 v2, v1;
	_ =	sdelay $0x1  }
.Ltmp6:
0x13f: {  	v1 =	vadd.f32 v1, v3;
	(pc) =	sbr.rel @p1 .LBB2_15-.Ltmp6, $4  }
0x140: {  	_ = 	snop  }
0x141: {  	s14 =	sadd.s32 $0x10, s14;
	[tilespmem:s24+$0x1FA50] =	vst v1  }
0x142: {  	s0 =	sadd.s32 $0x10, s0;
	v1 =	vld [tilespmem:s14+$0x0]  }
0x143: {  	s17 =	sadd.s32 $0x10, s17;
	v2 =	vld [tilespmem:s0+$0x0]  }
0x144: {  	s0 =	sand.u32 $0x1F0, s8  }
0x145: {  	v3 =	vld [tilespmem:s0+$0x1FA50];
	_ =	sdelay $0x2  }
0x146: {  	v1 =	vmul.f32 v2, v1  }
0x147: {  	p1 =	seq.s32 s7, $0x7  }
.Ltmp7:
0x148: {  	v1 =	vadd.f32 v1, v3;
	(pc) =	sbr.rel @!p1 .LBB2_17-.Ltmp7, $3  }
0x149: {  	_ = 	snop  }
0x14a: {  	[tilespmem:s0+$0x1FA50] =	vst v1  }
0x14b: {  	[bflag:$0x0] =	sbarrier.arrive $0xFFFF;
	_ =	sdelay $0x1  }
.Ltmp8:
0x14c: {  	(pc) =	sbr.rel @p0 .LBB2_22-.Ltmp8, $4  }
.Ltmp9:
0x14d: {  	(pc) =	sbr.rel @!p0 .LBB2_20-.Ltmp9, $4  }
0x14e: {  	_ =	swait.ge [sflag:s23], $0x1E00  }
0x14f: {  	[sflag:s23] =	ssyncset.done $0x0  }
0x150: {  	[sflag:s23] =	ssyncadd.s32 $0xFFFFE200  }
0x151: {  	_ = 	snop  }
.LBB2_17:
0x152: {  	s8 =	sadd.s32 $0x2, s15  }
0x153: {  	s14 =	rddreg [dreg:$0x12];
	s0 =	sshrl.u32 s8, $0x3  }
0x154: {  	s0 =	sadd.s32 s14, s0  }
0x155: {  	s0 =	smul.u32 $0x7A1400, s0  }
0x156: {  	s24 =	rddreg [dreg:$0x9];
	s8 =	sshll.u32 s8, $0x7  }
0x157: {  	s8 =	sand.u32 $0x300, s8;
	s14 =	sadd.s32 s24, s0  }
.Ltmp10:
0x158: {  	s14 =	sor.u32 s8, s14;
	(pc) =	sbr.rel @!p0 .LBB2_18-.Ltmp10, $4  }
0x159: {  	s14 =	sshrl.u32 s14, $0x3  }
0x15a: {  	s17 =	simm.s32 $0x10;
	s24 =	rddreg [dreg:$0x16];
	s14 =	sadd.s32 s28, s14  }
0x15b: {  	[spmem:s24@s17], [sflag:s21] =	dma.strided [hbm:s14@s25], $0x1E00, s23, $0x10   }
0x15c: {  	s14 =	simm.s32 $0x10  }
.Ltmp11:
0x15d: {  	(pc) =	sbr.rel .LBB2_22-.Ltmp11, $4  }
0x15e: {  	_ = 	snop  }
0x15f: {  	_ =	swait.ge [sflag:s23], $0x1E00  }
0x160: {  	[sflag:s23] =	ssyncset.done $0x0  }
0x161: {  	[sflag:s23] =	ssyncadd.s32 $0xFFFFE200  }
.LBB2_18:
0x162: {  	s0 =	sadd.s32 s8, s0  }
0x163: {  	s0 =	sadd.s32 $0x780000, s0  }
0x164: {  	s0 =	sshrl.u32 s0, $0x3  }
0x165: {  	s24 =	sshrl.u32 s3, $0x3;
	s0 =	sadd.s32 s28, s0  }
0x166: {  	[spmem:s24@s14], [sflag:s21] =	dma.strided [hbm:s0@s25], $0x850, s23, $0x10   }
0x167: {  	_ =	swait.ge [sflag:s23], $0x1E00  }
0x168: {  	[sflag:s23] =	ssyncset.done $0x0  }
0x169: {  	[sflag:s23] =	ssyncadd.s32 $0xFFFFE200  }
.LBB2_20:
0x16a: {  	_ =	swait.ge [sflag:s23], $0x850  }
0x16b: {  	[sflag:s23] =	ssyncset.done $0x0  }
0x16c: {  	[sflag:s23] =	ssyncadd.s32 $0xFFFFF7B0  }
.LBB2_22:
0x16d: {  	[bflag:$0x0] =	sbarrier.arrive $0xFFFF;
	s0 =	simm.s32 $0x0  }
0x16e: {  	v1 =	vld [tilespmem:s0+$0x1EC50]  }
0x16f: {  	v2 =	vld [tilespmem:s0+$0x1E850]  }
0x170: {  	s7 =	sadd.s32 $0x1, s7;
	s8 =	simm.s32 $0x40  }
.LBB2_23:
0x171: {  	p2 =	sne.s32 s8, $0x7C0  }
.Ltmp12:
0x172: {  	_ = 	snop;
	(pc) =	sbr.rel @p2 .LBB2_23-.Ltmp12, $4  }
0x173: {  	s14 =	sshra.s32 s8, $0x2;
	vm0 =	vlt.s32 v1, $0xEFFFF  }
0x174: {  	vm1 =	vlt.s32 v2, $0xEFFFF;
	v3 =	vnsel vm0, $0xEFFFF, v1;
	v1 =	vld [tilespmem:s14+$0x1EC50]  }
0x175: {  	v4 =	vnsel vm1, $0xEFFFF, v2;
	v2 =	vld [tilespmem:s14+$0x1E850];
	[tilespmem:s0+$0x1F250] =	vst v3  }
0x176: {  	s8 =	sadd.s32 $0x40, s8;
	[tilespmem:s0+$0x1F050] =	vst v4;
	s0 =	smov.u32 s14  }
0x177: {  	_ =	sdelay $0x1  }
0x178: {  	vm0 =	vlt.s32 v1, $0xEFFFF  }
0x179: {  	vm1 =	vlt.s32 v2, $0xEFFFF;
	v1 =	vnsel vm0, $0xEFFFF, v1  }
0x17a: {  	v2 =	vnsel vm1, $0xEFFFF, v2;
	[tilespmem:s0+$0x1F250] =	vst v1  }
0x17b: {  	[tilespmem:s0+$0x1F050] =	vst v2  }
0x17c: {  	[tilespmem:s30], [sflag:$0x2] =	stream.indirect.gather [spmem:s4], $0x1, s26, s25, $0xb8;
	[tilespmem:$0x1FC50] =	vst v63  }
0x17d: {  	s24 =	simm.s32 $0x1F650  }
0x17e: {  	[tilespmem:s24], [sflag:$0x2] =	stream.indirect.gather [spmem:s4], $0x1, s29, s25, $0xb8;
	[tilespmem:$0x1FC50] =	vst v63  }
0x17f: {  	_ = 	snop  }
0x180: {  	[tilespmem:s1], [sflag:$0x2] =	stream.indirect.gather [spmem:s4], $0x1, s31, s25, $0xb8;
	[tilespmem:$0x1FC50] =	vst v63  }
0x181: {  	_ = 	snop  }
0x182: {  	[tilespmem:s22], [sflag:$0x2] =	stream.indirect.gather [spmem:s4], $0x1, s20, s25, $0xb8;
	[tilespmem:$0x1FC50] =	vst v63  }
0x183: {  	_ = 	snop  }
0x184: {  	[tilespmem:s9], [sflag:$0x2] =	stream.indirect.gather [spmem:s4], $0x1, s6, s25, $0xb8;
	[tilespmem:$0x1FC50] =	vst v63  }
0x185: {  	_ = 	snop  }
0x186: {  	[tilespmem:s11], [sflag:$0x2] =	stream.indirect.gather [spmem:s4], $0x1, s10, s25, $0xb8;
	[tilespmem:$0x1FC50] =	vst v63  }
0x187: {  	_ = 	snop  }
0x188: {  	[tilespmem:s16], [sflag:$0x2] =	stream.indirect.gather [spmem:s4], $0x1, s13, s25, $0xb8;
	[tilespmem:$0x1FC50] =	vst v63  }
0x189: {  	_ = 	snop  }
0x18a: {  	[tilespmem:s19], [sflag:$0x2] =	stream.indirect.gather [spmem:s4], $0x1, s18, s25, $0xb8;
	[tilespmem:$0x1FC50] =	vst v63  }
0x18b: {  	_ =	swait.ge [sflag:s12], $0x80  }
0x18c: {  	[sflag:s12] =	ssyncset.done $0x0  }
0x18d: {  	[sflag:s12] =	ssyncadd.s32 $0xFFFFFF80  }
0x18e: {  	_ =	swait.ge [sflag:s12], $0x80  }
0x18f: {  	[sflag:s12] =	ssyncset.done $0x0  }
0x190: {  	[sflag:s12] =	ssyncadd.s32 $0xFFFFFF80  }
0x191: {  	_ =	swait.ge [sflag:s12], $0x80  }
0x192: {  	[sflag:s12] =	ssyncset.done $0x0  }
0x193: {  	[sflag:s12] =	ssyncadd.s32 $0xFFFFFF80  }
0x194: {  	_ =	swait.ge [sflag:s12], $0x80  }
0x195: {  	[sflag:s12] =	ssyncset.done $0x0  }
0x196: {  	[sflag:s12] =	ssyncadd.s32 $0xFFFFFF80  }
0x197: {  	_ =	swait.ge [sflag:s12], $0x80  }
0x198: {  	[sflag:s12] =	ssyncset.done $0x0  }
0x199: {  	[sflag:s12] =	ssyncadd.s32 $0xFFFFFF80  }
0x19a: {  	_ =	swait.ge [sflag:s12], $0x80  }
0x19b: {  	[sflag:s12] =	ssyncset.done $0x0  }
0x19c: {  	[sflag:s12] =	ssyncadd.s32 $0xFFFFFF80  }
0x19d: {  	_ =	swait.ge [sflag:s12], $0x80  }
0x19e: {  	[sflag:s12] =	ssyncset.done $0x0  }
0x19f: {  	[sflag:s12] =	ssyncadd.s32 $0xFFFFFF80  }
0x1a0: {  	_ =	swait.ge [sflag:s12], $0x80  }
0x1a1: {  	[sflag:s12] =	ssyncset.done $0x0  }
0x1a2: {  	s0 =	simm.s32 $0x0;
	[sflag:s12] =	ssyncadd.s32 $0xFFFFFF80  }
0x1a3: {  	v1 =	vld [tilespmem:s0+$0x1EC50]  }
0x1a4: {  	v2 =	vld [tilespmem:s0+$0x1E850];
	_ =	sdelay $0x1  }
0x1a5: {  	s8 =	simm.s32 $0x40  }
.LBB2_25:
0x1a6: {  	p2 =	sne.s32 s8, $0x7C0  }
.Ltmp13:
0x1a7: {  	s14 =	sshra.s32 s8, $0x2;
	s8 =	sadd.s32 $0x40, s8;
	vm0 =	vgt.s32 v1, $0xEFFFF;
	(pc) =	sbr.rel @p2 .LBB2_25-.Ltmp13, $4  }
0x1a8: {  	vm1 =	vgt.s32 v2, $0xEFFFF;
	v3 =	vnsel vm0, $0xEFFFF, v1;
	v1 =	vld [tilespmem:s14+$0x1EC50]  }
0x1a9: {  	v4 =	vnsel vm1, $0xEFFFF, v2;
	v2 =	vld [tilespmem:s14+$0x1E850];
	v3 =	vadd.s32 $0xFFF10000, v3  }
0x1aa: {  	v4 =	vadd.s32 $0xFFF10000, v4;
	[tilespmem:s0+$0x1F250] =	vst v3  }
0x1ab: {  	[tilespmem:s0+$0x1F050] =	vst v4;
	s0 =	smov.u32 s14  }
0x1ac: {  	_ = 	snop  }
0x1ad: {  	vm0 =	vgt.s32 v1, $0xEFFFF  }
0x1ae: {  	vm1 =	vgt.s32 v2, $0xEFFFF;
	v1 =	vnsel vm0, $0xEFFFF, v1  }
0x1af: {  	v2 =	vnsel vm1, $0xEFFFF, v2;
	v1 =	vadd.s32 $0xFFF10000, v1  }
0x1b0: {  	v2 =	vadd.s32 $0xFFF10000, v2;
	[tilespmem:s0+$0x1F250] =	vst v1  }
0x1b1: {  	[tilespmem:s0+$0x1F050] =	vst v2;
	(ifvalue) =	ssetifvalue $0xFFFFFFFF  }
0x1b2: {  	(ifvalue) =	ssetifvalue $0xFFFFFFFF  }
0x1b3: {  	[tilespmem:s30], [sflag:$0x2] =	stream.indirect.gather [spmem:s5], $0x1, s26, s25, $0x40b8;
	[tilespmem:$0x1FC50] =	vst v63  }
0x1b4: {  	(ifvalue) =	ssetifvalue $0xFFFFFFFF  }
0x1b5: {  	s24 =	simm.s32 $0x1F650;
	(ifvalue) =	ssetifvalue $0xFFFFFFFF  }
0x1b6: {  	[tilespmem:s24], [sflag:$0x2] =	stream.indirect.gather [spmem:s5], $0x1, s29, s25, $0x40b8;
	[tilespmem:$0x1FC50] =	vst v63  }
0x1b7: {  	(ifvalue) =	ssetifvalue $0xFFFFFFFF  }
0x1b8: {  	(ifvalue) =	ssetifvalue $0xFFFFFFFF  }
0x1b9: {  	[tilespmem:s1], [sflag:$0x2] =	stream.indirect.gather [spmem:s5], $0x1, s31, s25, $0x40b8;
	[tilespmem:$0x1FC50] =	vst v63  }
0x1ba: {  	(ifvalue) =	ssetifvalue $0xFFFFFFFF  }
0x1bb: {  	(ifvalue) =	ssetifvalue $0xFFFFFFFF  }
0x1bc: {  	[tilespmem:s22], [sflag:$0x2] =	stream.indirect.gather [spmem:s5], $0x1, s20, s25, $0x40b8;
	[tilespmem:$0x1FC50] =	vst v63  }
0x1bd: {  	(ifvalue) =	ssetifvalue $0xFFFFFFFF  }
0x1be: {  	(ifvalue) =	ssetifvalue $0xFFFFFFFF  }
0x1bf: {  	[tilespmem:s9], [sflag:$0x2] =	stream.indirect.gather [spmem:s5], $0x1, s6, s25, $0x40b8;
	[tilespmem:$0x1FC50] =	vst v63  }
0x1c0: {  	(ifvalue) =	ssetifvalue $0xFFFFFFFF  }
0x1c1: {  	(ifvalue) =	ssetifvalue $0xFFFFFFFF  }
0x1c2: {  	[tilespmem:s11], [sflag:$0x2] =	stream.indirect.gather [spmem:s5], $0x1, s10, s25, $0x40b8;
	[tilespmem:$0x1FC50] =	vst v63  }
0x1c3: {  	(ifvalue) =	ssetifvalue $0xFFFFFFFF  }
0x1c4: {  	(ifvalue) =	ssetifvalue $0xFFFFFFFF  }
0x1c5: {  	[tilespmem:s16], [sflag:$0x2] =	stream.indirect.gather [spmem:s5], $0x1, s13, s25, $0x40b8;
	[tilespmem:$0x1FC50] =	vst v63  }
0x1c6: {  	(ifvalue) =	ssetifvalue $0xFFFFFFFF  }
0x1c7: {  	(ifvalue) =	ssetifvalue $0xFFFFFFFF  }
0x1c8: {  	[tilespmem:s19], [sflag:$0x2] =	stream.indirect.gather [spmem:s5], $0x1, s18, s25, $0x40b8;
	[tilespmem:$0x1FC50] =	vst v63  }
0x1c9: {  	_ =	swait.ge [sflag:s12], $0x80  }
0x1ca: {  	[sflag:s12] =	ssyncset.done $0x0  }
0x1cb: {  	[sflag:s12] =	ssyncadd.s32 $0xFFFFFF80  }
0x1cc: {  	_ =	swait.ge [sflag:s12], $0x80  }
0x1cd: {  	[sflag:s12] =	ssyncset.done $0x0  }
0x1ce: {  	[sflag:s12] =	ssyncadd.s32 $0xFFFFFF80  }
0x1cf: {  	_ =	swait.ge [sflag:s12], $0x80  }
0x1d0: {  	[sflag:s12] =	ssyncset.done $0x0  }
0x1d1: {  	[sflag:s12] =	ssyncadd.s32 $0xFFFFFF80  }
0x1d2: {  	_ =	swait.ge [sflag:s12], $0x80  }
0x1d3: {  	[sflag:s12] =	ssyncset.done $0x0  }
0x1d4: {  	[sflag:s12] =	ssyncadd.s32 $0xFFFFFF80  }
0x1d5: {  	_ =	swait.ge [sflag:s12], $0x80  }
0x1d6: {  	[sflag:s12] =	ssyncset.done $0x0  }
0x1d7: {  	[sflag:s12] =	ssyncadd.s32 $0xFFFFFF80  }
0x1d8: {  	_ =	swait.ge [sflag:s12], $0x80  }
0x1d9: {  	[sflag:s12] =	ssyncset.done $0x0  }
0x1da: {  	[sflag:s12] =	ssyncadd.s32 $0xFFFFFF80  }
0x1db: {  	_ =	swait.ge [sflag:s12], $0x80  }
0x1dc: {  	[sflag:s12] =	ssyncset.done $0x0  }
0x1dd: {  	[sflag:s12] =	ssyncadd.s32 $0xFFFFFF80  }
0x1de: {  	_ =	swait.ge [sflag:s12], $0x80  }
0x1df: {  	[sflag:s12] =	ssyncset.done $0x0  }
0x1e0: {  	s0 =	simm.s32 $0x0;
	[sflag:s12] =	ssyncadd.s32 $0xFFFFFF80  }
0x1e1: {  	v1 =	vld [tilespmem:s0+$0x1F450]  }
0x1e2: {  	v2 =	vld [tilespmem:s0+$0x1F650];
	_ =	sdelay $0x1  }
0x1e3: {  	v3 =	vld [tilespmem:s0+$0x1F850];
	_ =	sdelay $0x2  }
0x1e4: {  	v2 =	vmul.f32 v2, v1  }
0x1e5: {  	s8 =	simm.s32 $0x10  }
0x1e6: {  	s14 =	simm.s32 $0x40;
	s17 =	simm.s32 $0x80;
	s24 =	simm.s32 $0x0;
	v1 =	vld [tilespmem:s8+$0x1F450];
	v2 =	vadd.f32 v2, v3  }
.LBB2_27:
0x1e7: {  	p2 =	sne.s32 s17, $0x7C0;
	v3 =	vld [tilespmem:s8+$0x1F650]  }
0x1e8: {  	[tilespmem:s24+$0x1F850] =	vst v2;
	s24 =	smov.u32 s8  }
0x1e9: {  	v2 =	vld [tilespmem:s24+$0x1F850]  }
.Ltmp14:
0x1ea: {  	(pc) =	sbr.rel @p2 .LBB2_27-.Ltmp14, $4  }
0x1eb: {  	_ = 	snop  }
0x1ec: {  	v3 =	vmul.f32 v3, v1  }
0x1ed: {  	s8 =	sshra.s32 s17, $0x2  }
0x1ee: {  	s17 =	sadd.s32 $0x40, s17;
	v1 =	vld [tilespmem:s8+$0x1F450];
	v2 =	vadd.f32 v3, v2  }
0x1ef: {  	v3 =	vld [tilespmem:s8+$0x1F650]  }
0x1f0: {  	[tilespmem:s24+$0x1F850] =	vst v2  }
0x1f1: {  	v2 =	vld [tilespmem:s8+$0x1F850];
	_ =	sdelay $0x2  }
0x1f2: {  	v1 =	vmul.f32 v3, v1;
	_ =	sdelay $0x1  }
0x1f3: {  	v1 =	vadd.f32 v1, v2;
	_ =	sdelay $0x1  }
0x1f4: {  	[tilespmem:s8+$0x1F850] =	vst v1  }
0x1f5: {  	v1 =	vld [tilespmem:s0+$0x1EE50]  }
0x1f6: {  	v2 =	vld [tilespmem:s0+$0x1EA50]  }
.LBB2_29:
0x1f7: {  	p2 =	sne.s32 s14, $0x7C0  }
.Ltmp15:
0x1f8: {  	_ = 	snop;
	(pc) =	sbr.rel @p2 .LBB2_29-.Ltmp15, $4  }
0x1f9: {  	s8 =	sshra.s32 s14, $0x2;
	vm0 =	vlt.s32 v1, $0xEFFFF  }
0x1fa: {  	vm1 =	vlt.s32 v2, $0xEFFFF;
	v3 =	vnsel vm0, $0xEFFFF, v1;
	v1 =	vld [tilespmem:s8+$0x1EE50]  }
0x1fb: {  	v4 =	vnsel vm1, $0xEFFFF, v2;
	v2 =	vld [tilespmem:s8+$0x1EA50];
	[tilespmem:s0+$0x1F250] =	vst v3  }
0x1fc: {  	s14 =	sadd.s32 $0x40, s14;
	[tilespmem:s0+$0x1F050] =	vst v4;
	s0 =	smov.u32 s8  }
0x1fd: {  	_ =	sdelay $0x1  }
0x1fe: {  	vm0 =	vlt.s32 v1, $0xEFFFF  }
0x1ff: {  	vm1 =	vlt.s32 v2, $0xEFFFF;
	v1 =	vnsel vm0, $0xEFFFF, v1  }
0x200: {  	v2 =	vnsel vm1, $0xEFFFF, v2;
	[tilespmem:s0+$0x1F250] =	vst v1  }
0x201: {  	[tilespmem:s0+$0x1F050] =	vst v2  }
0x202: {  	[tilespmem:s30], [sflag:$0x2] =	stream.indirect.gather [spmem:s4], $0x1, s26, s25, $0xb8;
	[tilespmem:$0x1FC50] =	vst v63  }
0x203: {  	s30 =	simm.s32 $0x1F650  }
0x204: {  	[tilespmem:s30], [sflag:$0x2] =	stream.indirect.gather [spmem:s4], $0x1, s29, s25, $0xb8;
	[tilespmem:$0x1FC50] =	vst v63  }
0x205: {  	_ = 	snop  }
0x206: {  	[tilespmem:s1], [sflag:$0x2] =	stream.indirect.gather [spmem:s4], $0x1, s31, s25, $0xb8;
	[tilespmem:$0x1FC50] =	vst v63  }
0x207: {  	_ = 	snop  }
0x208: {  	[tilespmem:s22], [sflag:$0x2] =	stream.indirect.gather [spmem:s4], $0x1, s20, s25, $0xb8;
	[tilespmem:$0x1FC50] =	vst v63  }
0x209: {  	_ = 	snop  }
0x20a: {  	[tilespmem:s9], [sflag:$0x2] =	stream.indirect.gather [spmem:s4], $0x1, s6, s25, $0xb8;
	[tilespmem:$0x1FC50] =	vst v63  }
0x20b: {  	_ = 	snop  }
0x20c: {  	[tilespmem:s11], [sflag:$0x2] =	stream.indirect.gather [spmem:s4], $0x1, s10, s25, $0xb8;
	[tilespmem:$0x1FC50] =	vst v63  }
0x20d: {  	_ = 	snop  }
0x20e: {  	[tilespmem:s16], [sflag:$0x2] =	stream.indirect.gather [spmem:s4], $0x1, s13, s25, $0xb8;
	[tilespmem:$0x1FC50] =	vst v63  }
0x20f: {  	_ = 	snop  }
0x210: {  	[tilespmem:s19], [sflag:$0x2] =	stream.indirect.gather [spmem:s4], $0x1, s18, s25, $0xb8;
	[tilespmem:$0x1FC50] =	vst v63  }
0x211: {  	_ =	swait.ge [sflag:s12], $0x80  }
0x212: {  	[sflag:s12] =	ssyncset.done $0x0  }
0x213: {  	[sflag:s12] =	ssyncadd.s32 $0xFFFFFF80  }
0x214: {  	_ =	swait.ge [sflag:s12], $0x80  }
0x215: {  	[sflag:s12] =	ssyncset.done $0x0  }
0x216: {  	[sflag:s12] =	ssyncadd.s32 $0xFFFFFF80  }
0x217: {  	_ =	swait.ge [sflag:s12], $0x80  }
0x218: {  	[sflag:s12] =	ssyncset.done $0x0  }
0x219: {  	[sflag:s12] =	ssyncadd.s32 $0xFFFFFF80  }
0x21a: {  	_ =	swait.ge [sflag:s12], $0x80  }
0x21b: {  	[sflag:s12] =	ssyncset.done $0x0  }
0x21c: {  	[sflag:s12] =	ssyncadd.s32 $0xFFFFFF80  }
0x21d: {  	_ =	swait.ge [sflag:s12], $0x80  }
0x21e: {  	[sflag:s12] =	ssyncset.done $0x0  }
0x21f: {  	[sflag:s12] =	ssyncadd.s32 $0xFFFFFF80  }
0x220: {  	_ =	swait.ge [sflag:s12], $0x80  }
0x221: {  	[sflag:s12] =	ssyncset.done $0x0  }
0x222: {  	[sflag:s12] =	ssyncadd.s32 $0xFFFFFF80  }
0x223: {  	_ =	swait.ge [sflag:s12], $0x80  }
0x224: {  	[sflag:s12] =	ssyncset.done $0x0  }
0x225: {  	[sflag:s12] =	ssyncadd.s32 $0xFFFFFF80  }
0x226: {  	_ =	swait.ge [sflag:s12], $0x80  }
0x227: {  	[sflag:s12] =	ssyncset.done $0x0  }
0x228: {  	s0 =	simm.s32 $0x0;
	[sflag:s12] =	ssyncadd.s32 $0xFFFFFF80  }
0x229: {  	v1 =	vld [tilespmem:s0+$0x1EE50]  }
0x22a: {  	v2 =	vld [tilespmem:s0+$0x1EA50];
	_ =	sdelay $0x1  }
0x22b: {  	s8 =	simm.s32 $0x40  }
.LBB2_31:
0x22c: {  	p2 =	sne.s32 s8, $0x7C0  }
.Ltmp16:
0x22d: {  	s14 =	sshra.s32 s8, $0x2;
	s8 =	sadd.s32 $0x40, s8;
	vm0 =	vgt.s32 v1, $0xEFFFF;
	(pc) =	sbr.rel @p2 .LBB2_31-.Ltmp16, $4  }
0x22e: {  	vm1 =	vgt.s32 v2, $0xEFFFF;
	v3 =	vnsel vm0, $0xEFFFF, v1;
	v1 =	vld [tilespmem:s14+$0x1EE50]  }
0x22f: {  	v4 =	vnsel vm1, $0xEFFFF, v2;
	v2 =	vld [tilespmem:s14+$0x1EA50];
	v3 =	vadd.s32 $0xFFF10000, v3  }
0x230: {  	v4 =	vadd.s32 $0xFFF10000, v4;
	[tilespmem:s0+$0x1F250] =	vst v3  }
0x231: {  	[tilespmem:s0+$0x1F050] =	vst v4;
	s0 =	smov.u32 s14  }
0x232: {  	_ = 	snop  }
0x233: {  	vm0 =	vgt.s32 v1, $0xEFFFF  }
0x234: {  	vm1 =	vgt.s32 v2, $0xEFFFF;
	v1 =	vnsel vm0, $0xEFFFF, v1  }
0x235: {  	v2 =	vnsel vm1, $0xEFFFF, v2;
	v1 =	vadd.s32 $0xFFF10000, v1  }
0x236: {  	v2 =	vadd.s32 $0xFFF10000, v2;
	[tilespmem:s0+$0x1F250] =	vst v1  }
0x237: {  	[tilespmem:s0+$0x1F050] =	vst v2;
	(ifvalue) =	ssetifvalue $0xFFFFFFFF  }
0x238: {  	s14 =	simm.s32 $0x1F450;
	(ifvalue) =	ssetifvalue $0xFFFFFFFF  }
0x239: {  	[tilespmem:s14], [sflag:$0x2] =	stream.indirect.gather [spmem:s5], $0x1, s26, s25, $0x40b8;
	[tilespmem:$0x1FC50] =	vst v63  }
0x23a: {  	(ifvalue) =	ssetifvalue $0xFFFFFFFF  }
0x23b: {  	s0 =	simm.s32 $0x1F650;
	(ifvalue) =	ssetifvalue $0xFFFFFFFF  }
0x23c: {  	[tilespmem:s0], [sflag:$0x2] =	stream.indirect.gather [spmem:s5], $0x1, s29, s25, $0x40b8;
	[tilespmem:$0x1FC50] =	vst v63  }
0x23d: {  	(ifvalue) =	ssetifvalue $0xFFFFFFFF  }
0x23e: {  	(ifvalue) =	ssetifvalue $0xFFFFFFFF  }
0x23f: {  	[tilespmem:s1], [sflag:$0x2] =	stream.indirect.gather [spmem:s5], $0x1, s31, s25, $0x40b8;
	[tilespmem:$0x1FC50] =	vst v63  }
0x240: {  	(ifvalue) =	ssetifvalue $0xFFFFFFFF  }
0x241: {  	(ifvalue) =	ssetifvalue $0xFFFFFFFF  }
0x242: {  	[tilespmem:s22], [sflag:$0x2] =	stream.indirect.gather [spmem:s5], $0x1, s20, s25, $0x40b8;
	[tilespmem:$0x1FC50] =	vst v63  }
0x243: {  	(ifvalue) =	ssetifvalue $0xFFFFFFFF  }
0x244: {  	(ifvalue) =	ssetifvalue $0xFFFFFFFF  }
0x245: {  	[tilespmem:s9], [sflag:$0x2] =	stream.indirect.gather [spmem:s5], $0x1, s6, s25, $0x40b8;
	[tilespmem:$0x1FC50] =	vst v63  }
0x246: {  	(ifvalue) =	ssetifvalue $0xFFFFFFFF  }
0x247: {  	(ifvalue) =	ssetifvalue $0xFFFFFFFF  }
0x248: {  	[tilespmem:s11], [sflag:$0x2] =	stream.indirect.gather [spmem:s5], $0x1, s10, s25, $0x40b8;
	[tilespmem:$0x1FC50] =	vst v63  }
0x249: {  	(ifvalue) =	ssetifvalue $0xFFFFFFFF  }
0x24a: {  	(ifvalue) =	ssetifvalue $0xFFFFFFFF  }
0x24b: {  	[tilespmem:s16], [sflag:$0x2] =	stream.indirect.gather [spmem:s5], $0x1, s13, s25, $0x40b8;
	[tilespmem:$0x1FC50] =	vst v63  }
0x24c: {  	(ifvalue) =	ssetifvalue $0xFFFFFFFF  }
0x24d: {  	(ifvalue) =	ssetifvalue $0xFFFFFFFF  }
0x24e: {  	[tilespmem:s19], [sflag:$0x2] =	stream.indirect.gather [spmem:s5], $0x1, s18, s25, $0x40b8;
	[tilespmem:$0x1FC50] =	vst v63  }
0x24f: {  	_ =	swait.ge [sflag:s12], $0x80  }
0x250: {  	[sflag:s12] =	ssyncset.done $0x0  }
0x251: {  	[sflag:s12] =	ssyncadd.s32 $0xFFFFFF80  }
0x252: {  	_ =	swait.ge [sflag:s12], $0x80  }
0x253: {  	[sflag:s12] =	ssyncset.done $0x0  }
0x254: {  	[sflag:s12] =	ssyncadd.s32 $0xFFFFFF80  }
0x255: {  	_ =	swait.ge [sflag:s12], $0x80  }
0x256: {  	[sflag:s12] =	ssyncset.done $0x0  }
0x257: {  	[sflag:s12] =	ssyncadd.s32 $0xFFFFFF80  }
0x258: {  	_ =	swait.ge [sflag:s12], $0x80  }
0x259: {  	[sflag:s12] =	ssyncset.done $0x0  }
0x25a: {  	[sflag:s12] =	ssyncadd.s32 $0xFFFFFF80  }
0x25b: {  	_ =	swait.ge [sflag:s12], $0x80  }
0x25c: {  	[sflag:s12] =	ssyncset.done $0x0  }
0x25d: {  	[sflag:s12] =	ssyncadd.s32 $0xFFFFFF80  }
0x25e: {  	_ =	swait.ge [sflag:s12], $0x80  }
0x25f: {  	[sflag:s12] =	ssyncset.done $0x0  }
0x260: {  	[sflag:s12] =	ssyncadd.s32 $0xFFFFFF80  }
0x261: {  	_ =	swait.ge [sflag:s12], $0x80  }
0x262: {  	[sflag:s12] =	ssyncset.done $0x0  }
0x263: {  	[sflag:s12] =	ssyncadd.s32 $0xFFFFFF80  }
0x264: {  	_ =	swait.ge [sflag:s12], $0x80  }
0x265: {  	[sflag:s12] =	ssyncset.done $0x0  }
0x266: {  	[sflag:s12] =	ssyncadd.s32 $0xFFFFFF80  }
0x267: {  	v1 =	vld [tilespmem:s14+$0x0]  }
0x268: {  	s8 =	simm.s32 $0x0;
	s17 =	simm.s32 $0x10;
	v2 =	vld [tilespmem:s0+$0x0]  }
.LBB2_33:
0x269: {  	p2 =	sne.s32 s17, $0x1F0;
	s24 =	sand.u32 $0x1F0, s8;
	s8 =	smov.u32 s17  }
0x26a: {  	v3 =	vld [tilespmem:s24+$0x1FA50];
	_ =	sdelay $0x2  }
0x26b: {  	v1 =	vmul.f32 v2, v1;
	_ =	sdelay $0x1  }
.Ltmp17:
0x26c: {  	v1 =	vadd.f32 v1, v3;
	(pc) =	sbr.rel @p2 .LBB2_33-.Ltmp17, $4  }
0x26d: {  	_ = 	snop  }
0x26e: {  	s14 =	sadd.s32 $0x10, s14;
	[tilespmem:s24+$0x1FA50] =	vst v1  }
0x26f: {  	s0 =	sadd.s32 $0x10, s0;
	v1 =	vld [tilespmem:s14+$0x0]  }
0x270: {  	s17 =	sadd.s32 $0x10, s17;
	v2 =	vld [tilespmem:s0+$0x0]  }
0x271: {  	s0 =	sand.u32 $0x1F0, s8  }
0x272: {  	v3 =	vld [tilespmem:s0+$0x1FA50]  }
0x273: {  	s8 =	sadd.s32 @!p1 $0x3, s15  }
0x274: {  	s15 =	rddreg [dreg:$0x12];
	s14 =	sshrl.u32 @!p1 s8, $0x3  }
0x275: {  	s14 =	sadd.s32 @!p1 s15, s14;
	v1 =	vmul.f32 v2, v1  }
0x276: {  	s14 =	smul.u32 @!p1 $0x7A1400, s14  }
0x277: {  	s8 =	sshll.u32 @!p1 s8, $0x7;
	s15 =	rddreg [dreg:$0x9];
	v1 =	vadd.f32 v1, v3  }
0x278: {  	s17 =	simm.s32 @!p1 $0x1;
	s8 =	sand.u32 @!p1 $0x380, s8;
	s15 =	sadd.s32 @!p1 s15, s14  }
0x279: {  	s24 =	simm.s32 @!p1 $0x10;
	s30 =	smov.u32 s28;
	[tilespmem:s0+$0x1FA50] =	vst v1;
	s0 =	sor.u32 @!p1 s8, s15  }
0x27a: {  	s15 =	stileid.u32;
	[bflag:$0x0] =	sbarrier.arrive $0xFFFF;
	s0 =	sshrl.u32 @!p1 s0, $0x3  }
0x27b: {  	p2 =	sne.s32 @!p1 s15, $0x0;
	s0 =	sadd.s32 @!p1 s28, s0;
	s15 =	rddreg [dreg:$0xf]  }
0x27c: {  	s28 =	simm.s32 @!p1 $0x80;
	p2 =	por p2, p1;
	s15 =	sshrl.u32 @!p1 s15, $0x3  }
0x27d: {  	[spmem:s15@s24], [sflag:s21] =	dma.strided @!p1 [hbm:s0@s28], $0x1E00, s17, $0x10   }
0x27e: {  	s0 =	sadd.s32 @!p2 s8, s14  }
0x27f: {  	s0 =	sadd.s32 @!p2 $0x780000, s0  }
0x280: {  	s8 =	sshrl.u32 @!p2 s5, $0x3;
	s14 =	simm.s32 @!p2 $0x1;
	s0 =	sshrl.u32 @!p2 s0, $0x3  }
0x281: {  	s15 =	simm.s32 @!p2 $0x10;
	s17 =	simm.s32 @!p2 $0x80;
	s0 =	sadd.s32 @!p2 s30, s0  }
0x282: {  	[spmem:s8@s15], [sflag:s21] =	dma.strided @!p2 [hbm:s0@s17], $0x850, s14, $0x10   }
0x283: {  	p2 =	sne.s32 @!p1 s7, $0x8  }
0x284: {  	p1 =	por p1, !p2  }
.Ltmp18:
0x285: {  	_ = 	snop;
	(pc) =	sbr.rel @!p1 .LBB2_4-.Ltmp18, $2  }
0x286: {  	_ =	sdelay $0x2  }
0x287: {  	s28 =	smov.u32 s30;
	s30 =	simm.s32 $0x1F450  }
0x288: {  	s0 =	rddreg [dreg:$0x13]  }
0x289: {  	s7 =	simm.s32 $0x100;
	s8 =	simm.s32 $0x1F850;
	s14 =	simm.s32 $0x3  }
0x28a: {  	[hbm4b:s0+s25] =	stream.strided.scatter [tilespmem:s8], [sflag:$0x3], $0x400, s7, s25, $0x38;
	[tilespmem:$0x1FC50] =	vst v63  }
0x28b: {  	_ =	swait.ge [sflag:s14], $0x400  }
0x28c: {  	s21 =	rddreg [dreg:$0x15]  }
0x28d: {  	s24 =	rddreg [dreg:$0x14];
	s7 =	sadd.s32 $0x1, s21  }
0x28e: {  	p1 =	sne.s32 s7, s24  }
.Ltmp19:
0x28f: {  	_ = 	snop;
	(pc) =	sbr.rel @p1 .LBB2_1-.Ltmp19, $3  }
0x290: {  	_ =	sdelay $0x1  }
0x291: {  	[sflag:s14] =	ssyncset.done $0x0  }
0x292: {  	[sflag:s14] =	ssyncadd.s32 $0xFFFFFC00  }
0x293: {  	_ =	sfence.sel $0x180000  }
0x294: {  	[bflag:$0x0] =	sbarrier.arrive $0xFFFF  }
0x295: {  	_ =	strace $0x90000047  }
0x296: {  	[bflag:$0x2] =	sbarrier.arrive $0xFFFF  }
0x297: {  	s0 =	rddreg [dreg:$0x8]  }
0x298: {  	s0 =	sadd.s32 @!p0 $0x100000, s0  }
0x299: {  	[sflag:s0] =	ssyncadd.tile.s32 @!p0 $0x1;
	_ =	shalt  }
.Lfunc_end2:
_tile_overlayer_lowered:
.L_overlay_start_2:
0x29a: {  	(tag) =	ssettag $0x2  }
0x29b: {  	s0 =	rddreg [dreg:$0x0];
	s2 =	stileid.u32  }
0x29c: {  	s1 =	rddreg [dreg:$0x1];
	p0 =	sne.s32 s2, $0x0  }
0x29d: {  	s3 =	rddreg [dreg:$0x2];
	[bflag:$0x3] =	sbarrier.arrive $0xFFFF;
	s2 =	simm.s32 @!p0 $0x1C03  }
0x29e: {  	[timem:s3], [sflag:s2] =	dma.local @!p0 [hbm:s0], s1  }
0x29f: {  	s0 =	simm.s32 @!p0 $0x3  }
0x2a0: {  	_ =	swait.ge @!p0 [sflag:s0], s1  }
0x2a1: {  	s1 =	ssub.s32 @!p0 $0x0, s1;
	[sflag:s0] =	ssyncset.done @!p0 $0x0  }
0x2a2: {  	[sflag:s0] =	ssyncadd.s32 @!p0 s1  }
0x2a3: {  	[bflag:$0x3] =	sbarrier.arrive $0xFFFF  }
0x2a4: {  	_ =	shalt  }

</sc_bundles>
